<compile_context>
chip_gen: v7x
topology: tpu7x:2x2x1
jax: 0.10.2.dev20260603
libtpu: 0.0.44.dev20260713+nightly
codegen_flags: <defaults>
</compile_context>

<pallas_src>
import jax
import jax.numpy as jnp
from jax import lax
from jax.experimental import pallas as pl
from jax.experimental.pallas import tpu as pltpu
from jax.experimental.pallas import tpu_sc as plsc

F = 26
B = 4096
D = 32
NB = F * B
TI = NB * 2
NBH = NB // 2
NS = 16
VPT = TI // NS
OPT = NB // NS
BPT = NBH // NS
SC_ = 1024
NSC = VPT // SC_
NG = SC_ // 128
WCH = 128
NWCH = BPT // WCH
W = TI // 2
WPT = W // NS


def _cumsum16(v, iota):
    for k in (1, 2, 4, 8):
        v = v + jnp.where(iota >= k,
                          jnp.take(v, jnp.maximum(iota - k, 0), mode="wrap"), 0)
    return v


def _body(values, offsets, table, zrows, zwords, ones_h, out, seg,
          acc, dwin, tsums, vbuf, vals1, segb, idx2d, wbuf, tbuf, tv16,
          ones_v, semv, semg0, semg1, sems0, sems1):
    c = lax.axis_index("c")
    s = lax.axis_index("s")
    iota = lax.iota(jnp.int32, 16)
    semg = (semg0, semg1)
    sems = (sems0, sems1)

    def zero_dwin():
        pltpu.sync_copy(zwords, dwin.at[pl.ds(s * WPT, WPT)])
        @pl.when(s == 0)
        def _():
            pltpu.sync_copy(zwords.at[pl.ds(0, 16)], dwin.at[pl.ds(W, 16)])

    _sc_init = jax.named_scope("ph_init"); _sc_init.__enter__()
    pltpu.sync_copy(ones_h, ones_v)
    for i in range(3):
        pltpu.sync_copy(zrows, acc.at[pl.ds(s * BPT + i * 1024, 1024)])
    pltpu.sync_copy(zrows.at[pl.ds(0, 256)], acc.at[pl.ds(s * BPT + 3072, 256)])
    zero_dwin()
    plsc.subcore_barrier()
    _sc_init.__exit__(None, None, None)

    for r in (0, 1):
        _sc_h = jax.named_scope("ph_hist%d" % r); _sc_h.__enter__()
        NOI = OPT // 256

        def h_load(i, p):
            pos = s * OPT + i * 256
            for j in range(2):
                pltpu.async_copy(offsets.at[pl.ds(pos + j * 128, 128)],
                                 idx2d.at[2 * p + j], semv)

        def h_wload(p):
            for j in range(2):
                pltpu.make_async_copy(offsets.at[pl.ds(0, 128)],
                                      idx2d.at[2 * p + j], semv).wait()

        def h_wscat(p):
            for j in range(2):
                pltpu.make_async_copy(ones_v, dwin.at[pl.ds(0, 128)],
                                      sems0).wait()

        h_load(0, 0)

        def off_it(i, t):
            p = i & 1
            @pl.when(i > 0)
            def _():
                h_wscat(1 - p)
            h_wload(p)
            @pl.when(i < NOI - 1)
            def _():
                h_load(i + 1, 1 - p)
            def tr_it(k, t2):
                row = 2 * p + (k >> 3)
                v = idx2d[row, pl.ds((k & 7) * 16, 16)]
                d = v - r * W
                idx2d[row, pl.ds((k & 7) * 16, 16)] = jnp.where(
                    d < 0, W, jnp.minimum(d, W))
                return t2
            lax.fori_loop(0, 16, tr_it, 0)
            for j in range(2):
                pltpu.async_copy(ones_v, dwin.at[idx2d.at[2 * p + j]],
                                 sems0, add=True)
            return t
        lax.fori_loop(0, NOI, off_it, 0)
        h_wscat((NOI - 1) & 1)
        plsc.subcore_barrier()
        _sc_h.__exit__(None, None, None)
        _sc_cs = jax.named_scope("ph_cumsum%d" % r); _sc_cs.__enter__()

        @pl.when((s >= 8 * r) & (s < 8 * (r + 1)))
        def _():
            base = (s - 8 * r) * VPT
            def seg_it(q, carry_v):
                pltpu.sync_copy(dwin.at[pl.ds(base + q * SC_, SC_)], wbuf)
                def cs_it(g, cv):
                    v = _cumsum16(wbuf[pl.ds(g * 16, 16)], iota) + cv
                    wbuf[pl.ds(g * 16, 16)] = v
                    return jnp.take(v, iota * 0 + 15, mode="wrap")
                carry_v = lax.fori_loop(0, SC_ // 16, cs_it, carry_v)
                pltpu.sync_copy(wbuf, seg.at[c, pl.ds(s * VPT + q * SC_, SC_)])
                return carry_v
            carry_v = lax.fori_loop(0, NSC, seg_it, jnp.zeros((16,), jnp.int32))
            tv16[...] = carry_v
            pltpu.sync_copy(tv16, tsums.at[s])
        plsc.subcore_barrier()
        _sc_cs.__exit__(None, None, None)

        if r == 0:
            zero_dwin()
            plsc.subcore_barrier()

    pltpu.sync_copy(tsums, tbuf)
    totv = jnp.zeros((16,), jnp.int32)
    for l in range(16):
        totv = jnp.where(iota == l, tbuf[l, pl.ds(0, 16)], totv)
    mbv = jnp.where(iota < s, totv, 0)
    for k in (1, 2, 4, 8):
        mbv = mbv + jnp.take(mbv, iota ^ k, mode="wrap")
    adjv = mbv + (-1 - c * NBH)

    def fire_fetch(i, p):
        pos = s * VPT + i * SC_
        pltpu.async_copy(values.at[pl.ds(pos, SC_)],
                         vals1.at[pl.ds(p * SC_, SC_)], semv)
        pltpu.async_copy(seg.at[c, pl.ds(pos, SC_)],
                         segb.at[pl.ds(p * SC_, SC_)], semv)

    def wait_fetch(p):
        for _ in range(2):
            pltpu.make_async_copy(values.at[pl.ds(0, SC_)],
                                  vals1.at[pl.ds(p * SC_, SC_)], semv).wait()

    _sc_m = jax.named_scope("ph_main"); _sc_m.__enter__()
    fire_fetch(0, 0)

    def main_it(i, t):
        p = i & 1
        pb = p * SC_
        wait_fetch(p)
        @pl.when(i < NSC - 1)
        def _():
            fire_fetch(i + 1, 1 - p)

        def gath(g):
            return pltpu.async_copy(
                table.at[vals1.at[pl.ds(pb + g * 128, 128)]],
                vbuf.at[pl.ds((g & 1) * 128, 128)], semg[g & 1])

        def scat(g):
            return pltpu.async_copy(
                vbuf.at[pl.ds((g & 1) * 128, 128)],
                acc.at[idx2d.at[g]], sems[g & 1], add=True)

        dg = {0: gath(0), 1: gath(1)}
        ds_ = {}
        for g in range(NG):
            def idxc(k, t2):
                d = segb[pl.ds(pb + g * 128 + k * 16, 16)] + adjv
                ok = (d >= 0) & (d < NBH)
                idx2d[g, pl.ds(k * 16, 16)] = jnp.where(ok, d, NBH)
                return t2
            lax.fori_loop(0, 8, idxc, 0)
            dg[g].wait()
            ds_[g] = scat(g)
            if g + 2 < NG:
                ds_[g].wait()
                dg[g + 2] = gath(g + 2)
        ds_[NG - 2].wait()
        ds_[NG - 1].wait()
        return t
    lax.fori_loop(0, NSC, main_it, 0)
    plsc.subcore_barrier()
    _sc_m.__exit__(None, None, None)
    _sc_w = jax.named_scope("ph_writeout"); _sc_w.__enter__()

    def w_read(i, p):
        pltpu.async_copy(acc.at[pl.ds(s * BPT + i * 128, 128)],
                         vbuf.at[pl.ds(p * 128, 128)], semg[p])

    def w_wread(p):
        pltpu.make_async_copy(acc.at[pl.ds(0, 128)],
                              vbuf.at[pl.ds(p * 128, 128)], semg[p]).wait()

    def w_wscat(p):
        pltpu.make_async_copy(vbuf.at[pl.ds(p * 128, 128)],
                              out.at[pl.ds(0, 128)], sems[p]).wait()

    w_read(0, 0)
    w_read(1, 1)

    def wr_it(ii, t):
        for p in (0, 1):
            g = 2 * ii + p

            def didx_it(k, t2):
                gv = (c * NBH + s * BPT + g * 128 + k * 16) + iota
                fv = gv >> 12
                bv = gv & (B - 1)
                idx2d[p, pl.ds(k * 16, 16)] = bv * F + fv
                return t2
            lax.fori_loop(0, 8, didx_it, 0)
            w_wread(p)
            pltpu.async_copy(vbuf.at[pl.ds(p * 128, 128)],
                             out.at[idx2d.at[p]], sems[p])
            @pl.when(g < NWCH - 2)
            def _():
                w_wscat(p)
                w_read(g + 2, p)
        return t
    lax.fori_loop(0, NWCH // 2, wr_it, 0)
    w_wscat(0)
    w_wscat(1)
    _sc_w.__exit__(None, None, None)


_fused = pl.kernel(
    _body,
    out_type=(jax.ShapeDtypeStruct((NB, D), jnp.float32),
              jax.ShapeDtypeStruct((2, TI), jnp.int32)),
    mesh=plsc.VectorSubcoreMesh(core_axis_name="c", subcore_axis_name="s"),
    compiler_params=pltpu.CompilerParams(use_tc_tiling_on_sc=False),
    scratch_types=[
        pltpu.VMEM_SHARED((NBH + 16, D), jnp.float32),
        pltpu.VMEM_SHARED((W + 16,), jnp.int32),
        pltpu.VMEM_SHARED((16, 16), jnp.int32),
        pltpu.VMEM((256, D), jnp.float32),
        pltpu.VMEM((2 * SC_,), jnp.int32),
        pltpu.VMEM((2 * SC_,), jnp.int32),
        pltpu.VMEM((NG, 128), jnp.int32),
        pltpu.VMEM((SC_,), jnp.int32),
        pltpu.VMEM((16, 16), jnp.int32),
        pltpu.VMEM((16,), jnp.int32),
        pltpu.VMEM((128,), jnp.int32),
        pltpu.SemaphoreType.DMA,
        pltpu.SemaphoreType.DMA,
        pltpu.SemaphoreType.DMA,
        pltpu.SemaphoreType.DMA,
        pltpu.SemaphoreType.DMA,
    ],
)


@jax.jit
def kernel(values, offsets, table):
    zrows = jnp.zeros((1024, D), jnp.float32)
    zwords = jnp.zeros((WPT,), jnp.int32)
    ones_h = jnp.ones((128,), jnp.int32)
    out2d, _ = _fused(values, offsets, table, zrows, zwords, ones_h)
    return out2d.reshape(B, F, D)

# --- scband reference (transcript-rebuilt; emitter-appended) ---
"""Pipeline reference for scband-fused-sparse-modules-9242769621991 (READ-ONLY COPY).

The authoritative reference and input builder live on the scoring server;
editing this copy changes nothing except your own understanding.
"""

import jax, jax.numpy as jnp
import numpy as np

F = 26           # n_sparse_fields
B = 4096         # batch size
D = 32           # embedding_dim
VOCAB_PER = 100000
TOTAL_VOCAB = F * VOCAB_PER   # 2,600,000 (fused table: sum(num_embeddings_per_feature))
NUM_BAGS = F * B              # 106,496 bags (KJT is feature-major: all of key0's batch, then key1, ...)
TOTAL_IDX = NUM_BAGS * 2      # 212,992 flat jagged values (avg pooling factor 2)


def setup_inputs(seed: int = 0) -> dict:
    key = jax.random.key(seed)
    k1, k2, k3 = jax.random.split(key, 3)
    # flat jagged indices into the fused embedding table
    values = jax.random.randint(k1, (TOTAL_IDX,), 0, TOTAL_VOCAB, dtype=jnp.int32)
    # offsets with include_last_offset=True semantics: [0, ..., TOTAL_IDX], len = NUM_BAGS + 1
    inner = jnp.sort(jax.random.randint(k2, (NUM_BAGS - 1,), 0, TOTAL_IDX + 1, dtype=jnp.int32))
    offsets = jnp.concatenate([
        jnp.zeros((1,), dtype=jnp.int32),
        inner,
        jnp.array([TOTAL_IDX], dtype=jnp.int32),
    ])
    # learned parameter: fused embedding table (ParallelCachedEmbeddingBag weight)
    table = jax.random.normal(k3, (TOTAL_VOCAB, D), dtype=jnp.float32) * 0.01
    return {"values": values, "offsets": offsets, "table": table}


def reference(values, offsets, table):
    # EmbeddingBag(mode='sum', include_last_offset=True) over jagged values,
    # followed by sparse_embedding_shape_hook:
    #   embeddings.view(feature_size, batch_size, -1).transpose(0, 1)
    total = values.shape[0]
    # segment id of each flat value: number of offsets <= i, minus 1
    pos = jnp.arange(total, dtype=offsets.dtype)
    seg = jnp.searchsorted(offsets, pos, side='right') - 1
    gathered = jnp.take(table, values, axis=0)                      # [TOTAL_IDX, D] gather
    bags = jax.ops.segment_sum(gathered, seg, num_segments=NUM_BAGS)  # [F*B, D] scatter-add
    out = bags.reshape(F, B, D).transpose(1, 0, 2)                  # [B, F, D]
    return out

if __name__ == "__main__":
    import jax
    _d = setup_inputs()
    print(jax.jit(kernel)(*tuple(_d.values())))

</pallas_src>

<mosaic_0001>
#map = affine_map<(d0, d1) -> (0)>
#map1 = affine_map<(d0, d1) -> (0, 0)>
module attributes {stable_mosaic.version = 14 : i64} {
  func.func @_body(%arg0: i32, %arg1: i32, %arg2: memref<212992xi32, #tpu.memory_space<hbm>>, %arg3: memref<106497xi32, #tpu.memory_space<hbm>>, %arg4: memref<2600000x32xf32, #tpu.memory_space<hbm>>, %arg5: memref<1024x32xf32, #tpu.memory_space<hbm>>, %arg6: memref<6656xi32, #tpu.memory_space<hbm>>, %arg7: memref<128xi32, #tpu.memory_space<hbm>>, %arg8: memref<106496x32xf32, #tpu.memory_space<hbm>>, %arg9: memref<2x212992xi32, #tpu.memory_space<hbm>>, %arg10: memref<53264x32xf32, #tpu.memory_space<vmem_shared>>, %arg11: memref<106512xi32, #tpu.memory_space<vmem_shared>>, %arg12: memref<16x16xi32, #tpu.memory_space<vmem_shared>>, %arg13: memref<256x32xf32, #tpu.memory_space<vmem>>, %arg14: memref<2048xi32, #tpu.memory_space<vmem>>, %arg15: memref<2048xi32, #tpu.memory_space<vmem>>, %arg16: memref<8x128xi32, #tpu.memory_space<vmem>>, %arg17: memref<1024xi32, #tpu.memory_space<vmem>>, %arg18: memref<16x16xi32, #tpu.memory_space<vmem>>, %arg19: memref<16xi32, #tpu.memory_space<vmem>>, %arg20: memref<128xi32, #tpu.memory_space<vmem>>, %arg21: memref<!tpu.dma_semaphore, #tpu.memory_space<semaphore_mem>>, %arg22: memref<!tpu.dma_semaphore, #tpu.memory_space<semaphore_mem>>, %arg23: memref<!tpu.dma_semaphore, #tpu.memory_space<semaphore_mem>>, %arg24: memref<!tpu.dma_semaphore, #tpu.memory_space<semaphore_mem>>, %arg25: memref<!tpu.dma_semaphore, #tpu.memory_space<semaphore_mem>>) attributes {dimension_semantics = [#tpu.dimension_semantics<core_parallel>, #tpu.dimension_semantics<subcore_parallel>], iteration_bounds = array<i64: 2, 16>, scalar_prefetch = 0 : i64, scratch_operands = 16 : i64, tpu.core_type = #tpu.core_type<sc_vector_subcore>, window_params = [{transform_indices = #map}, {transform_indices = #map}, {transform_indices = #map1}, {transform_indices = #map1}, {transform_indices = #map}, {transform_indices = #map}, {transform_indices = #map1}, {transform_indices = #map1}]} {
    %iota3A = tpu.iota {dimensions = array<i32: 0>} : vector<16xi32>
    "tpu.trace_start"() <{level = 10 : i32, message = "ph_init"}> : () -> ()
    "tpu.region"() ({
      %run_scoped3A = tpu.sem_alloc : memref<!tpu.dma_semaphore, #tpu.memory_space<semaphore_mem>>
      tpu.enqueue_dma source(%arg7 : memref<128xi32, #tpu.memory_space<hbm>>) target(%arg20 : memref<128xi32, #tpu.memory_space<vmem>>) target_semaphore(%run_scoped3A : memref<!tpu.dma_semaphore, #tpu.memory_space<semaphore_mem>>)
      tpu.wait_dma2 semaphore(%run_scoped3A : memref<!tpu.dma_semaphore, #tpu.memory_space<semaphore_mem>>) src(%arg7 : memref<128xi32, #tpu.memory_space<hbm>>) dst(%arg20 : memref<128xi32, #tpu.memory_space<vmem>>)
      tpu.yield
    }) : () -> ()
    %mul3A = arith.constant 3328 : i32
    %mul3A_0 = arith.muli %arg1, %mul3A : i32
    %add3A = arith.constant 0 : i32
    %add3A_1 = arith.addi %mul3A_0, %add3A : i32
    "tpu.region"() ({
      %run_scoped3A = tpu.sem_alloc : memref<!tpu.dma_semaphore, #tpu.memory_space<semaphore_mem>>
      %dma_start3A_467 = arith.constant 0 : i32
      %dma_start3A_468 = tpu.memref_slice %arg10[%add3A_1, %dma_start3A_467] : memref<53264x32xf32, #tpu.memory_space<vmem_shared>> -> memref<1024x32xf32, #tpu.memory_space<vmem_shared>>
      tpu.enqueue_dma source(%arg5 : memref<1024x32xf32, #tpu.memory_space<hbm>>) target(%dma_start3A_468 : memref<1024x32xf32, #tpu.memory_space<vmem_shared>>) target_semaphore(%run_scoped3A : memref<!tpu.dma_semaphore, #tpu.memory_space<semaphore_mem>>)
      %dma_wait3A_469 = arith.constant 0 : i32
      %dma_wait3A_470 = tpu.memref_slice %arg10[%add3A_1, %dma_wait3A_469] : memref<53264x32xf32, #tpu.memory_space<vmem_shared>> -> memref<1024x32xf32, #tpu.memory_space<vmem_shared>>
      tpu.wait_dma2 semaphore(%run_scoped3A : memref<!tpu.dma_semaphore, #tpu.memory_space<semaphore_mem>>) src(%arg5 : memref<1024x32xf32, #tpu.memory_space<hbm>>) dst(%dma_wait3A_470 : memref<1024x32xf32, #tpu.memory_space<vmem_shared>>)
      tpu.yield
    }) : () -> ()
    %mul3A_2 = arith.constant 3328 : i32
    %mul3A_3 = arith.muli %arg1, %mul3A_2 : i32
    %add3A_4 = arith.constant 1024 : i32
    %add3A_5 = arith.addi %mul3A_3, %add3A_4 : i32
    "tpu.region"() ({
      %run_scoped3A = tpu.sem_alloc : memref<!tpu.dma_semaphore, #tpu.memory_space<semaphore_mem>>
      %dma_start3A_467 = arith.constant 0 : i32
      %dma_start3A_468 = tpu.memref_slice %arg10[%add3A_5, %dma_start3A_467] : memref<53264x32xf32, #tpu.memory_space<vmem_shared>> -> memref<1024x32xf32, #tpu.memory_space<vmem_shared>>
      tpu.enqueue_dma source(%arg5 : memref<1024x32xf32, #tpu.memory_space<hbm>>) target(%dma_start3A_468 : memref<1024x32xf32, #tpu.memory_space<vmem_shared>>) target_semaphore(%run_scoped3A : memref<!tpu.dma_semaphore, #tpu.memory_space<semaphore_mem>>)
      %dma_wait3A_469 = arith.constant 0 : i32
      %dma_wait3A_470 = tpu.memref_slice %arg10[%add3A_5, %dma_wait3A_469] : memref<53264x32xf32, #tpu.memory_space<vmem_shared>> -> memref<1024x32xf32, #tpu.memory_space<vmem_shared>>
      tpu.wait_dma2 semaphore(%run_scoped3A : memref<!tpu.dma_semaphore, #tpu.memory_space<semaphore_mem>>) src(%arg5 : memref<1024x32xf32, #tpu.memory_space<hbm>>) dst(%dma_wait3A_470 : memref<1024x32xf32, #tpu.memory_space<vmem_shared>>)
      tpu.yield
    }) : () -> ()
    %mul3A_6 = arith.constant 3328 : i32
    %mul3A_7 = arith.muli %arg1, %mul3A_6 : i32
    %add3A_8 = arith.constant 2048 : i32
    %add3A_9 = arith.addi %mul3A_7, %add3A_8 : i32
    "tpu.region"() ({
      %run_scoped3A = tpu.sem_alloc : memref<!tpu.dma_semaphore, #tpu.memory_space<semaphore_mem>>
      %dma_start3A_467 = arith.constant 0 : i32
      %dma_start3A_468 = tpu.memref_slice %arg10[%add3A_9, %dma_start3A_467] : memref<53264x32xf32, #tpu.memory_space<vmem_shared>> -> memref<1024x32xf32, #tpu.memory_space<vmem_shared>>
      tpu.enqueue_dma source(%arg5 : memref<1024x32xf32, #tpu.memory_space<hbm>>) target(%dma_start3A_468 : memref<1024x32xf32, #tpu.memory_space<vmem_shared>>) target_semaphore(%run_scoped3A : memref<!tpu.dma_semaphore, #tpu.memory_space<semaphore_mem>>)
      %dma_wait3A_469 = arith.constant 0 : i32
      %dma_wait3A_470 = tpu.memref_slice %arg10[%add3A_9, %dma_wait3A_469] : memref<53264x32xf32, #tpu.memory_space<vmem_shared>> -> memref<1024x32xf32, #tpu.memory_space<vmem_shared>>
      tpu.wait_dma2 semaphore(%run_scoped3A : memref<!tpu.dma_semaphore, #tpu.memory_space<semaphore_mem>>) src(%arg5 : memref<1024x32xf32, #tpu.memory_space<hbm>>) dst(%dma_wait3A_470 : memref<1024x32xf32, #tpu.memory_space<vmem_shared>>)
      tpu.yield
    }) : () -> ()
    %mul3A_10 = arith.constant 3328 : i32
    %mul3A_11 = arith.muli %arg1, %mul3A_10 : i32
    %add3A_12 = arith.constant 3072 : i32
    %add3A_13 = arith.addi %mul3A_11, %add3A_12 : i32
    "tpu.region"() ({
      %run_scoped3A = tpu.sem_alloc : memref<!tpu.dma_semaphore, #tpu.memory_space<semaphore_mem>>
      %dma_start3A_467 = arith.constant 0 : i32
      %dma_start3A_468 = tpu.memref_slice %arg10[%add3A_13, %dma_start3A_467] : memref<53264x32xf32, #tpu.memory_space<vmem_shared>> -> memref<256x32xf32, #tpu.memory_space<vmem_shared>>
      %dma_start3A_469 = arith.constant 0 : i32
      %dma_start3A_470 = arith.constant 0 : i32
      %dma_start3A_471 = tpu.memref_slice %arg5[%dma_start3A_469, %dma_start3A_470] : memref<1024x32xf32, #tpu.memory_space<hbm>> -> memref<256x32xf32, #tpu.memory_space<hbm>>
      tpu.enqueue_dma source(%dma_start3A_471 : memref<256x32xf32, #tpu.memory_space<hbm>>) target(%dma_start3A_468 : memref<256x32xf32, #tpu.memory_space<vmem_shared>>) target_semaphore(%run_scoped3A : memref<!tpu.dma_semaphore, #tpu.memory_space<semaphore_mem>>)
      %dma_wait3A_472 = arith.constant 0 : i32
      %dma_wait3A_473 = tpu.memref_slice %arg10[%add3A_13, %dma_wait3A_472] : memref<53264x32xf32, #tpu.memory_space<vmem_shared>> -> memref<256x32xf32, #tpu.memory_space<vmem_shared>>
      %dma_wait3A_474 = arith.constant 0 : i32
      %dma_wait3A_475 = arith.constant 0 : i32
      %dma_wait3A_476 = tpu.memref_slice %arg5[%dma_wait3A_474, %dma_wait3A_475] : memref<1024x32xf32, #tpu.memory_space<hbm>> -> memref<256x32xf32, #tpu.memory_space<hbm>>
      tpu.wait_dma2 semaphore(%run_scoped3A : memref<!tpu.dma_semaphore, #tpu.memory_space<semaphore_mem>>) src(%dma_wait3A_476 : memref<256x32xf32, #tpu.memory_space<hbm>>) dst(%dma_wait3A_473 : memref<256x32xf32, #tpu.memory_space<vmem_shared>>)
      tpu.yield
    }) : () -> ()
    %mul3A_14 = arith.constant 6656 : i32
    %mul3A_15 = arith.muli %arg1, %mul3A_14 : i32
    "tpu.region"() ({
      %run_scoped3A = tpu.sem_alloc : memref<!tpu.dma_semaphore, #tpu.memory_space<semaphore_mem>>
      %dma_start3A_467 = tpu.memref_slice %arg11[%mul3A_15] : memref<106512xi32, #tpu.memory_space<vmem_shared>> -> memref<6656xi32, #tpu.memory_space<vmem_shared>>
      tpu.enqueue_dma source(%arg6 : memref<6656xi32, #tpu.memory_space<hbm>>) target(%dma_start3A_467 : memref<6656xi32, #tpu.memory_space<vmem_shared>>) target_semaphore(%run_scoped3A : memref<!tpu.dma_semaphore, #tpu.memory_space<semaphore_mem>>)
      %dma_wait3A_468 = tpu.memref_slice %arg11[%mul3A_15] : memref<106512xi32, #tpu.memory_space<vmem_shared>> -> memref<6656xi32, #tpu.memory_space<vmem_shared>>
      tpu.wait_dma2 semaphore(%run_scoped3A : memref<!tpu.dma_semaphore, #tpu.memory_space<semaphore_mem>>) src(%arg6 : memref<6656xi32, #tpu.memory_space<hbm>>) dst(%dma_wait3A_468 : memref<6656xi32, #tpu.memory_space<vmem_shared>>)
      tpu.yield
    }) : () -> ()
    %eq3A = arith.constant 0 : i32
    %eq3A_16 = arith.cmpi eq, %arg1, %eq3A : i32
    %convert_element_type3A = arith.extui %eq3A_16 : i1 to i32
    %cond3A = arith.constant 0 : i32
    %cond3A_17 = arith.cmpi ne, %convert_element_type3A, %cond3A : i32
    scf.if %cond3A_17 {
      "tpu.region"() ({
        %run_scoped3A = tpu.sem_alloc : memref<!tpu.dma_semaphore, #tpu.memory_space<semaphore_mem>>
        %dma_start3A_467 = arith.constant 106496 : i32
        %dma_start3A_468 = tpu.memref_slice %arg11[%dma_start3A_467] : memref<106512xi32, #tpu.memory_space<vmem_shared>> -> memref<16xi32, #tpu.memory_space<vmem_shared>>
        %dma_start3A_469 = arith.constant 0 : i32
        %dma_start3A_470 = tpu.memref_slice %arg6[%dma_start3A_469] : memref<6656xi32, #tpu.memory_space<hbm>> -> memref<16xi32, #tpu.memory_space<hbm>>
        tpu.enqueue_dma source(%dma_start3A_470 : memref<16xi32, #tpu.memory_space<hbm>>) target(%dma_start3A_468 : memref<16xi32, #tpu.memory_space<vmem_shared>>) target_semaphore(%run_scoped3A : memref<!tpu.dma_semaphore, #tpu.memory_space<semaphore_mem>>)
        %dma_wait3A_471 = arith.constant 106496 : i32
        %dma_wait3A_472 = tpu.memref_slice %arg11[%dma_wait3A_471] : memref<106512xi32, #tpu.memory_space<vmem_shared>> -> memref<16xi32, #tpu.memory_space<vmem_shared>>
        %dma_wait3A_473 = arith.constant 0 : i32
        %dma_wait3A_474 = tpu.memref_slice %arg6[%dma_wait3A_473] : memref<6656xi32, #tpu.memory_space<hbm>> -> memref<16xi32, #tpu.memory_space<hbm>>
        tpu.wait_dma2 semaphore(%run_scoped3A : memref<!tpu.dma_semaphore, #tpu.memory_space<semaphore_mem>>) src(%dma_wait3A_474 : memref<16xi32, #tpu.memory_space<hbm>>) dst(%dma_wait3A_472 : memref<16xi32, #tpu.memory_space<vmem_shared>>)
        tpu.yield
      }) : () -> ()
    } else {
    }
    %barrier3A = arith.constant 0 : index
    tpu.barrier barrier_id(%barrier3A)
    "tpu.trace_stop"() : () -> ()
    "tpu.trace_start"() <{level = 10 : i32, message = "ph_hist0"}> : () -> ()
    %mul3A_18 = arith.constant 6656 : i32
    %mul3A_19 = arith.muli %arg1, %mul3A_18 : i32
    %add3A_20 = arith.constant 0 : i32
    %add3A_21 = arith.addi %mul3A_19, %add3A_20 : i32
    %add3A_22 = arith.constant 0 : i32
    %add3A_23 = arith.addi %add3A_21, %add3A_22 : i32
    %dma_start3A = arith.constant 0 : i32
    %dma_start3A_24 = arith.constant 0 : i32
    %dma_start3A_25 = tpu.memref_slice %arg16[%dma_start3A, %dma_start3A_24] : memref<8x128xi32, #tpu.memory_space<vmem>> -> memref<1x128xi32, #tpu.memory_space<vmem>>
    %dma_start3A_26 = tpu.memref_squeeze %dma_start3A_25 : memref<1x128xi32, #tpu.memory_space<vmem>> -> memref<128xi32, #tpu.memory_space<vmem>>
    %dma_start3A_27 = tpu.memref_slice %arg3[%add3A_23] : memref<106497xi32, #tpu.memory_space<hbm>> -> memref<128xi32, #tpu.memory_space<hbm>>
    %dma_start3A_28 = arith.constant 0 : i32
    %dma_start3A_29 = tpu.memref_slice %arg16[%dma_start3A, %dma_start3A_28] : memref<8x128xi32, #tpu.memory_space<vmem>> -> memref<1x128xi32, #tpu.memory_space<vmem>>
    %dma_start3A_30 = tpu.memref_squeeze %dma_start3A_29 : memref<1x128xi32, #tpu.memory_space<vmem>> -> memref<128xi32, #tpu.memory_space<vmem>>
    %dma_start3A_31 = tpu.memref_slice %arg3[%add3A_23] : memref<106497xi32, #tpu.memory_space<hbm>> -> memref<128xi32, #tpu.memory_space<hbm>>
    tpu.enqueue_dma source(%dma_start3A_31 : memref<128xi32, #tpu.memory_space<hbm>>) target(%dma_start3A_30 : memref<128xi32, #tpu.memory_space<vmem>>) target_semaphore(%arg21 : memref<!tpu.dma_semaphore, #tpu.memory_space<semaphore_mem>>)
    %add3A_32 = arith.constant 128 : i32
    %add3A_33 = arith.addi %add3A_21, %add3A_32 : i32
    %dma_start3A_34 = arith.constant 1 : i32
    %dma_start3A_35 = arith.constant 0 : i32
    %dma_start3A_36 = tpu.memref_slice %arg16[%dma_start3A_34, %dma_start3A_35] : memref<8x128xi32, #tpu.memory_space<vmem>> -> memref<1x128xi32, #tpu.memory_space<vmem>>
    %dma_start3A_37 = tpu.memref_squeeze %dma_start3A_36 : memref<1x128xi32, #tpu.memory_space<vmem>> -> memref<128xi32, #tpu.memory_space<vmem>>
    %dma_start3A_38 = tpu.memref_slice %arg3[%add3A_33] : memref<106497xi32, #tpu.memory_space<hbm>> -> memref<128xi32, #tpu.memory_space<hbm>>
    %dma_start3A_39 = arith.constant 0 : i32
    %dma_start3A_40 = tpu.memref_slice %arg16[%dma_start3A_34, %dma_start3A_39] : memref<8x128xi32, #tpu.memory_space<vmem>> -> memref<1x128xi32, #tpu.memory_space<vmem>>
    %dma_start3A_41 = tpu.memref_squeeze %dma_start3A_40 : memref<1x128xi32, #tpu.memory_space<vmem>> -> memref<128xi32, #tpu.memory_space<vmem>>
    %dma_start3A_42 = tpu.memref_slice %arg3[%add3A_33] : memref<106497xi32, #tpu.memory_space<hbm>> -> memref<128xi32, #tpu.memory_space<hbm>>
    tpu.enqueue_dma source(%dma_start3A_42 : memref<128xi32, #tpu.memory_space<hbm>>) target(%dma_start3A_41 : memref<128xi32, #tpu.memory_space<vmem>>) target_semaphore(%arg21 : memref<!tpu.dma_semaphore, #tpu.memory_space<semaphore_mem>>)
    %scan3A = arith.constant 0 : i32
    %scan3A_43 = arith.constant 0 : i32
    %scan3A_44 = arith.constant 26 : i32
    %scan3A_45 = arith.addi %scan3A_43, %scan3A_44 : i32
    %scan3A_46 = arith.constant 1 : i32
    scf.for %scan3A_467 = %scan3A_43 to %scan3A_45 step %scan3A_46  : i32 {
      %and3A_468 = arith.constant 1 : i32
      %and3A_469 = arith.andi %scan3A_467, %and3A_468 : i32
      %gt3A = arith.constant 0 : i32
      %gt3A_470 = arith.cmpi sgt, %scan3A_467, %gt3A : i32
      %convert_element_type3A_471 = arith.extui %gt3A_470 : i1 to i32
      %cond3A_472 = arith.constant 0 : i32
      %cond3A_473 = arith.cmpi ne, %convert_element_type3A_471, %cond3A_472 : i32
      scf.if %cond3A_473 {
        %sub3A_531 = arith.constant 1 : i32
        %sub3A_532 = arith.subi %sub3A_531, %and3A_469 : i32
        %dma_wait3A_533 = arith.constant 0 : i32
        %dma_wait3A_534 = tpu.memref_slice %arg11[%dma_wait3A_533] : memref<106512xi32, #tpu.memory_space<vmem_shared>> -> memref<128xi32, #tpu.memory_space<vmem_shared>>
        %dma_wait3A_535 = arith.constant 0 : i32
        %dma_wait3A_536 = tpu.memref_slice %arg11[%dma_wait3A_535] : memref<106512xi32, #tpu.memory_space<vmem_shared>> -> memref<128xi32, #tpu.memory_space<vmem_shared>>
        tpu.wait_dma2 semaphore(%arg24 : memref<!tpu.dma_semaphore, #tpu.memory_space<semaphore_mem>>) src(%arg20 : memref<128xi32, #tpu.memory_space<vmem>>) dst(%dma_wait3A_536 : memref<128xi32, #tpu.memory_space<vmem_shared>>)
        %dma_wait3A_537 = arith.constant 0 : i32
        %dma_wait3A_538 = tpu.memref_slice %arg11[%dma_wait3A_537] : memref<106512xi32, #tpu.memory_space<vmem_shared>> -> memref<128xi32, #tpu.memory_space<vmem_shared>>
        %dma_wait3A_539 = arith.constant 0 : i32
        %dma_wait3A_540 = tpu.memref_slice %arg11[%dma_wait3A_539] : memref<106512xi32, #tpu.memory_space<vmem_shared>> -> memref<128xi32, #tpu.memory_space<vmem_shared>>
        tpu.wait_dma2 semaphore(%arg24 : memref<!tpu.dma_semaphore, #tpu.memory_space<semaphore_mem>>) src(%arg20 : memref<128xi32, #tpu.memory_space<vmem>>) dst(%dma_wait3A_540 : memref<128xi32, #tpu.memory_space<vmem_shared>>)
      } else {
      }
      %mul3A_474 = arith.constant 2 : i32
      %mul3A_475 = arith.muli %mul3A_474, %and3A_469 : i32
      %add3A_476 = arith.constant 0 : i32
      %add3A_477 = arith.addi %mul3A_475, %add3A_476 : i32
      %dma_wait3A_478 = arith.constant 0 : i32
      %dma_wait3A_479 = tpu.memref_slice %arg16[%add3A_477, %dma_wait3A_478] : memref<8x128xi32, #tpu.memory_space<vmem>> -> memref<1x128xi32, #tpu.memory_space<vmem>>
      %dma_wait3A_480 = tpu.memref_squeeze %dma_wait3A_479 : memref<1x128xi32, #tpu.memory_space<vmem>> -> memref<128xi32, #tpu.memory_space<vmem>>
      %dma_wait3A_481 = arith.constant 0 : i32
      %dma_wait3A_482 = tpu.memref_slice %arg3[%dma_wait3A_481] : memref<106497xi32, #tpu.memory_space<hbm>> -> memref<128xi32, #tpu.memory_space<hbm>>
      %dma_wait3A_483 = arith.constant 0 : i32
      %dma_wait3A_484 = tpu.memref_slice %arg16[%add3A_477, %dma_wait3A_483] : memref<8x128xi32, #tpu.memory_space<vmem>> -> memref<1x128xi32, #tpu.memory_space<vmem>>
      %dma_wait3A_485 = tpu.memref_squeeze %dma_wait3A_484 : memref<1x128xi32, #tpu.memory_space<vmem>> -> memref<128xi32, #tpu.memory_space<vmem>>
      %dma_wait3A_486 = arith.constant 0 : i32
      %dma_wait3A_487 = tpu.memref_slice %arg3[%dma_wait3A_486] : memref<106497xi32, #tpu.memory_space<hbm>> -> memref<128xi32, #tpu.memory_space<hbm>>
      tpu.wait_dma2 semaphore(%arg21 : memref<!tpu.dma_semaphore, #tpu.memory_space<semaphore_mem>>) src(%dma_wait3A_487 : memref<128xi32, #tpu.memory_space<hbm>>) dst(%dma_wait3A_485 : memref<128xi32, #tpu.memory_space<vmem>>)
      %mul3A_488 = arith.constant 2 : i32
      %mul3A_489 = arith.muli %mul3A_488, %and3A_469 : i32
      %add3A_490 = arith.constant 1 : i32
      %add3A_491 = arith.addi %mul3A_489, %add3A_490 : i32
      %dma_wait3A_492 = arith.constant 0 : i32
      %dma_wait3A_493 = tpu.memref_slice %arg16[%add3A_491, %dma_wait3A_492] : memref<8x128xi32, #tpu.memory_space<vmem>> -> memref<1x128xi32, #tpu.memory_space<vmem>>
      %dma_wait3A_494 = tpu.memref_squeeze %dma_wait3A_493 : memref<1x128xi32, #tpu.memory_space<vmem>> -> memref<128xi32, #tpu.memory_space<vmem>>
      %dma_wait3A_495 = arith.constant 0 : i32
      %dma_wait3A_496 = tpu.memref_slice %arg3[%dma_wait3A_495] : memref<106497xi32, #tpu.memory_space<hbm>> -> memref<128xi32, #tpu.memory_space<hbm>>
      %dma_wait3A_497 = arith.constant 0 : i32
      %dma_wait3A_498 = tpu.memref_slice %arg16[%add3A_491, %dma_wait3A_497] : memref<8x128xi32, #tpu.memory_space<vmem>> -> memref<1x128xi32, #tpu.memory_space<vmem>>
      %dma_wait3A_499 = tpu.memref_squeeze %dma_wait3A_498 : memref<1x128xi32, #tpu.memory_space<vmem>> -> memref<128xi32, #tpu.memory_space<vmem>>
      %dma_wait3A_500 = arith.constant 0 : i32
      %dma_wait3A_501 = tpu.memref_slice %arg3[%dma_wait3A_500] : memref<106497xi32, #tpu.memory_space<hbm>> -> memref<128xi32, #tpu.memory_space<hbm>>
      tpu.wait_dma2 semaphore(%arg21 : memref<!tpu.dma_semaphore, #tpu.memory_space<semaphore_mem>>) src(%dma_wait3A_501 : memref<128xi32, #tpu.memory_space<hbm>>) dst(%dma_wait3A_499 : memref<128xi32, #tpu.memory_space<vmem>>)
      %lt3A_502 = arith.constant 25 : i32
      %lt3A_503 = arith.cmpi slt, %scan3A_467, %lt3A_502 : i32
      %convert_element_type3A_504 = arith.extui %lt3A_503 : i1 to i32
      %cond3A_505 = arith.constant 0 : i32
      %cond3A_506 = arith.cmpi ne, %convert_element_type3A_504, %cond3A_505 : i32
      scf.if %cond3A_506 {
        %add3A_531 = arith.constant 1 : i32
        %add3A_532 = arith.addi %scan3A_467, %add3A_531 : i32
        %sub3A_533 = arith.constant 1 : i32
        %sub3A_534 = arith.subi %sub3A_533, %and3A_469 : i32
        %mul3A_535 = arith.constant 6656 : i32
        %mul3A_536 = arith.muli %arg1, %mul3A_535 : i32
        %mul3A_537 = arith.constant 256 : i32
        %mul3A_538 = arith.muli %add3A_532, %mul3A_537 : i32
        %add3A_539 = arith.addi %mul3A_536, %mul3A_538 : i32
        %add3A_540 = arith.constant 0 : i32
        %add3A_541 = arith.addi %add3A_539, %add3A_540 : i32
        %mul3A_542 = arith.constant 2 : i32
        %mul3A_543 = arith.muli %mul3A_542, %sub3A_534 : i32
        %add3A_544 = arith.constant 0 : i32
        %add3A_545 = arith.addi %mul3A_543, %add3A_544 : i32
        %dma_start3A_546 = arith.constant 0 : i32
        %dma_start3A_547 = tpu.memref_slice %arg16[%add3A_545, %dma_start3A_546] : memref<8x128xi32, #tpu.memory_space<vmem>> -> memref<1x128xi32, #tpu.memory_space<vmem>>
        %dma_start3A_548 = tpu.memref_squeeze %dma_start3A_547 : memref<1x128xi32, #tpu.memory_space<vmem>> -> memref<128xi32, #tpu.memory_space<vmem>>
        %dma_start3A_549 = tpu.memref_slice %arg3[%add3A_541] : memref<106497xi32, #tpu.memory_space<hbm>> -> memref<128xi32, #tpu.memory_space<hbm>>
        %dma_start3A_550 = arith.constant 0 : i32
        %dma_start3A_551 = tpu.memref_slice %arg16[%add3A_545, %dma_start3A_550] : memref<8x128xi32, #tpu.memory_space<vmem>> -> memref<1x128xi32, #tpu.memory_space<vmem>>
        %dma_start3A_552 = tpu.memref_squeeze %dma_start3A_551 : memref<1x128xi32, #tpu.memory_space<vmem>> -> memref<128xi32, #tpu.memory_space<vmem>>
        %dma_start3A_553 = tpu.memref_slice %arg3[%add3A_541] : memref<106497xi32, #tpu.memory_space<hbm>> -> memref<128xi32, #tpu.memory_space<hbm>>
        tpu.enqueue_dma source(%dma_start3A_553 : memref<128xi32, #tpu.memory_space<hbm>>) target(%dma_start3A_552 : memref<128xi32, #tpu.memory_space<vmem>>) target_semaphore(%arg21 : memref<!tpu.dma_semaphore, #tpu.memory_space<semaphore_mem>>)
        %add3A_554 = arith.constant 128 : i32
        %add3A_555 = arith.addi %add3A_539, %add3A_554 : i32
        %mul3A_556 = arith.constant 2 : i32
        %mul3A_557 = arith.muli %mul3A_556, %sub3A_534 : i32
        %add3A_558 = arith.constant 1 : i32
        %add3A_559 = arith.addi %mul3A_557, %add3A_558 : i32
        %dma_start3A_560 = arith.constant 0 : i32
        %dma_start3A_561 = tpu.memref_slice %arg16[%add3A_559, %dma_start3A_560] : memref<8x128xi32, #tpu.memory_space<vmem>> -> memref<1x128xi32, #tpu.memory_space<vmem>>
        %dma_start3A_562 = tpu.memref_squeeze %dma_start3A_561 : memref<1x128xi32, #tpu.memory_space<vmem>> -> memref<128xi32, #tpu.memory_space<vmem>>
        %dma_start3A_563 = tpu.memref_slice %arg3[%add3A_555] : memref<106497xi32, #tpu.memory_space<hbm>> -> memref<128xi32, #tpu.memory_space<hbm>>
        %dma_start3A_564 = arith.constant 0 : i32
        %dma_start3A_565 = tpu.memref_slice %arg16[%add3A_559, %dma_start3A_564] : memref<8x128xi32, #tpu.memory_space<vmem>> -> memref<1x128xi32, #tpu.memory_space<vmem>>
        %dma_start3A_566 = tpu.memref_squeeze %dma_start3A_565 : memref<1x128xi32, #tpu.memory_space<vmem>> -> memref<128xi32, #tpu.memory_space<vmem>>
        %dma_start3A_567 = tpu.memref_slice %arg3[%add3A_555] : memref<106497xi32, #tpu.memory_space<hbm>> -> memref<128xi32, #tpu.memory_space<hbm>>
        tpu.enqueue_dma source(%dma_start3A_567 : memref<128xi32, #tpu.memory_space<hbm>>) target(%dma_start3A_566 : memref<128xi32, #tpu.memory_space<vmem>>) target_semaphore(%arg21 : memref<!tpu.dma_semaphore, #tpu.memory_space<semaphore_mem>>)
      } else {
      }
      %scan3A_507 = arith.constant 0 : i32
      %scan3A_508 = arith.constant 0 : i32
      %scan3A_509 = arith.constant 16 : i32
      %scan3A_510 = arith.addi %scan3A_508, %scan3A_509 : i32
      %scan3A_511 = arith.constant 1 : i32
      scf.for %scan3A_531 = %scan3A_508 to %scan3A_510 step %scan3A_511  : i32 {
        %mul3A_532 = arith.constant 2 : i32
        %mul3A_533 = arith.muli %mul3A_532, %and3A_469 : i32
        %shift_right_arithmetic3A = arith.constant 3 : i32
        %shift_right_arithmetic3A_534 = arith.shrsi %scan3A_531, %shift_right_arithmetic3A : i32
        %add3A_535 = arith.addi %mul3A_533, %shift_right_arithmetic3A_534 : i32
        %and3A_536 = arith.constant 7 : i32
        %and3A_537 = arith.andi %scan3A_531, %and3A_536 : i32
        %mul3A_538 = arith.constant 16 : i32
        %mul3A_539 = arith.muli %and3A_537, %mul3A_538 : i32
        %get3A_540 = arith.index_cast %add3A_535 : i32 to index
        %get3A_541 = arith.index_cast %mul3A_539 : i32 to index
        %get3A_542 = tpu.vector_load %arg16[%get3A_540, %get3A_541] {strides = array<i32>} : memref<8x128xi32, #tpu.memory_space<vmem>>, vector<1x16xi32>,
        %get3A_543 = vector.shape_cast %get3A_542 : vector<1x16xi32> to vector<16xi32>
        %sub3A_544 = arith.constant 0 : i32
        %sub3A_545 = vector.broadcast %sub3A_544 : i32 to vector<16xi32>
        %sub3A_546 = arith.subi %get3A_543, %sub3A_545 : vector<16xi32>
        %lt3A_547 = arith.constant 0 : i32
        %lt3A_548 = vector.broadcast %lt3A_547 : i32 to vector<16xi32>
        %lt3A_549 = arith.cmpi slt, %sub3A_546, %lt3A_548 : vector<16xi32>
        %min3A = arith.constant 106496 : i32
        %min3A_550 = vector.broadcast %min3A : i32 to vector<16xi32>
        %min3A_551 = arith.minsi %sub3A_546, %min3A_550 : vector<16xi32>
        %jit3A_552 = arith.constant 106496 : i32
        %broadcast_in_dim3A_553 = vector.broadcast %jit3A_552 : i32 to vector<16xi32>
        %select_n3A_554 = arith.select %lt3A_549, %broadcast_in_dim3A_553, %min3A_551 : vector<16xi1>, vector<16xi32>
        %and3A_555 = arith.constant 7 : i32
        %and3A_556 = arith.andi %scan3A_531, %and3A_555 : i32
        %mul3A_557 = arith.constant 16 : i32
        %mul3A_558 = arith.muli %and3A_556, %mul3A_557 : i32
        %swap3A = arith.index_cast %add3A_535 : i32 to index
        %swap3A_559 = arith.index_cast %mul3A_558 : i32 to index
        %swap3A_560 = tpu.vector_load %arg16[%swap3A, %swap3A_559] {strides = array<i32>} : memref<8x128xi32, #tpu.memory_space<vmem>>, vector<1x16xi32>,
        %swap3A_561 = vector.shape_cast %swap3A_560 : vector<1x16xi32> to vector<16xi32>
        %swap3A_562 = vector.shape_cast %select_n3A_554 : vector<16xi32> to vector<1x16xi32>
        tpu.vector_store %arg16[%swap3A, %swap3A_559], %swap3A_562 {strides = array<i32>} : memref<8x128xi32, #tpu.memory_space<vmem>>, vector<1x16xi32>,
      }
      %scan3A_512 = arith.constant 16 : i32
      %mul3A_513 = arith.constant 2 : i32
      %mul3A_514 = arith.muli %mul3A_513, %and3A_469 : i32
      %add3A_515 = arith.constant 0 : i32
      %add3A_516 = arith.addi %mul3A_514, %add3A_515 : i32
      %dma_start3A_517 = arith.constant 0 : i32
      %dma_start3A_518 = tpu.memref_slice %arg16[%add3A_516, %dma_start3A_517] : memref<8x128xi32, #tpu.memory_space<vmem>> -> memref<1x128xi32, #tpu.memory_space<vmem>>
      %dma_start3A_519 = tpu.memref_squeeze %dma_start3A_518 : memref<1x128xi32, #tpu.memory_space<vmem>> -> memref<128xi32, #tpu.memory_space<vmem>>
      %dma_start3A_520 = arith.constant 0 : i32
      %dma_start3A_521 = tpu.memref_slice %arg11[%dma_start3A_520] : memref<106512xi32, #tpu.memory_space<vmem_shared>> -> memref<106512xi32, #tpu.memory_space<vmem_shared>>
      tpu.enqueue_indirect_dma source(%arg20 : memref<128xi32, #tpu.memory_space<vmem>>) target(%dma_start3A_521 : memref<106512xi32, #tpu.memory_space<vmem_shared>>) offsets(%dma_start3A_519 : memref<128xi32, #tpu.memory_space<vmem>>) semaphore(%arg24 : memref<!tpu.dma_semaphore, #tpu.memory_space<semaphore_mem>>) {add = true}
      %mul3A_522 = arith.constant 2 : i32
      %mul3A_523 = arith.muli %mul3A_522, %and3A_469 : i32
      %add3A_524 = arith.constant 1 : i32
      %add3A_525 = arith.addi %mul3A_523, %add3A_524 : i32
      %dma_start3A_526 = arith.constant 0 : i32
      %dma_start3A_527 = tpu.memref_slice %arg16[%add3A_525, %dma_start3A_526] : memref<8x128xi32, #tpu.memory_space<vmem>> -> memref<1x128xi32, #tpu.memory_space<vmem>>
      %dma_start3A_528 = tpu.memref_squeeze %dma_start3A_527 : memref<1x128xi32, #tpu.memory_space<vmem>> -> memref<128xi32, #tpu.memory_space<vmem>>
      %dma_start3A_529 = arith.constant 0 : i32
      %dma_start3A_530 = tpu.memref_slice %arg11[%dma_start3A_529] : memref<106512xi32, #tpu.memory_space<vmem_shared>> -> memref<106512xi32, #tpu.memory_space<vmem_shared>>
      tpu.enqueue_indirect_dma source(%arg20 : memref<128xi32, #tpu.memory_space<vmem>>) target(%dma_start3A_530 : memref<106512xi32, #tpu.memory_space<vmem_shared>>) offsets(%dma_start3A_528 : memref<128xi32, #tpu.memory_space<vmem>>) semaphore(%arg24 : memref<!tpu.dma_semaphore, #tpu.memory_space<semaphore_mem>>) {add = true}
    }
    %scan3A_47 = arith.constant 26 : i32
    %dma_wait3A = arith.constant 0 : i32
    %dma_wait3A_48 = tpu.memref_slice %arg11[%dma_wait3A] : memref<106512xi32, #tpu.memory_space<vmem_shared>> -> memref<128xi32, #tpu.memory_space<vmem_shared>>
    %dma_wait3A_49 = arith.constant 0 : i32
    %dma_wait3A_50 = tpu.memref_slice %arg11[%dma_wait3A_49] : memref<106512xi32, #tpu.memory_space<vmem_shared>> -> memref<128xi32, #tpu.memory_space<vmem_shared>>
    tpu.wait_dma2 semaphore(%arg24 : memref<!tpu.dma_semaphore, #tpu.memory_space<semaphore_mem>>) src(%arg20 : memref<128xi32, #tpu.memory_space<vmem>>) dst(%dma_wait3A_50 : memref<128xi32, #tpu.memory_space<vmem_shared>>)
    %dma_wait3A_51 = arith.constant 0 : i32
    %dma_wait3A_52 = tpu.memref_slice %arg11[%dma_wait3A_51] : memref<106512xi32, #tpu.memory_space<vmem_shared>> -> memref<128xi32, #tpu.memory_space<vmem_shared>>
    %dma_wait3A_53 = arith.constant 0 : i32
    %dma_wait3A_54 = tpu.memref_slice %arg11[%dma_wait3A_53] : memref<106512xi32, #tpu.memory_space<vmem_shared>> -> memref<128xi32, #tpu.memory_space<vmem_shared>>
    tpu.wait_dma2 semaphore(%arg24 : memref<!tpu.dma_semaphore, #tpu.memory_space<semaphore_mem>>) src(%arg20 : memref<128xi32, #tpu.memory_space<vmem>>) dst(%dma_wait3A_54 : memref<128xi32, #tpu.memory_space<vmem_shared>>)
    %barrier3A_55 = arith.constant 0 : index
    tpu.barrier barrier_id(%barrier3A_55)
    %ge3A = arith.constant 0 : i32
    "tpu.trace_stop"() : () -> ()
    "tpu.trace_start"() <{level = 10 : i32, message = "ph_cumsum0"}> : () -> ()
    %ge3A_56 = arith.cmpi sge, %arg1, %ge3A : i32
    %lt3A = arith.constant 8 : i32
    %lt3A_57 = arith.cmpi slt, %arg1, %lt3A : i32
    %and3A = arith.andi %ge3A_56, %lt3A_57 : i1
    %convert_element_type3A_58 = arith.extui %and3A : i1 to i32
    %cond3A_59 = arith.constant 0 : i32
    %cond3A_60 = arith.cmpi ne, %convert_element_type3A_58, %cond3A_59 : i32
    scf.if %cond3A_60 {
      %sub3A_467 = arith.constant 0 : i32
      %sub3A_468 = arith.subi %arg1, %sub3A_467 : i32
      %mul3A_469 = arith.constant 13312 : i32
      %mul3A_470 = arith.muli %sub3A_468, %mul3A_469 : i32
      %broadcast_in_dim3A_471 = arith.constant 0 : i32
      %broadcast_in_dim3A_472 = vector.broadcast %broadcast_in_dim3A_471 : i32 to vector<16xi32>
      %scan3A_473 = arith.constant 0 : i32
      %scan3A_474 = arith.constant 13 : i32
      %scan3A_475 = arith.addi %scan3A_473, %scan3A_474 : i32
      %scan3A_476 = arith.constant 1 : i32
      %scan3A_477 = scf.for %scan3A_482 = %scan3A_473 to %scan3A_475 step %scan3A_476 iter_args(%scan3A_483 = %broadcast_in_dim3A_472) -> (vector<16xi32>)  : i32 {
        %mul3A_484 = arith.constant 1024 : i32
        %mul3A_485 = arith.muli %scan3A_482, %mul3A_484 : i32
        %add3A_486 = arith.addi %mul3A_470, %mul3A_485 : i32
        "tpu.region"() ({
          %run_scoped3A = tpu.sem_alloc : memref<!tpu.dma_semaphore, #tpu.memory_space<semaphore_mem>>
          %dma_start3A_498 = tpu.memref_slice %arg11[%add3A_486] : memref<106512xi32, #tpu.memory_space<vmem_shared>> -> memref<1024xi32, #tpu.memory_space<vmem_shared>>
          %dma_start3A_499 = tpu.memref_slice %arg11[%add3A_486] : memref<106512xi32, #tpu.memory_space<vmem_shared>> -> memref<1024xi32, #tpu.memory_space<vmem_shared>>
          tpu.enqueue_dma source(%dma_start3A_499 : memref<1024xi32, #tpu.memory_space<vmem_shared>>) target(%arg17 : memref<1024xi32, #tpu.memory_space<vmem>>) target_semaphore(%run_scoped3A : memref<!tpu.dma_semaphore, #tpu.memory_space<semaphore_mem>>)
          %dma_wait3A_500 = tpu.memref_slice %arg11[%add3A_486] : memref<106512xi32, #tpu.memory_space<vmem_shared>> -> memref<1024xi32, #tpu.memory_space<vmem_shared>>
          %dma_wait3A_501 = tpu.memref_slice %arg11[%add3A_486] : memref<106512xi32, #tpu.memory_space<vmem_shared>> -> memref<1024xi32, #tpu.memory_space<vmem_shared>>
          tpu.wait_dma2 semaphore(%run_scoped3A : memref<!tpu.dma_semaphore, #tpu.memory_space<semaphore_mem>>) src(%dma_wait3A_501 : memref<1024xi32, #tpu.memory_space<vmem_shared>>) dst(%arg17 : memref<1024xi32, #tpu.memory_space<vmem>>)
          tpu.yield
        }) : () -> ()
        %scan3A_487 = arith.constant 0 : i32
        %scan3A_488 = arith.constant 64 : i32
        %scan3A_489 = arith.addi %scan3A_487, %scan3A_488 : i32
        %scan3A_490 = arith.constant 1 : i32
        %scan3A_491 = scf.for %scan3A_498 = %scan3A_487 to %scan3A_489 step %scan3A_490 iter_args(%scan3A_499 = %scan3A_483) -> (vector<16xi32>)  : i32 {
          %mul3A_500 = arith.constant 16 : i32
          %mul3A_501 = arith.muli %scan3A_498, %mul3A_500 : i32
          %get3A_502 = arith.index_cast %mul3A_501 : i32 to index
          %get3A_503 = tpu.vector_load %arg17[%get3A_502] {strides = array<i32>} : memref<1024xi32, #tpu.memory_space<vmem>>, vector<16xi32>,
          %get3A_504 = vector.shape_cast %get3A_503 : vector<16xi32> to vector<16xi32>
          %ge3A_505 = arith.constant 1 : i32
          %ge3A_506 = vector.broadcast %ge3A_505 : i32 to vector<16xi32>
          %ge3A_507 = arith.cmpi sge, %iota3A, %ge3A_506 : vector<16xi32>
          %sub3A_508 = arith.constant 1 : i32
          %sub3A_509 = vector.broadcast %sub3A_508 : i32 to vector<16xi32>
          %sub3A_510 = arith.subi %iota3A, %sub3A_509 : vector<16xi32>
          %max3A = arith.constant 0 : i32
          %max3A_511 = vector.broadcast %max3A : i32 to vector<16xi32>
          %max3A_512 = arith.maxsi %sub3A_510, %max3A_511 : vector<16xi32>
          %jit3A_513 = arith.constant 16 : i32
          %eq3A_514 = arith.constant 0 : i32
          %eq3A_515 = arith.cmpi eq, %jit3A_513, %eq3A_514 : i32
          %jit3A_516 = arith.constant 1 : i32
          %select_n3A_517 = arith.select %eq3A_515, %jit3A_516, %jit3A_513 : i32
          %rem3A_518 = vector.broadcast %select_n3A_517 : i32 to vector<16xi32>
          %rem3A_519 = arith.remsi %max3A_512, %rem3A_518 : vector<16xi32>
          %ne3A_520 = arith.constant 0 : i32
          %ne3A_521 = vector.broadcast %ne3A_520 : i32 to vector<16xi32>
          %ne3A_522 = arith.cmpi ne, %rem3A_519, %ne3A_521 : vector<16xi32>
          %lt3A_523 = arith.constant 0 : i32
          %lt3A_524 = vector.broadcast %lt3A_523 : i32 to vector<16xi32>
          %lt3A_525 = arith.cmpi slt, %rem3A_519, %lt3A_524 : vector<16xi32>
          %lt3A_526 = arith.constant 0 : i32
          %lt3A_527 = arith.cmpi slt, %select_n3A_517, %lt3A_526 : i32
          %ne3A_528 = vector.broadcast %lt3A_527 : i1 to vector<16xi1>
          %ne3A_529 = vector.broadcast %ne3A_528 : vector<16xi1> to vector<16xi1>
          %ne3A_530 = arith.xori %lt3A_525, %ne3A_529 : vector<16xi1>
          %and3A_531 = arith.andi %ne3A_530, %ne3A_522 : vector<16xi1>
          %add3A_532 = vector.broadcast %select_n3A_517 : i32 to vector<16xi32>
          %add3A_533 = arith.addi %rem3A_519, %add3A_532 : vector<16xi32>
          %select_n3A_534 = arith.select %and3A_531, %add3A_533, %rem3A_519 : vector<16xi1>, vector<16xi32>
          %broadcast_in_dim3A_535 = vector.shape_cast %select_n3A_534 : vector<16xi32> to vector<16x1xi32>
          %gather3A_536 = vector.shape_cast %broadcast_in_dim3A_535 : vector<16x1xi32> to vector<16xi32>
          %gather3A_537 = tpu.dynamic_gather %get3A_504[%gather3A_536] in [0] : vector<16xi32>, vector<16xi32> -> vector<16xi32>
          %jit3A_538 = arith.constant 0 : i32
          %broadcast_in_dim3A_539 = vector.broadcast %jit3A_538 : i32 to vector<16xi32>
          %select_n3A_540 = arith.select %ge3A_507, %gather3A_537, %broadcast_in_dim3A_539 : vector<16xi1>, vector<16xi32>
          %add3A_541 = arith.addi %get3A_504, %select_n3A_540 : vector<16xi32>
          %ge3A_542 = arith.constant 2 : i32
          %ge3A_543 = vector.broadcast %ge3A_542 : i32 to vector<16xi32>
          %ge3A_544 = arith.cmpi sge, %iota3A, %ge3A_543 : vector<16xi32>
          %sub3A_545 = arith.constant 2 : i32
          %sub3A_546 = vector.broadcast %sub3A_545 : i32 to vector<16xi32>
          %sub3A_547 = arith.subi %iota3A, %sub3A_546 : vector<16xi32>
          %max3A_548 = arith.constant 0 : i32
          %max3A_549 = vector.broadcast %max3A_548 : i32 to vector<16xi32>
          %max3A_550 = arith.maxsi %sub3A_547, %max3A_549 : vector<16xi32>
          %jit3A_551 = arith.constant 16 : i32
          %eq3A_552 = arith.constant 0 : i32
          %eq3A_553 = arith.cmpi eq, %jit3A_551, %eq3A_552 : i32
          %jit3A_554 = arith.constant 1 : i32
          %select_n3A_555 = arith.select %eq3A_553, %jit3A_554, %jit3A_551 : i32
          %rem3A_556 = vector.broadcast %select_n3A_555 : i32 to vector<16xi32>
          %rem3A_557 = arith.remsi %max3A_550, %rem3A_556 : vector<16xi32>
          %ne3A_558 = arith.constant 0 : i32
          %ne3A_559 = vector.broadcast %ne3A_558 : i32 to vector<16xi32>
          %ne3A_560 = arith.cmpi ne, %rem3A_557, %ne3A_559 : vector<16xi32>
          %lt3A_561 = arith.constant 0 : i32
          %lt3A_562 = vector.broadcast %lt3A_561 : i32 to vector<16xi32>
          %lt3A_563 = arith.cmpi slt, %rem3A_557, %lt3A_562 : vector<16xi32>
          %lt3A_564 = arith.constant 0 : i32
          %lt3A_565 = arith.cmpi slt, %select_n3A_555, %lt3A_564 : i32
          %ne3A_566 = vector.broadcast %lt3A_565 : i1 to vector<16xi1>
          %ne3A_567 = vector.broadcast %ne3A_566 : vector<16xi1> to vector<16xi1>
          %ne3A_568 = arith.xori %lt3A_563, %ne3A_567 : vector<16xi1>
          %and3A_569 = arith.andi %ne3A_568, %ne3A_560 : vector<16xi1>
          %add3A_570 = vector.broadcast %select_n3A_555 : i32 to vector<16xi32>
          %add3A_571 = arith.addi %rem3A_557, %add3A_570 : vector<16xi32>
          %select_n3A_572 = arith.select %and3A_569, %add3A_571, %rem3A_557 : vector<16xi1>, vector<16xi32>
          %broadcast_in_dim3A_573 = vector.shape_cast %select_n3A_572 : vector<16xi32> to vector<16x1xi32>
          %gather3A_574 = vector.shape_cast %broadcast_in_dim3A_573 : vector<16x1xi32> to vector<16xi32>
          %gather3A_575 = tpu.dynamic_gather %add3A_541[%gather3A_574] in [0] : vector<16xi32>, vector<16xi32> -> vector<16xi32>
          %jit3A_576 = arith.constant 0 : i32
          %broadcast_in_dim3A_577 = vector.broadcast %jit3A_576 : i32 to vector<16xi32>
          %select_n3A_578 = arith.select %ge3A_544, %gather3A_575, %broadcast_in_dim3A_577 : vector<16xi1>, vector<16xi32>
          %add3A_579 = arith.addi %add3A_541, %select_n3A_578 : vector<16xi32>
          %ge3A_580 = arith.constant 4 : i32
          %ge3A_581 = vector.broadcast %ge3A_580 : i32 to vector<16xi32>
          %ge3A_582 = arith.cmpi sge, %iota3A, %ge3A_581 : vector<16xi32>
          %sub3A_583 = arith.constant 4 : i32
          %sub3A_584 = vector.broadcast %sub3A_583 : i32 to vector<16xi32>
          %sub3A_585 = arith.subi %iota3A, %sub3A_584 : vector<16xi32>
          %max3A_586 = arith.constant 0 : i32
          %max3A_587 = vector.broadcast %max3A_586 : i32 to vector<16xi32>
          %max3A_588 = arith.maxsi %sub3A_585, %max3A_587 : vector<16xi32>
          %jit3A_589 = arith.constant 16 : i32
          %eq3A_590 = arith.constant 0 : i32
          %eq3A_591 = arith.cmpi eq, %jit3A_589, %eq3A_590 : i32
          %jit3A_592 = arith.constant 1 : i32
          %select_n3A_593 = arith.select %eq3A_591, %jit3A_592, %jit3A_589 : i32
          %rem3A_594 = vector.broadcast %select_n3A_593 : i32 to vector<16xi32>
          %rem3A_595 = arith.remsi %max3A_588, %rem3A_594 : vector<16xi32>
          %ne3A_596 = arith.constant 0 : i32
          %ne3A_597 = vector.broadcast %ne3A_596 : i32 to vector<16xi32>
          %ne3A_598 = arith.cmpi ne, %rem3A_595, %ne3A_597 : vector<16xi32>
          %lt3A_599 = arith.constant 0 : i32
          %lt3A_600 = vector.broadcast %lt3A_599 : i32 to vector<16xi32>
          %lt3A_601 = arith.cmpi slt, %rem3A_595, %lt3A_600 : vector<16xi32>
          %lt3A_602 = arith.constant 0 : i32
          %lt3A_603 = arith.cmpi slt, %select_n3A_593, %lt3A_602 : i32
          %ne3A_604 = vector.broadcast %lt3A_603 : i1 to vector<16xi1>
          %ne3A_605 = vector.broadcast %ne3A_604 : vector<16xi1> to vector<16xi1>
          %ne3A_606 = arith.xori %lt3A_601, %ne3A_605 : vector<16xi1>
          %and3A_607 = arith.andi %ne3A_606, %ne3A_598 : vector<16xi1>
          %add3A_608 = vector.broadcast %select_n3A_593 : i32 to vector<16xi32>
          %add3A_609 = arith.addi %rem3A_595, %add3A_608 : vector<16xi32>
          %select_n3A_610 = arith.select %and3A_607, %add3A_609, %rem3A_595 : vector<16xi1>, vector<16xi32>
          %broadcast_in_dim3A_611 = vector.shape_cast %select_n3A_610 : vector<16xi32> to vector<16x1xi32>
          %gather3A_612 = vector.shape_cast %broadcast_in_dim3A_611 : vector<16x1xi32> to vector<16xi32>
          %gather3A_613 = tpu.dynamic_gather %add3A_579[%gather3A_612] in [0] : vector<16xi32>, vector<16xi32> -> vector<16xi32>
          %jit3A_614 = arith.constant 0 : i32
          %broadcast_in_dim3A_615 = vector.broadcast %jit3A_614 : i32 to vector<16xi32>
          %select_n3A_616 = arith.select %ge3A_582, %gather3A_613, %broadcast_in_dim3A_615 : vector<16xi1>, vector<16xi32>
          %add3A_617 = arith.addi %add3A_579, %select_n3A_616 : vector<16xi32>
          %ge3A_618 = arith.constant 8 : i32
          %ge3A_619 = vector.broadcast %ge3A_618 : i32 to vector<16xi32>
          %ge3A_620 = arith.cmpi sge, %iota3A, %ge3A_619 : vector<16xi32>
          %sub3A_621 = arith.constant 8 : i32
          %sub3A_622 = vector.broadcast %sub3A_621 : i32 to vector<16xi32>
          %sub3A_623 = arith.subi %iota3A, %sub3A_622 : vector<16xi32>
          %max3A_624 = arith.constant 0 : i32
          %max3A_625 = vector.broadcast %max3A_624 : i32 to vector<16xi32>
          %max3A_626 = arith.maxsi %sub3A_623, %max3A_625 : vector<16xi32>
          %jit3A_627 = arith.constant 16 : i32
          %eq3A_628 = arith.constant 0 : i32
          %eq3A_629 = arith.cmpi eq, %jit3A_627, %eq3A_628 : i32
          %jit3A_630 = arith.constant 1 : i32
          %select_n3A_631 = arith.select %eq3A_629, %jit3A_630, %jit3A_627 : i32
          %rem3A_632 = vector.broadcast %select_n3A_631 : i32 to vector<16xi32>
          %rem3A_633 = arith.remsi %max3A_626, %rem3A_632 : vector<16xi32>
          %ne3A_634 = arith.constant 0 : i32
          %ne3A_635 = vector.broadcast %ne3A_634 : i32 to vector<16xi32>
          %ne3A_636 = arith.cmpi ne, %rem3A_633, %ne3A_635 : vector<16xi32>
          %lt3A_637 = arith.constant 0 : i32
          %lt3A_638 = vector.broadcast %lt3A_637 : i32 to vector<16xi32>
          %lt3A_639 = arith.cmpi slt, %rem3A_633, %lt3A_638 : vector<16xi32>
          %lt3A_640 = arith.constant 0 : i32
          %lt3A_641 = arith.cmpi slt, %select_n3A_631, %lt3A_640 : i32
          %ne3A_642 = vector.broadcast %lt3A_641 : i1 to vector<16xi1>
          %ne3A_643 = vector.broadcast %ne3A_642 : vector<16xi1> to vector<16xi1>
          %ne3A_644 = arith.xori %lt3A_639, %ne3A_643 : vector<16xi1>
          %and3A_645 = arith.andi %ne3A_644, %ne3A_636 : vector<16xi1>
          %add3A_646 = vector.broadcast %select_n3A_631 : i32 to vector<16xi32>
          %add3A_647 = arith.addi %rem3A_633, %add3A_646 : vector<16xi32>
          %select_n3A_648 = arith.select %and3A_645, %add3A_647, %rem3A_633 : vector<16xi1>, vector<16xi32>
          %broadcast_in_dim3A_649 = vector.shape_cast %select_n3A_648 : vector<16xi32> to vector<16x1xi32>
          %gather3A_650 = vector.shape_cast %broadcast_in_dim3A_649 : vector<16x1xi32> to vector<16xi32>
          %gather3A_651 = tpu.dynamic_gather %add3A_617[%gather3A_650] in [0] : vector<16xi32>, vector<16xi32> -> vector<16xi32>
          %jit3A_652 = arith.constant 0 : i32
          %broadcast_in_dim3A_653 = vector.broadcast %jit3A_652 : i32 to vector<16xi32>
          %select_n3A_654 = arith.select %ge3A_620, %gather3A_651, %broadcast_in_dim3A_653 : vector<16xi1>, vector<16xi32>
          %add3A_655 = arith.addi %add3A_617, %select_n3A_654 : vector<16xi32>
          %add3A_656 = arith.addi %add3A_655, %scan3A_499 : vector<16xi32>
          %mul3A_657 = arith.constant 16 : i32
          %mul3A_658 = arith.muli %scan3A_498, %mul3A_657 : i32
          %swap3A_659 = arith.index_cast %mul3A_658 : i32 to index
          %swap3A_660 = tpu.vector_load %arg17[%swap3A_659] {strides = array<i32>} : memref<1024xi32, #tpu.memory_space<vmem>>, vector<16xi32>,
          %swap3A_661 = vector.shape_cast %swap3A_660 : vector<16xi32> to vector<16xi32>
          %swap3A_662 = vector.shape_cast %add3A_656 : vector<16xi32> to vector<16xi32>
          tpu.vector_store %arg17[%swap3A_659], %swap3A_662 {strides = array<i32>} : memref<1024xi32, #tpu.memory_space<vmem>>, vector<16xi32>,
          %mul3A_663 = arith.constant 0 : i32
          %mul3A_664 = vector.broadcast %mul3A_663 : i32 to vector<16xi32>
          %mul3A_665 = arith.muli %iota3A, %mul3A_664 : vector<16xi32>
          %add3A_666 = arith.constant 15 : i32
          %add3A_667 = vector.broadcast %add3A_666 : i32 to vector<16xi32>
          %add3A_668 = arith.addi %mul3A_665, %add3A_667 : vector<16xi32>
          %jit3A_669 = arith.constant 16 : i32
          %eq3A_670 = arith.constant 0 : i32
          %eq3A_671 = arith.cmpi eq, %jit3A_669, %eq3A_670 : i32
          %jit3A_672 = arith.constant 1 : i32
          %select_n3A_673 = arith.select %eq3A_671, %jit3A_672, %jit3A_669 : i32
          %rem3A_674 = vector.broadcast %select_n3A_673 : i32 to vector<16xi32>
          %rem3A_675 = arith.remsi %add3A_668, %rem3A_674 : vector<16xi32>
          %ne3A_676 = arith.constant 0 : i32
          %ne3A_677 = vector.broadcast %ne3A_676 : i32 to vector<16xi32>
          %ne3A_678 = arith.cmpi ne, %rem3A_675, %ne3A_677 : vector<16xi32>
          %lt3A_679 = arith.constant 0 : i32
          %lt3A_680 = vector.broadcast %lt3A_679 : i32 to vector<16xi32>
          %lt3A_681 = arith.cmpi slt, %rem3A_675, %lt3A_680 : vector<16xi32>
          %lt3A_682 = arith.constant 0 : i32
          %lt3A_683 = arith.cmpi slt, %select_n3A_673, %lt3A_682 : i32
          %ne3A_684 = vector.broadcast %lt3A_683 : i1 to vector<16xi1>
          %ne3A_685 = vector.broadcast %ne3A_684 : vector<16xi1> to vector<16xi1>
          %ne3A_686 = arith.xori %lt3A_681, %ne3A_685 : vector<16xi1>
          %and3A_687 = arith.andi %ne3A_686, %ne3A_678 : vector<16xi1>
          %add3A_688 = vector.broadcast %select_n3A_673 : i32 to vector<16xi32>
          %add3A_689 = arith.addi %rem3A_675, %add3A_688 : vector<16xi32>
          %select_n3A_690 = arith.select %and3A_687, %add3A_689, %rem3A_675 : vector<16xi1>, vector<16xi32>
          %broadcast_in_dim3A_691 = vector.shape_cast %select_n3A_690 : vector<16xi32> to vector<16x1xi32>
          %gather3A_692 = vector.shape_cast %broadcast_in_dim3A_691 : vector<16x1xi32> to vector<16xi32>
          %gather3A_693 = tpu.dynamic_gather %add3A_656[%gather3A_692] in [0] : vector<16xi32>, vector<16xi32> -> vector<16xi32>
          scf.yield %gather3A_693 : vector<16xi32>
        }
        %scan3A_492 = arith.constant 64 : i32
        %mul3A_493 = arith.constant 13312 : i32
        %mul3A_494 = arith.muli %arg1, %mul3A_493 : i32
        %mul3A_495 = arith.constant 1024 : i32
        %mul3A_496 = arith.muli %scan3A_482, %mul3A_495 : i32
        %add3A_497 = arith.addi %mul3A_494, %mul3A_496 : i32
        "tpu.region"() ({
          %run_scoped3A = tpu.sem_alloc : memref<!tpu.dma_semaphore, #tpu.memory_space<semaphore_mem>>
          %dma_start3A_498 = tpu.memref_slice %arg9[%arg0, %add3A_497] : memref<2x212992xi32, #tpu.memory_space<hbm>> -> memref<1x1024xi32, #tpu.memory_space<hbm>>
          %dma_start3A_499 = tpu.memref_squeeze %dma_start3A_498 : memref<1x1024xi32, #tpu.memory_space<hbm>> -> memref<1024xi32, #tpu.memory_space<hbm>>
          %dma_start3A_500 = tpu.memref_slice %arg9[%arg0, %add3A_497] : memref<2x212992xi32, #tpu.memory_space<hbm>> -> memref<1x1024xi32, #tpu.memory_space<hbm>>
          %dma_start3A_501 = tpu.memref_squeeze %dma_start3A_500 : memref<1x1024xi32, #tpu.memory_space<hbm>> -> memref<1024xi32, #tpu.memory_space<hbm>>
          tpu.enqueue_dma source(%arg17 : memref<1024xi32, #tpu.memory_space<vmem>>) target(%dma_start3A_501 : memref<1024xi32, #tpu.memory_space<hbm>>) target_semaphore(%run_scoped3A : memref<!tpu.dma_semaphore, #tpu.memory_space<semaphore_mem>>)
          %dma_wait3A_502 = tpu.memref_slice %arg9[%arg0, %add3A_497] : memref<2x212992xi32, #tpu.memory_space<hbm>> -> memref<1x1024xi32, #tpu.memory_space<hbm>>
          %dma_wait3A_503 = tpu.memref_squeeze %dma_wait3A_502 : memref<1x1024xi32, #tpu.memory_space<hbm>> -> memref<1024xi32, #tpu.memory_space<hbm>>
          %dma_wait3A_504 = tpu.memref_slice %arg9[%arg0, %add3A_497] : memref<2x212992xi32, #tpu.memory_space<hbm>> -> memref<1x1024xi32, #tpu.memory_space<hbm>>
          %dma_wait3A_505 = tpu.memref_squeeze %dma_wait3A_504 : memref<1x1024xi32, #tpu.memory_space<hbm>> -> memref<1024xi32, #tpu.memory_space<hbm>>
          tpu.wait_dma2 semaphore(%run_scoped3A : memref<!tpu.dma_semaphore, #tpu.memory_space<semaphore_mem>>) src(%arg17 : memref<1024xi32, #tpu.memory_space<vmem>>) dst(%dma_wait3A_505 : memref<1024xi32, #tpu.memory_space<hbm>>)
          tpu.yield
        }) : () -> ()
        scf.yield %scan3A_491 : vector<16xi32>
      }
      %scan3A_478 = arith.constant 13 : i32
      %swap3A = arith.constant 0 : index
      %swap3A_479 = tpu.vector_load %arg19[%swap3A] {strides = array<i32>} : memref<16xi32, #tpu.memory_space<vmem>>, vector<16xi32>,
      %swap3A_480 = vector.shape_cast %swap3A_479 : vector<16xi32> to vector<16xi32>
      %swap3A_481 = vector.shape_cast %scan3A_477 : vector<16xi32> to vector<16xi32>
      tpu.vector_store %arg19[%swap3A], %swap3A_481 {strides = array<i32>} : memref<16xi32, #tpu.memory_space<vmem>>, vector<16xi32>,
      "tpu.region"() ({
        %run_scoped3A = tpu.sem_alloc : memref<!tpu.dma_semaphore, #tpu.memory_space<semaphore_mem>>
        %dma_start3A_482 = arith.constant 0 : i32
        %dma_start3A_483 = tpu.memref_slice %arg12[%arg1, %dma_start3A_482] : memref<16x16xi32, #tpu.memory_space<vmem_shared>> -> memref<1x16xi32, #tpu.memory_space<vmem_shared>>
        %dma_start3A_484 = tpu.memref_squeeze %dma_start3A_483 : memref<1x16xi32, #tpu.memory_space<vmem_shared>> -> memref<16xi32, #tpu.memory_space<vmem_shared>>
        %dma_start3A_485 = arith.constant 0 : i32
        %dma_start3A_486 = tpu.memref_slice %arg12[%arg1, %dma_start3A_485] : memref<16x16xi32, #tpu.memory_space<vmem_shared>> -> memref<1x16xi32, #tpu.memory_space<vmem_shared>>
        %dma_start3A_487 = tpu.memref_squeeze %dma_start3A_486 : memref<1x16xi32, #tpu.memory_space<vmem_shared>> -> memref<16xi32, #tpu.memory_space<vmem_shared>>
        tpu.enqueue_dma source(%arg19 : memref<16xi32, #tpu.memory_space<vmem>>) target(%dma_start3A_487 : memref<16xi32, #tpu.memory_space<vmem_shared>>) target_semaphore(%run_scoped3A : memref<!tpu.dma_semaphore, #tpu.memory_space<semaphore_mem>>)
        %dma_wait3A_488 = arith.constant 0 : i32
        %dma_wait3A_489 = tpu.memref_slice %arg12[%arg1, %dma_wait3A_488] : memref<16x16xi32, #tpu.memory_space<vmem_shared>> -> memref<1x16xi32, #tpu.memory_space<vmem_shared>>
        %dma_wait3A_490 = tpu.memref_squeeze %dma_wait3A_489 : memref<1x16xi32, #tpu.memory_space<vmem_shared>> -> memref<16xi32, #tpu.memory_space<vmem_shared>>
        %dma_wait3A_491 = arith.constant 0 : i32
        %dma_wait3A_492 = tpu.memref_slice %arg12[%arg1, %dma_wait3A_491] : memref<16x16xi32, #tpu.memory_space<vmem_shared>> -> memref<1x16xi32, #tpu.memory_space<vmem_shared>>
        %dma_wait3A_493 = tpu.memref_squeeze %dma_wait3A_492 : memref<1x16xi32, #tpu.memory_space<vmem_shared>> -> memref<16xi32, #tpu.memory_space<vmem_shared>>
        tpu.wait_dma2 semaphore(%run_scoped3A : memref<!tpu.dma_semaphore, #tpu.memory_space<semaphore_mem>>) src(%arg19 : memref<16xi32, #tpu.memory_space<vmem>>) dst(%dma_wait3A_493 : memref<16xi32, #tpu.memory_space<vmem_shared>>)
        tpu.yield
      }) : () -> ()
    } else {
    }
    %barrier3A_61 = arith.constant 0 : index
    tpu.barrier barrier_id(%barrier3A_61)
    "tpu.trace_stop"() : () -> ()
    %mul3A_62 = arith.constant 6656 : i32
    %mul3A_63 = arith.muli %arg1, %mul3A_62 : i32
    "tpu.region"() ({
      %run_scoped3A = tpu.sem_alloc : memref<!tpu.dma_semaphore, #tpu.memory_space<semaphore_mem>>
      %dma_start3A_467 = tpu.memref_slice %arg11[%mul3A_63] : memref<106512xi32, #tpu.memory_space<vmem_shared>> -> memref<6656xi32, #tpu.memory_space<vmem_shared>>
      tpu.enqueue_dma source(%arg6 : memref<6656xi32, #tpu.memory_space<hbm>>) target(%dma_start3A_467 : memref<6656xi32, #tpu.memory_space<vmem_shared>>) target_semaphore(%run_scoped3A : memref<!tpu.dma_semaphore, #tpu.memory_space<semaphore_mem>>)
      %dma_wait3A_468 = tpu.memref_slice %arg11[%mul3A_63] : memref<106512xi32, #tpu.memory_space<vmem_shared>> -> memref<6656xi32, #tpu.memory_space<vmem_shared>>
      tpu.wait_dma2 semaphore(%run_scoped3A : memref<!tpu.dma_semaphore, #tpu.memory_space<semaphore_mem>>) src(%arg6 : memref<6656xi32, #tpu.memory_space<hbm>>) dst(%dma_wait3A_468 : memref<6656xi32, #tpu.memory_space<vmem_shared>>)
      tpu.yield
    }) : () -> ()
    %eq3A_64 = arith.constant 0 : i32
    %eq3A_65 = arith.cmpi eq, %arg1, %eq3A_64 : i32
    %convert_element_type3A_66 = arith.extui %eq3A_65 : i1 to i32
    %cond3A_67 = arith.constant 0 : i32
    %cond3A_68 = arith.cmpi ne, %convert_element_type3A_66, %cond3A_67 : i32
    scf.if %cond3A_68 {
      "tpu.region"() ({
        %run_scoped3A = tpu.sem_alloc : memref<!tpu.dma_semaphore, #tpu.memory_space<semaphore_mem>>
        %dma_start3A_467 = arith.constant 106496 : i32
        %dma_start3A_468 = tpu.memref_slice %arg11[%dma_start3A_467] : memref<106512xi32, #tpu.memory_space<vmem_shared>> -> memref<16xi32, #tpu.memory_space<vmem_shared>>
        %dma_start3A_469 = arith.constant 0 : i32
        %dma_start3A_470 = tpu.memref_slice %arg6[%dma_start3A_469] : memref<6656xi32, #tpu.memory_space<hbm>> -> memref<16xi32, #tpu.memory_space<hbm>>
        tpu.enqueue_dma source(%dma_start3A_470 : memref<16xi32, #tpu.memory_space<hbm>>) target(%dma_start3A_468 : memref<16xi32, #tpu.memory_space<vmem_shared>>) target_semaphore(%run_scoped3A : memref<!tpu.dma_semaphore, #tpu.memory_space<semaphore_mem>>)
        %dma_wait3A_471 = arith.constant 106496 : i32
        %dma_wait3A_472 = tpu.memref_slice %arg11[%dma_wait3A_471] : memref<106512xi32, #tpu.memory_space<vmem_shared>> -> memref<16xi32, #tpu.memory_space<vmem_shared>>
        %dma_wait3A_473 = arith.constant 0 : i32
        %dma_wait3A_474 = tpu.memref_slice %arg6[%dma_wait3A_473] : memref<6656xi32, #tpu.memory_space<hbm>> -> memref<16xi32, #tpu.memory_space<hbm>>
        tpu.wait_dma2 semaphore(%run_scoped3A : memref<!tpu.dma_semaphore, #tpu.memory_space<semaphore_mem>>) src(%dma_wait3A_474 : memref<16xi32, #tpu.memory_space<hbm>>) dst(%dma_wait3A_472 : memref<16xi32, #tpu.memory_space<vmem_shared>>)
        tpu.yield
      }) : () -> ()
    } else {
    }
    %barrier3A_69 = arith.constant 0 : index
    tpu.barrier barrier_id(%barrier3A_69)
    "tpu.trace_start"() <{level = 10 : i32, message = "ph_hist1"}> : () -> ()
    %mul3A_70 = arith.constant 6656 : i32
    %mul3A_71 = arith.muli %arg1, %mul3A_70 : i32
    %add3A_72 = arith.constant 0 : i32
    %add3A_73 = arith.addi %mul3A_71, %add3A_72 : i32
    %add3A_74 = arith.constant 0 : i32
    %add3A_75 = arith.addi %add3A_73, %add3A_74 : i32
    %dma_start3A_76 = arith.constant 0 : i32
    %dma_start3A_77 = arith.constant 0 : i32
    %dma_start3A_78 = tpu.memref_slice %arg16[%dma_start3A_76, %dma_start3A_77] : memref<8x128xi32, #tpu.memory_space<vmem>> -> memref<1x128xi32, #tpu.memory_space<vmem>>
    %dma_start3A_79 = tpu.memref_squeeze %dma_start3A_78 : memref<1x128xi32, #tpu.memory_space<vmem>> -> memref<128xi32, #tpu.memory_space<vmem>>
    %dma_start3A_80 = tpu.memref_slice %arg3[%add3A_75] : memref<106497xi32, #tpu.memory_space<hbm>> -> memref<128xi32, #tpu.memory_space<hbm>>
    %dma_start3A_81 = arith.constant 0 : i32
    %dma_start3A_82 = tpu.memref_slice %arg16[%dma_start3A_76, %dma_start3A_81] : memref<8x128xi32, #tpu.memory_space<vmem>> -> memref<1x128xi32, #tpu.memory_space<vmem>>
    %dma_start3A_83 = tpu.memref_squeeze %dma_start3A_82 : memref<1x128xi32, #tpu.memory_space<vmem>> -> memref<128xi32, #tpu.memory_space<vmem>>
    %dma_start3A_84 = tpu.memref_slice %arg3[%add3A_75] : memref<106497xi32, #tpu.memory_space<hbm>> -> memref<128xi32, #tpu.memory_space<hbm>>
    tpu.enqueue_dma source(%dma_start3A_84 : memref<128xi32, #tpu.memory_space<hbm>>) target(%dma_start3A_83 : memref<128xi32, #tpu.memory_space<vmem>>) target_semaphore(%arg21 : memref<!tpu.dma_semaphore, #tpu.memory_space<semaphore_mem>>)
    %add3A_85 = arith.constant 128 : i32
    %add3A_86 = arith.addi %add3A_73, %add3A_85 : i32
    %dma_start3A_87 = arith.constant 1 : i32
    %dma_start3A_88 = arith.constant 0 : i32
    %dma_start3A_89 = tpu.memref_slice %arg16[%dma_start3A_87, %dma_start3A_88] : memref<8x128xi32, #tpu.memory_space<vmem>> -> memref<1x128xi32, #tpu.memory_space<vmem>>
    %dma_start3A_90 = tpu.memref_squeeze %dma_start3A_89 : memref<1x128xi32, #tpu.memory_space<vmem>> -> memref<128xi32, #tpu.memory_space<vmem>>
    %dma_start3A_91 = tpu.memref_slice %arg3[%add3A_86] : memref<106497xi32, #tpu.memory_space<hbm>> -> memref<128xi32, #tpu.memory_space<hbm>>
    %dma_start3A_92 = arith.constant 0 : i32
    %dma_start3A_93 = tpu.memref_slice %arg16[%dma_start3A_87, %dma_start3A_92] : memref<8x128xi32, #tpu.memory_space<vmem>> -> memref<1x128xi32, #tpu.memory_space<vmem>>
    %dma_start3A_94 = tpu.memref_squeeze %dma_start3A_93 : memref<1x128xi32, #tpu.memory_space<vmem>> -> memref<128xi32, #tpu.memory_space<vmem>>
    %dma_start3A_95 = tpu.memref_slice %arg3[%add3A_86] : memref<106497xi32, #tpu.memory_space<hbm>> -> memref<128xi32, #tpu.memory_space<hbm>>
    tpu.enqueue_dma source(%dma_start3A_95 : memref<128xi32, #tpu.memory_space<hbm>>) target(%dma_start3A_94 : memref<128xi32, #tpu.memory_space<vmem>>) target_semaphore(%arg21 : memref<!tpu.dma_semaphore, #tpu.memory_space<semaphore_mem>>)
    %scan3A_96 = arith.constant 0 : i32
    %scan3A_97 = arith.constant 0 : i32
    %scan3A_98 = arith.constant 26 : i32
    %scan3A_99 = arith.addi %scan3A_97, %scan3A_98 : i32
    %scan3A_100 = arith.constant 1 : i32
    scf.for %scan3A_467 = %scan3A_97 to %scan3A_99 step %scan3A_100  : i32 {
      %and3A_468 = arith.constant 1 : i32
      %and3A_469 = arith.andi %scan3A_467, %and3A_468 : i32
      %gt3A = arith.constant 0 : i32
      %gt3A_470 = arith.cmpi sgt, %scan3A_467, %gt3A : i32
      %convert_element_type3A_471 = arith.extui %gt3A_470 : i1 to i32
      %cond3A_472 = arith.constant 0 : i32
      %cond3A_473 = arith.cmpi ne, %convert_element_type3A_471, %cond3A_472 : i32
      scf.if %cond3A_473 {
        %sub3A_531 = arith.constant 1 : i32
        %sub3A_532 = arith.subi %sub3A_531, %and3A_469 : i32
        %dma_wait3A_533 = arith.constant 0 : i32
        %dma_wait3A_534 = tpu.memref_slice %arg11[%dma_wait3A_533] : memref<106512xi32, #tpu.memory_space<vmem_shared>> -> memref<128xi32, #tpu.memory_space<vmem_shared>>
        %dma_wait3A_535 = arith.constant 0 : i32
        %dma_wait3A_536 = tpu.memref_slice %arg11[%dma_wait3A_535] : memref<106512xi32, #tpu.memory_space<vmem_shared>> -> memref<128xi32, #tpu.memory_space<vmem_shared>>
        tpu.wait_dma2 semaphore(%arg24 : memref<!tpu.dma_semaphore, #tpu.memory_space<semaphore_mem>>) src(%arg20 : memref<128xi32, #tpu.memory_space<vmem>>) dst(%dma_wait3A_536 : memref<128xi32, #tpu.memory_space<vmem_shared>>)
        %dma_wait3A_537 = arith.constant 0 : i32
        %dma_wait3A_538 = tpu.memref_slice %arg11[%dma_wait3A_537] : memref<106512xi32, #tpu.memory_space<vmem_shared>> -> memref<128xi32, #tpu.memory_space<vmem_shared>>
        %dma_wait3A_539 = arith.constant 0 : i32
        %dma_wait3A_540 = tpu.memref_slice %arg11[%dma_wait3A_539] : memref<106512xi32, #tpu.memory_space<vmem_shared>> -> memref<128xi32, #tpu.memory_space<vmem_shared>>
        tpu.wait_dma2 semaphore(%arg24 : memref<!tpu.dma_semaphore, #tpu.memory_space<semaphore_mem>>) src(%arg20 : memref<128xi32, #tpu.memory_space<vmem>>) dst(%dma_wait3A_540 : memref<128xi32, #tpu.memory_space<vmem_shared>>)
      } else {
      }
      %mul3A_474 = arith.constant 2 : i32
      %mul3A_475 = arith.muli %mul3A_474, %and3A_469 : i32
      %add3A_476 = arith.constant 0 : i32
      %add3A_477 = arith.addi %mul3A_475, %add3A_476 : i32
      %dma_wait3A_478 = arith.constant 0 : i32
      %dma_wait3A_479 = tpu.memref_slice %arg16[%add3A_477, %dma_wait3A_478] : memref<8x128xi32, #tpu.memory_space<vmem>> -> memref<1x128xi32, #tpu.memory_space<vmem>>
      %dma_wait3A_480 = tpu.memref_squeeze %dma_wait3A_479 : memref<1x128xi32, #tpu.memory_space<vmem>> -> memref<128xi32, #tpu.memory_space<vmem>>
      %dma_wait3A_481 = arith.constant 0 : i32
      %dma_wait3A_482 = tpu.memref_slice %arg3[%dma_wait3A_481] : memref<106497xi32, #tpu.memory_space<hbm>> -> memref<128xi32, #tpu.memory_space<hbm>>
      %dma_wait3A_483 = arith.constant 0 : i32
      %dma_wait3A_484 = tpu.memref_slice %arg16[%add3A_477, %dma_wait3A_483] : memref<8x128xi32, #tpu.memory_space<vmem>> -> memref<1x128xi32, #tpu.memory_space<vmem>>
      %dma_wait3A_485 = tpu.memref_squeeze %dma_wait3A_484 : memref<1x128xi32, #tpu.memory_space<vmem>> -> memref<128xi32, #tpu.memory_space<vmem>>
      %dma_wait3A_486 = arith.constant 0 : i32
      %dma_wait3A_487 = tpu.memref_slice %arg3[%dma_wait3A_486] : memref<106497xi32, #tpu.memory_space<hbm>> -> memref<128xi32, #tpu.memory_space<hbm>>
      tpu.wait_dma2 semaphore(%arg21 : memref<!tpu.dma_semaphore, #tpu.memory_space<semaphore_mem>>) src(%dma_wait3A_487 : memref<128xi32, #tpu.memory_space<hbm>>) dst(%dma_wait3A_485 : memref<128xi32, #tpu.memory_space<vmem>>)
      %mul3A_488 = arith.constant 2 : i32
      %mul3A_489 = arith.muli %mul3A_488, %and3A_469 : i32
      %add3A_490 = arith.constant 1 : i32
      %add3A_491 = arith.addi %mul3A_489, %add3A_490 : i32
      %dma_wait3A_492 = arith.constant 0 : i32
      %dma_wait3A_493 = tpu.memref_slice %arg16[%add3A_491, %dma_wait3A_492] : memref<8x128xi32, #tpu.memory_space<vmem>> -> memref<1x128xi32, #tpu.memory_space<vmem>>
      %dma_wait3A_494 = tpu.memref_squeeze %dma_wait3A_493 : memref<1x128xi32, #tpu.memory_space<vmem>> -> memref<128xi32, #tpu.memory_space<vmem>>
      %dma_wait3A_495 = arith.constant 0 : i32
      %dma_wait3A_496 = tpu.memref_slice %arg3[%dma_wait3A_495] : memref<106497xi32, #tpu.memory_space<hbm>> -> memref<128xi32, #tpu.memory_space<hbm>>
      %dma_wait3A_497 = arith.constant 0 : i32
      %dma_wait3A_498 = tpu.memref_slice %arg16[%add3A_491, %dma_wait3A_497] : memref<8x128xi32, #tpu.memory_space<vmem>> -> memref<1x128xi32, #tpu.memory_space<vmem>>
      %dma_wait3A_499 = tpu.memref_squeeze %dma_wait3A_498 : memref<1x128xi32, #tpu.memory_space<vmem>> -> memref<128xi32, #tpu.memory_space<vmem>>
      %dma_wait3A_500 = arith.constant 0 : i32
      %dma_wait3A_501 = tpu.memref_slice %arg3[%dma_wait3A_500] : memref<106497xi32, #tpu.memory_space<hbm>> -> memref<128xi32, #tpu.memory_space<hbm>>
      tpu.wait_dma2 semaphore(%arg21 : memref<!tpu.dma_semaphore, #tpu.memory_space<semaphore_mem>>) src(%dma_wait3A_501 : memref<128xi32, #tpu.memory_space<hbm>>) dst(%dma_wait3A_499 : memref<128xi32, #tpu.memory_space<vmem>>)
      %lt3A_502 = arith.constant 25 : i32
      %lt3A_503 = arith.cmpi slt, %scan3A_467, %lt3A_502 : i32
      %convert_element_type3A_504 = arith.extui %lt3A_503 : i1 to i32
      %cond3A_505 = arith.constant 0 : i32
      %cond3A_506 = arith.cmpi ne, %convert_element_type3A_504, %cond3A_505 : i32
      scf.if %cond3A_506 {
        %add3A_531 = arith.constant 1 : i32
        %add3A_532 = arith.addi %scan3A_467, %add3A_531 : i32
        %sub3A_533 = arith.constant 1 : i32
        %sub3A_534 = arith.subi %sub3A_533, %and3A_469 : i32
        %mul3A_535 = arith.constant 6656 : i32
        %mul3A_536 = arith.muli %arg1, %mul3A_535 : i32
        %mul3A_537 = arith.constant 256 : i32
        %mul3A_538 = arith.muli %add3A_532, %mul3A_537 : i32
        %add3A_539 = arith.addi %mul3A_536, %mul3A_538 : i32
        %add3A_540 = arith.constant 0 : i32
        %add3A_541 = arith.addi %add3A_539, %add3A_540 : i32
        %mul3A_542 = arith.constant 2 : i32
        %mul3A_543 = arith.muli %mul3A_542, %sub3A_534 : i32
        %add3A_544 = arith.constant 0 : i32
        %add3A_545 = arith.addi %mul3A_543, %add3A_544 : i32
        %dma_start3A_546 = arith.constant 0 : i32
        %dma_start3A_547 = tpu.memref_slice %arg16[%add3A_545, %dma_start3A_546] : memref<8x128xi32, #tpu.memory_space<vmem>> -> memref<1x128xi32, #tpu.memory_space<vmem>>
        %dma_start3A_548 = tpu.memref_squeeze %dma_start3A_547 : memref<1x128xi32, #tpu.memory_space<vmem>> -> memref<128xi32, #tpu.memory_space<vmem>>
        %dma_start3A_549 = tpu.memref_slice %arg3[%add3A_541] : memref<106497xi32, #tpu.memory_space<hbm>> -> memref<128xi32, #tpu.memory_space<hbm>>
        %dma_start3A_550 = arith.constant 0 : i32
        %dma_start3A_551 = tpu.memref_slice %arg16[%add3A_545, %dma_start3A_550] : memref<8x128xi32, #tpu.memory_space<vmem>> -> memref<1x128xi32, #tpu.memory_space<vmem>>
        %dma_start3A_552 = tpu.memref_squeeze %dma_start3A_551 : memref<1x128xi32, #tpu.memory_space<vmem>> -> memref<128xi32, #tpu.memory_space<vmem>>
        %dma_start3A_553 = tpu.memref_slice %arg3[%add3A_541] : memref<106497xi32, #tpu.memory_space<hbm>> -> memref<128xi32, #tpu.memory_space<hbm>>
        tpu.enqueue_dma source(%dma_start3A_553 : memref<128xi32, #tpu.memory_space<hbm>>) target(%dma_start3A_552 : memref<128xi32, #tpu.memory_space<vmem>>) target_semaphore(%arg21 : memref<!tpu.dma_semaphore, #tpu.memory_space<semaphore_mem>>)
        %add3A_554 = arith.constant 128 : i32
        %add3A_555 = arith.addi %add3A_539, %add3A_554 : i32
        %mul3A_556 = arith.constant 2 : i32
        %mul3A_557 = arith.muli %mul3A_556, %sub3A_534 : i32
        %add3A_558 = arith.constant 1 : i32
        %add3A_559 = arith.addi %mul3A_557, %add3A_558 : i32
        %dma_start3A_560 = arith.constant 0 : i32
        %dma_start3A_561 = tpu.memref_slice %arg16[%add3A_559, %dma_start3A_560] : memref<8x128xi32, #tpu.memory_space<vmem>> -> memref<1x128xi32, #tpu.memory_space<vmem>>
        %dma_start3A_562 = tpu.memref_squeeze %dma_start3A_561 : memref<1x128xi32, #tpu.memory_space<vmem>> -> memref<128xi32, #tpu.memory_space<vmem>>
        %dma_start3A_563 = tpu.memref_slice %arg3[%add3A_555] : memref<106497xi32, #tpu.memory_space<hbm>> -> memref<128xi32, #tpu.memory_space<hbm>>
        %dma_start3A_564 = arith.constant 0 : i32
        %dma_start3A_565 = tpu.memref_slice %arg16[%add3A_559, %dma_start3A_564] : memref<8x128xi32, #tpu.memory_space<vmem>> -> memref<1x128xi32, #tpu.memory_space<vmem>>
        %dma_start3A_566 = tpu.memref_squeeze %dma_start3A_565 : memref<1x128xi32, #tpu.memory_space<vmem>> -> memref<128xi32, #tpu.memory_space<vmem>>
        %dma_start3A_567 = tpu.memref_slice %arg3[%add3A_555] : memref<106497xi32, #tpu.memory_space<hbm>> -> memref<128xi32, #tpu.memory_space<hbm>>
        tpu.enqueue_dma source(%dma_start3A_567 : memref<128xi32, #tpu.memory_space<hbm>>) target(%dma_start3A_566 : memref<128xi32, #tpu.memory_space<vmem>>) target_semaphore(%arg21 : memref<!tpu.dma_semaphore, #tpu.memory_space<semaphore_mem>>)
      } else {
      }
      %scan3A_507 = arith.constant 0 : i32
      %scan3A_508 = arith.constant 0 : i32
      %scan3A_509 = arith.constant 16 : i32
      %scan3A_510 = arith.addi %scan3A_508, %scan3A_509 : i32
      %scan3A_511 = arith.constant 1 : i32
      scf.for %scan3A_531 = %scan3A_508 to %scan3A_510 step %scan3A_511  : i32 {
        %mul3A_532 = arith.constant 2 : i32
        %mul3A_533 = arith.muli %mul3A_532, %and3A_469 : i32
        %shift_right_arithmetic3A = arith.constant 3 : i32
        %shift_right_arithmetic3A_534 = arith.shrsi %scan3A_531, %shift_right_arithmetic3A : i32
        %add3A_535 = arith.addi %mul3A_533, %shift_right_arithmetic3A_534 : i32
        %and3A_536 = arith.constant 7 : i32
        %and3A_537 = arith.andi %scan3A_531, %and3A_536 : i32
        %mul3A_538 = arith.constant 16 : i32
        %mul3A_539 = arith.muli %and3A_537, %mul3A_538 : i32
        %get3A_540 = arith.index_cast %add3A_535 : i32 to index
        %get3A_541 = arith.index_cast %mul3A_539 : i32 to index
        %get3A_542 = tpu.vector_load %arg16[%get3A_540, %get3A_541] {strides = array<i32>} : memref<8x128xi32, #tpu.memory_space<vmem>>, vector<1x16xi32>,
        %get3A_543 = vector.shape_cast %get3A_542 : vector<1x16xi32> to vector<16xi32>
        %sub3A_544 = arith.constant 106496 : i32
        %sub3A_545 = vector.broadcast %sub3A_544 : i32 to vector<16xi32>
        %sub3A_546 = arith.subi %get3A_543, %sub3A_545 : vector<16xi32>
        %lt3A_547 = arith.constant 0 : i32
        %lt3A_548 = vector.broadcast %lt3A_547 : i32 to vector<16xi32>
        %lt3A_549 = arith.cmpi slt, %sub3A_546, %lt3A_548 : vector<16xi32>
        %min3A = arith.constant 106496 : i32
        %min3A_550 = vector.broadcast %min3A : i32 to vector<16xi32>
        %min3A_551 = arith.minsi %sub3A_546, %min3A_550 : vector<16xi32>
        %jit3A_552 = arith.constant 106496 : i32
        %broadcast_in_dim3A_553 = vector.broadcast %jit3A_552 : i32 to vector<16xi32>
        %select_n3A_554 = arith.select %lt3A_549, %broadcast_in_dim3A_553, %min3A_551 : vector<16xi1>, vector<16xi32>
        %and3A_555 = arith.constant 7 : i32
        %and3A_556 = arith.andi %scan3A_531, %and3A_555 : i32
        %mul3A_557 = arith.constant 16 : i32
        %mul3A_558 = arith.muli %and3A_556, %mul3A_557 : i32
        %swap3A = arith.index_cast %add3A_535 : i32 to index
        %swap3A_559 = arith.index_cast %mul3A_558 : i32 to index
        %swap3A_560 = tpu.vector_load %arg16[%swap3A, %swap3A_559] {strides = array<i32>} : memref<8x128xi32, #tpu.memory_space<vmem>>, vector<1x16xi32>,
        %swap3A_561 = vector.shape_cast %swap3A_560 : vector<1x16xi32> to vector<16xi32>
        %swap3A_562 = vector.shape_cast %select_n3A_554 : vector<16xi32> to vector<1x16xi32>
        tpu.vector_store %arg16[%swap3A, %swap3A_559], %swap3A_562 {strides = array<i32>} : memref<8x128xi32, #tpu.memory_space<vmem>>, vector<1x16xi32>,
      }
      %scan3A_512 = arith.constant 16 : i32
      %mul3A_513 = arith.constant 2 : i32
      %mul3A_514 = arith.muli %mul3A_513, %and3A_469 : i32
      %add3A_515 = arith.constant 0 : i32
      %add3A_516 = arith.addi %mul3A_514, %add3A_515 : i32
      %dma_start3A_517 = arith.constant 0 : i32
      %dma_start3A_518 = tpu.memref_slice %arg16[%add3A_516, %dma_start3A_517] : memref<8x128xi32, #tpu.memory_space<vmem>> -> memref<1x128xi32, #tpu.memory_space<vmem>>
      %dma_start3A_519 = tpu.memref_squeeze %dma_start3A_518 : memref<1x128xi32, #tpu.memory_space<vmem>> -> memref<128xi32, #tpu.memory_space<vmem>>
      %dma_start3A_520 = arith.constant 0 : i32
      %dma_start3A_521 = tpu.memref_slice %arg11[%dma_start3A_520] : memref<106512xi32, #tpu.memory_space<vmem_shared>> -> memref<106512xi32, #tpu.memory_space<vmem_shared>>
      tpu.enqueue_indirect_dma source(%arg20 : memref<128xi32, #tpu.memory_space<vmem>>) target(%dma_start3A_521 : memref<106512xi32, #tpu.memory_space<vmem_shared>>) offsets(%dma_start3A_519 : memref<128xi32, #tpu.memory_space<vmem>>) semaphore(%arg24 : memref<!tpu.dma_semaphore, #tpu.memory_space<semaphore_mem>>) {add = true}
      %mul3A_522 = arith.constant 2 : i32
      %mul3A_523 = arith.muli %mul3A_522, %and3A_469 : i32
      %add3A_524 = arith.constant 1 : i32
      %add3A_525 = arith.addi %mul3A_523, %add3A_524 : i32
      %dma_start3A_526 = arith.constant 0 : i32
      %dma_start3A_527 = tpu.memref_slice %arg16[%add3A_525, %dma_start3A_526] : memref<8x128xi32, #tpu.memory_space<vmem>> -> memref<1x128xi32, #tpu.memory_space<vmem>>
      %dma_start3A_528 = tpu.memref_squeeze %dma_start3A_527 : memref<1x128xi32, #tpu.memory_space<vmem>> -> memref<128xi32, #tpu.memory_space<vmem>>
      %dma_start3A_529 = arith.constant 0 : i32
      %dma_start3A_530 = tpu.memref_slice %arg11[%dma_start3A_529] : memref<106512xi32, #tpu.memory_space<vmem_shared>> -> memref<106512xi32, #tpu.memory_space<vmem_shared>>
      tpu.enqueue_indirect_dma source(%arg20 : memref<128xi32, #tpu.memory_space<vmem>>) target(%dma_start3A_530 : memref<106512xi32, #tpu.memory_space<vmem_shared>>) offsets(%dma_start3A_528 : memref<128xi32, #tpu.memory_space<vmem>>) semaphore(%arg24 : memref<!tpu.dma_semaphore, #tpu.memory_space<semaphore_mem>>) {add = true}
    }
    %scan3A_101 = arith.constant 26 : i32
    %dma_wait3A_102 = arith.constant 0 : i32
    %dma_wait3A_103 = tpu.memref_slice %arg11[%dma_wait3A_102] : memref<106512xi32, #tpu.memory_space<vmem_shared>> -> memref<128xi32, #tpu.memory_space<vmem_shared>>
    %dma_wait3A_104 = arith.constant 0 : i32
    %dma_wait3A_105 = tpu.memref_slice %arg11[%dma_wait3A_104] : memref<106512xi32, #tpu.memory_space<vmem_shared>> -> memref<128xi32, #tpu.memory_space<vmem_shared>>
    tpu.wait_dma2 semaphore(%arg24 : memref<!tpu.dma_semaphore, #tpu.memory_space<semaphore_mem>>) src(%arg20 : memref<128xi32, #tpu.memory_space<vmem>>) dst(%dma_wait3A_105 : memref<128xi32, #tpu.memory_space<vmem_shared>>)
    %dma_wait3A_106 = arith.constant 0 : i32
    %dma_wait3A_107 = tpu.memref_slice %arg11[%dma_wait3A_106] : memref<106512xi32, #tpu.memory_space<vmem_shared>> -> memref<128xi32, #tpu.memory_space<vmem_shared>>
    %dma_wait3A_108 = arith.constant 0 : i32
    %dma_wait3A_109 = tpu.memref_slice %arg11[%dma_wait3A_108] : memref<106512xi32, #tpu.memory_space<vmem_shared>> -> memref<128xi32, #tpu.memory_space<vmem_shared>>
    tpu.wait_dma2 semaphore(%arg24 : memref<!tpu.dma_semaphore, #tpu.memory_space<semaphore_mem>>) src(%arg20 : memref<128xi32, #tpu.memory_space<vmem>>) dst(%dma_wait3A_109 : memref<128xi32, #tpu.memory_space<vmem_shared>>)
    %barrier3A_110 = arith.constant 0 : index
    tpu.barrier barrier_id(%barrier3A_110)
    %ge3A_111 = arith.constant 8 : i32
    "tpu.trace_stop"() : () -> ()
    "tpu.trace_start"() <{level = 10 : i32, message = "ph_cumsum1"}> : () -> ()
    %ge3A_112 = arith.cmpi sge, %arg1, %ge3A_111 : i32
    %lt3A_113 = arith.constant 16 : i32
    %lt3A_114 = arith.cmpi slt, %arg1, %lt3A_113 : i32
    %and3A_115 = arith.andi %ge3A_112, %lt3A_114 : i1
    %convert_element_type3A_116 = arith.extui %and3A_115 : i1 to i32
    %cond3A_117 = arith.constant 0 : i32
    %cond3A_118 = arith.cmpi ne, %convert_element_type3A_116, %cond3A_117 : i32
    scf.if %cond3A_118 {
      %sub3A_467 = arith.constant 8 : i32
      %sub3A_468 = arith.subi %arg1, %sub3A_467 : i32
      %mul3A_469 = arith.constant 13312 : i32
      %mul3A_470 = arith.muli %sub3A_468, %mul3A_469 : i32
      %broadcast_in_dim3A_471 = arith.constant 0 : i32
      %broadcast_in_dim3A_472 = vector.broadcast %broadcast_in_dim3A_471 : i32 to vector<16xi32>
      %scan3A_473 = arith.constant 0 : i32
      %scan3A_474 = arith.constant 13 : i32
      %scan3A_475 = arith.addi %scan3A_473, %scan3A_474 : i32
      %scan3A_476 = arith.constant 1 : i32
      %scan3A_477 = scf.for %scan3A_482 = %scan3A_473 to %scan3A_475 step %scan3A_476 iter_args(%scan3A_483 = %broadcast_in_dim3A_472) -> (vector<16xi32>)  : i32 {
        %mul3A_484 = arith.constant 1024 : i32
        %mul3A_485 = arith.muli %scan3A_482, %mul3A_484 : i32
        %add3A_486 = arith.addi %mul3A_470, %mul3A_485 : i32
        "tpu.region"() ({
          %run_scoped3A = tpu.sem_alloc : memref<!tpu.dma_semaphore, #tpu.memory_space<semaphore_mem>>
          %dma_start3A_498 = tpu.memref_slice %arg11[%add3A_486] : memref<106512xi32, #tpu.memory_space<vmem_shared>> -> memref<1024xi32, #tpu.memory_space<vmem_shared>>
          %dma_start3A_499 = tpu.memref_slice %arg11[%add3A_486] : memref<106512xi32, #tpu.memory_space<vmem_shared>> -> memref<1024xi32, #tpu.memory_space<vmem_shared>>
          tpu.enqueue_dma source(%dma_start3A_499 : memref<1024xi32, #tpu.memory_space<vmem_shared>>) target(%arg17 : memref<1024xi32, #tpu.memory_space<vmem>>) target_semaphore(%run_scoped3A : memref<!tpu.dma_semaphore, #tpu.memory_space<semaphore_mem>>)
          %dma_wait3A_500 = tpu.memref_slice %arg11[%add3A_486] : memref<106512xi32, #tpu.memory_space<vmem_shared>> -> memref<1024xi32, #tpu.memory_space<vmem_shared>>
          %dma_wait3A_501 = tpu.memref_slice %arg11[%add3A_486] : memref<106512xi32, #tpu.memory_space<vmem_shared>> -> memref<1024xi32, #tpu.memory_space<vmem_shared>>
          tpu.wait_dma2 semaphore(%run_scoped3A : memref<!tpu.dma_semaphore, #tpu.memory_space<semaphore_mem>>) src(%dma_wait3A_501 : memref<1024xi32, #tpu.memory_space<vmem_shared>>) dst(%arg17 : memref<1024xi32, #tpu.memory_space<vmem>>)
          tpu.yield
        }) : () -> ()
        %scan3A_487 = arith.constant 0 : i32
        %scan3A_488 = arith.constant 64 : i32
        %scan3A_489 = arith.addi %scan3A_487, %scan3A_488 : i32
        %scan3A_490 = arith.constant 1 : i32
        %scan3A_491 = scf.for %scan3A_498 = %scan3A_487 to %scan3A_489 step %scan3A_490 iter_args(%scan3A_499 = %scan3A_483) -> (vector<16xi32>)  : i32 {
          %mul3A_500 = arith.constant 16 : i32
          %mul3A_501 = arith.muli %scan3A_498, %mul3A_500 : i32
          %get3A_502 = arith.index_cast %mul3A_501 : i32 to index
          %get3A_503 = tpu.vector_load %arg17[%get3A_502] {strides = array<i32>} : memref<1024xi32, #tpu.memory_space<vmem>>, vector<16xi32>,
          %get3A_504 = vector.shape_cast %get3A_503 : vector<16xi32> to vector<16xi32>
          %ge3A_505 = arith.constant 1 : i32
          %ge3A_506 = vector.broadcast %ge3A_505 : i32 to vector<16xi32>
          %ge3A_507 = arith.cmpi sge, %iota3A, %ge3A_506 : vector<16xi32>
          %sub3A_508 = arith.constant 1 : i32
          %sub3A_509 = vector.broadcast %sub3A_508 : i32 to vector<16xi32>
          %sub3A_510 = arith.subi %iota3A, %sub3A_509 : vector<16xi32>
          %max3A = arith.constant 0 : i32
          %max3A_511 = vector.broadcast %max3A : i32 to vector<16xi32>
          %max3A_512 = arith.maxsi %sub3A_510, %max3A_511 : vector<16xi32>
          %jit3A_513 = arith.constant 16 : i32
          %eq3A_514 = arith.constant 0 : i32
          %eq3A_515 = arith.cmpi eq, %jit3A_513, %eq3A_514 : i32
          %jit3A_516 = arith.constant 1 : i32
          %select_n3A_517 = arith.select %eq3A_515, %jit3A_516, %jit3A_513 : i32
          %rem3A_518 = vector.broadcast %select_n3A_517 : i32 to vector<16xi32>
          %rem3A_519 = arith.remsi %max3A_512, %rem3A_518 : vector<16xi32>
          %ne3A_520 = arith.constant 0 : i32
          %ne3A_521 = vector.broadcast %ne3A_520 : i32 to vector<16xi32>
          %ne3A_522 = arith.cmpi ne, %rem3A_519, %ne3A_521 : vector<16xi32>
          %lt3A_523 = arith.constant 0 : i32
          %lt3A_524 = vector.broadcast %lt3A_523 : i32 to vector<16xi32>
          %lt3A_525 = arith.cmpi slt, %rem3A_519, %lt3A_524 : vector<16xi32>
          %lt3A_526 = arith.constant 0 : i32
          %lt3A_527 = arith.cmpi slt, %select_n3A_517, %lt3A_526 : i32
          %ne3A_528 = vector.broadcast %lt3A_527 : i1 to vector<16xi1>
          %ne3A_529 = vector.broadcast %ne3A_528 : vector<16xi1> to vector<16xi1>
          %ne3A_530 = arith.xori %lt3A_525, %ne3A_529 : vector<16xi1>
          %and3A_531 = arith.andi %ne3A_530, %ne3A_522 : vector<16xi1>
          %add3A_532 = vector.broadcast %select_n3A_517 : i32 to vector<16xi32>
          %add3A_533 = arith.addi %rem3A_519, %add3A_532 : vector<16xi32>
          %select_n3A_534 = arith.select %and3A_531, %add3A_533, %rem3A_519 : vector<16xi1>, vector<16xi32>
          %broadcast_in_dim3A_535 = vector.shape_cast %select_n3A_534 : vector<16xi32> to vector<16x1xi32>
          %gather3A_536 = vector.shape_cast %broadcast_in_dim3A_535 : vector<16x1xi32> to vector<16xi32>
          %gather3A_537 = tpu.dynamic_gather %get3A_504[%gather3A_536] in [0] : vector<16xi32>, vector<16xi32> -> vector<16xi32>
          %jit3A_538 = arith.constant 0 : i32
          %broadcast_in_dim3A_539 = vector.broadcast %jit3A_538 : i32 to vector<16xi32>
          %select_n3A_540 = arith.select %ge3A_507, %gather3A_537, %broadcast_in_dim3A_539 : vector<16xi1>, vector<16xi32>
          %add3A_541 = arith.addi %get3A_504, %select_n3A_540 : vector<16xi32>
          %ge3A_542 = arith.constant 2 : i32
          %ge3A_543 = vector.broadcast %ge3A_542 : i32 to vector<16xi32>
          %ge3A_544 = arith.cmpi sge, %iota3A, %ge3A_543 : vector<16xi32>
          %sub3A_545 = arith.constant 2 : i32
          %sub3A_546 = vector.broadcast %sub3A_545 : i32 to vector<16xi32>
          %sub3A_547 = arith.subi %iota3A, %sub3A_546 : vector<16xi32>
          %max3A_548 = arith.constant 0 : i32
          %max3A_549 = vector.broadcast %max3A_548 : i32 to vector<16xi32>
          %max3A_550 = arith.maxsi %sub3A_547, %max3A_549 : vector<16xi32>
          %jit3A_551 = arith.constant 16 : i32
          %eq3A_552 = arith.constant 0 : i32
          %eq3A_553 = arith.cmpi eq, %jit3A_551, %eq3A_552 : i32
          %jit3A_554 = arith.constant 1 : i32
          %select_n3A_555 = arith.select %eq3A_553, %jit3A_554, %jit3A_551 : i32
          %rem3A_556 = vector.broadcast %select_n3A_555 : i32 to vector<16xi32>
          %rem3A_557 = arith.remsi %max3A_550, %rem3A_556 : vector<16xi32>
          %ne3A_558 = arith.constant 0 : i32
          %ne3A_559 = vector.broadcast %ne3A_558 : i32 to vector<16xi32>
          %ne3A_560 = arith.cmpi ne, %rem3A_557, %ne3A_559 : vector<16xi32>
          %lt3A_561 = arith.constant 0 : i32
          %lt3A_562 = vector.broadcast %lt3A_561 : i32 to vector<16xi32>
          %lt3A_563 = arith.cmpi slt, %rem3A_557, %lt3A_562 : vector<16xi32>
          %lt3A_564 = arith.constant 0 : i32
          %lt3A_565 = arith.cmpi slt, %select_n3A_555, %lt3A_564 : i32
          %ne3A_566 = vector.broadcast %lt3A_565 : i1 to vector<16xi1>
          %ne3A_567 = vector.broadcast %ne3A_566 : vector<16xi1> to vector<16xi1>
          %ne3A_568 = arith.xori %lt3A_563, %ne3A_567 : vector<16xi1>
          %and3A_569 = arith.andi %ne3A_568, %ne3A_560 : vector<16xi1>
          %add3A_570 = vector.broadcast %select_n3A_555 : i32 to vector<16xi32>
          %add3A_571 = arith.addi %rem3A_557, %add3A_570 : vector<16xi32>
          %select_n3A_572 = arith.select %and3A_569, %add3A_571, %rem3A_557 : vector<16xi1>, vector<16xi32>
          %broadcast_in_dim3A_573 = vector.shape_cast %select_n3A_572 : vector<16xi32> to vector<16x1xi32>
          %gather3A_574 = vector.shape_cast %broadcast_in_dim3A_573 : vector<16x1xi32> to vector<16xi32>
          %gather3A_575 = tpu.dynamic_gather %add3A_541[%gather3A_574] in [0] : vector<16xi32>, vector<16xi32> -> vector<16xi32>
          %jit3A_576 = arith.constant 0 : i32
          %broadcast_in_dim3A_577 = vector.broadcast %jit3A_576 : i32 to vector<16xi32>
          %select_n3A_578 = arith.select %ge3A_544, %gather3A_575, %broadcast_in_dim3A_577 : vector<16xi1>, vector<16xi32>
          %add3A_579 = arith.addi %add3A_541, %select_n3A_578 : vector<16xi32>
          %ge3A_580 = arith.constant 4 : i32
          %ge3A_581 = vector.broadcast %ge3A_580 : i32 to vector<16xi32>
          %ge3A_582 = arith.cmpi sge, %iota3A, %ge3A_581 : vector<16xi32>
          %sub3A_583 = arith.constant 4 : i32
          %sub3A_584 = vector.broadcast %sub3A_583 : i32 to vector<16xi32>
          %sub3A_585 = arith.subi %iota3A, %sub3A_584 : vector<16xi32>
          %max3A_586 = arith.constant 0 : i32
          %max3A_587 = vector.broadcast %max3A_586 : i32 to vector<16xi32>
          %max3A_588 = arith.maxsi %sub3A_585, %max3A_587 : vector<16xi32>
          %jit3A_589 = arith.constant 16 : i32
          %eq3A_590 = arith.constant 0 : i32
          %eq3A_591 = arith.cmpi eq, %jit3A_589, %eq3A_590 : i32
          %jit3A_592 = arith.constant 1 : i32
          %select_n3A_593 = arith.select %eq3A_591, %jit3A_592, %jit3A_589 : i32
          %rem3A_594 = vector.broadcast %select_n3A_593 : i32 to vector<16xi32>
          %rem3A_595 = arith.remsi %max3A_588, %rem3A_594 : vector<16xi32>
          %ne3A_596 = arith.constant 0 : i32
          %ne3A_597 = vector.broadcast %ne3A_596 : i32 to vector<16xi32>
          %ne3A_598 = arith.cmpi ne, %rem3A_595, %ne3A_597 : vector<16xi32>
          %lt3A_599 = arith.constant 0 : i32
          %lt3A_600 = vector.broadcast %lt3A_599 : i32 to vector<16xi32>
          %lt3A_601 = arith.cmpi slt, %rem3A_595, %lt3A_600 : vector<16xi32>
          %lt3A_602 = arith.constant 0 : i32
          %lt3A_603 = arith.cmpi slt, %select_n3A_593, %lt3A_602 : i32
          %ne3A_604 = vector.broadcast %lt3A_603 : i1 to vector<16xi1>
          %ne3A_605 = vector.broadcast %ne3A_604 : vector<16xi1> to vector<16xi1>
          %ne3A_606 = arith.xori %lt3A_601, %ne3A_605 : vector<16xi1>
          %and3A_607 = arith.andi %ne3A_606, %ne3A_598 : vector<16xi1>
          %add3A_608 = vector.broadcast %select_n3A_593 : i32 to vector<16xi32>
          %add3A_609 = arith.addi %rem3A_595, %add3A_608 : vector<16xi32>
          %select_n3A_610 = arith.select %and3A_607, %add3A_609, %rem3A_595 : vector<16xi1>, vector<16xi32>
          %broadcast_in_dim3A_611 = vector.shape_cast %select_n3A_610 : vector<16xi32> to vector<16x1xi32>
          %gather3A_612 = vector.shape_cast %broadcast_in_dim3A_611 : vector<16x1xi32> to vector<16xi32>
          %gather3A_613 = tpu.dynamic_gather %add3A_579[%gather3A_612] in [0] : vector<16xi32>, vector<16xi32> -> vector<16xi32>
          %jit3A_614 = arith.constant 0 : i32
          %broadcast_in_dim3A_615 = vector.broadcast %jit3A_614 : i32 to vector<16xi32>
          %select_n3A_616 = arith.select %ge3A_582, %gather3A_613, %broadcast_in_dim3A_615 : vector<16xi1>, vector<16xi32>
          %add3A_617 = arith.addi %add3A_579, %select_n3A_616 : vector<16xi32>
          %ge3A_618 = arith.constant 8 : i32
          %ge3A_619 = vector.broadcast %ge3A_618 : i32 to vector<16xi32>
          %ge3A_620 = arith.cmpi sge, %iota3A, %ge3A_619 : vector<16xi32>
          %sub3A_621 = arith.constant 8 : i32
          %sub3A_622 = vector.broadcast %sub3A_621 : i32 to vector<16xi32>
          %sub3A_623 = arith.subi %iota3A, %sub3A_622 : vector<16xi32>
          %max3A_624 = arith.constant 0 : i32
          %max3A_625 = vector.broadcast %max3A_624 : i32 to vector<16xi32>
          %max3A_626 = arith.maxsi %sub3A_623, %max3A_625 : vector<16xi32>
          %jit3A_627 = arith.constant 16 : i32
          %eq3A_628 = arith.constant 0 : i32
          %eq3A_629 = arith.cmpi eq, %jit3A_627, %eq3A_628 : i32
          %jit3A_630 = arith.constant 1 : i32
          %select_n3A_631 = arith.select %eq3A_629, %jit3A_630, %jit3A_627 : i32
          %rem3A_632 = vector.broadcast %select_n3A_631 : i32 to vector<16xi32>
          %rem3A_633 = arith.remsi %max3A_626, %rem3A_632 : vector<16xi32>
          %ne3A_634 = arith.constant 0 : i32
          %ne3A_635 = vector.broadcast %ne3A_634 : i32 to vector<16xi32>
          %ne3A_636 = arith.cmpi ne, %rem3A_633, %ne3A_635 : vector<16xi32>
          %lt3A_637 = arith.constant 0 : i32
          %lt3A_638 = vector.broadcast %lt3A_637 : i32 to vector<16xi32>
          %lt3A_639 = arith.cmpi slt, %rem3A_633, %lt3A_638 : vector<16xi32>
          %lt3A_640 = arith.constant 0 : i32
          %lt3A_641 = arith.cmpi slt, %select_n3A_631, %lt3A_640 : i32
          %ne3A_642 = vector.broadcast %lt3A_641 : i1 to vector<16xi1>
          %ne3A_643 = vector.broadcast %ne3A_642 : vector<16xi1> to vector<16xi1>
          %ne3A_644 = arith.xori %lt3A_639, %ne3A_643 : vector<16xi1>
          %and3A_645 = arith.andi %ne3A_644, %ne3A_636 : vector<16xi1>
          %add3A_646 = vector.broadcast %select_n3A_631 : i32 to vector<16xi32>
          %add3A_647 = arith.addi %rem3A_633, %add3A_646 : vector<16xi32>
          %select_n3A_648 = arith.select %and3A_645, %add3A_647, %rem3A_633 : vector<16xi1>, vector<16xi32>
          %broadcast_in_dim3A_649 = vector.shape_cast %select_n3A_648 : vector<16xi32> to vector<16x1xi32>
          %gather3A_650 = vector.shape_cast %broadcast_in_dim3A_649 : vector<16x1xi32> to vector<16xi32>
          %gather3A_651 = tpu.dynamic_gather %add3A_617[%gather3A_650] in [0] : vector<16xi32>, vector<16xi32> -> vector<16xi32>
          %jit3A_652 = arith.constant 0 : i32
          %broadcast_in_dim3A_653 = vector.broadcast %jit3A_652 : i32 to vector<16xi32>
          %select_n3A_654 = arith.select %ge3A_620, %gather3A_651, %broadcast_in_dim3A_653 : vector<16xi1>, vector<16xi32>
          %add3A_655 = arith.addi %add3A_617, %select_n3A_654 : vector<16xi32>
          %add3A_656 = arith.addi %add3A_655, %scan3A_499 : vector<16xi32>
          %mul3A_657 = arith.constant 16 : i32
          %mul3A_658 = arith.muli %scan3A_498, %mul3A_657 : i32
          %swap3A_659 = arith.index_cast %mul3A_658 : i32 to index
          %swap3A_660 = tpu.vector_load %arg17[%swap3A_659] {strides = array<i32>} : memref<1024xi32, #tpu.memory_space<vmem>>, vector<16xi32>,
          %swap3A_661 = vector.shape_cast %swap3A_660 : vector<16xi32> to vector<16xi32>
          %swap3A_662 = vector.shape_cast %add3A_656 : vector<16xi32> to vector<16xi32>
          tpu.vector_store %arg17[%swap3A_659], %swap3A_662 {strides = array<i32>} : memref<1024xi32, #tpu.memory_space<vmem>>, vector<16xi32>,
          %mul3A_663 = arith.constant 0 : i32
          %mul3A_664 = vector.broadcast %mul3A_663 : i32 to vector<16xi32>
          %mul3A_665 = arith.muli %iota3A, %mul3A_664 : vector<16xi32>
          %add3A_666 = arith.constant 15 : i32
          %add3A_667 = vector.broadcast %add3A_666 : i32 to vector<16xi32>
          %add3A_668 = arith.addi %mul3A_665, %add3A_667 : vector<16xi32>
          %jit3A_669 = arith.constant 16 : i32
          %eq3A_670 = arith.constant 0 : i32
          %eq3A_671 = arith.cmpi eq, %jit3A_669, %eq3A_670 : i32
          %jit3A_672 = arith.constant 1 : i32
          %select_n3A_673 = arith.select %eq3A_671, %jit3A_672, %jit3A_669 : i32
          %rem3A_674 = vector.broadcast %select_n3A_673 : i32 to vector<16xi32>
          %rem3A_675 = arith.remsi %add3A_668, %rem3A_674 : vector<16xi32>
          %ne3A_676 = arith.constant 0 : i32
          %ne3A_677 = vector.broadcast %ne3A_676 : i32 to vector<16xi32>
          %ne3A_678 = arith.cmpi ne, %rem3A_675, %ne3A_677 : vector<16xi32>
          %lt3A_679 = arith.constant 0 : i32
          %lt3A_680 = vector.broadcast %lt3A_679 : i32 to vector<16xi32>
          %lt3A_681 = arith.cmpi slt, %rem3A_675, %lt3A_680 : vector<16xi32>
          %lt3A_682 = arith.constant 0 : i32
          %lt3A_683 = arith.cmpi slt, %select_n3A_673, %lt3A_682 : i32
          %ne3A_684 = vector.broadcast %lt3A_683 : i1 to vector<16xi1>
          %ne3A_685 = vector.broadcast %ne3A_684 : vector<16xi1> to vector<16xi1>
          %ne3A_686 = arith.xori %lt3A_681, %ne3A_685 : vector<16xi1>
          %and3A_687 = arith.andi %ne3A_686, %ne3A_678 : vector<16xi1>
          %add3A_688 = vector.broadcast %select_n3A_673 : i32 to vector<16xi32>
          %add3A_689 = arith.addi %rem3A_675, %add3A_688 : vector<16xi32>
          %select_n3A_690 = arith.select %and3A_687, %add3A_689, %rem3A_675 : vector<16xi1>, vector<16xi32>
          %broadcast_in_dim3A_691 = vector.shape_cast %select_n3A_690 : vector<16xi32> to vector<16x1xi32>
          %gather3A_692 = vector.shape_cast %broadcast_in_dim3A_691 : vector<16x1xi32> to vector<16xi32>
          %gather3A_693 = tpu.dynamic_gather %add3A_656[%gather3A_692] in [0] : vector<16xi32>, vector<16xi32> -> vector<16xi32>
          scf.yield %gather3A_693 : vector<16xi32>
        }
        %scan3A_492 = arith.constant 64 : i32
        %mul3A_493 = arith.constant 13312 : i32
        %mul3A_494 = arith.muli %arg1, %mul3A_493 : i32
        %mul3A_495 = arith.constant 1024 : i32
        %mul3A_496 = arith.muli %scan3A_482, %mul3A_495 : i32
        %add3A_497 = arith.addi %mul3A_494, %mul3A_496 : i32
        "tpu.region"() ({
          %run_scoped3A = tpu.sem_alloc : memref<!tpu.dma_semaphore, #tpu.memory_space<semaphore_mem>>
          %dma_start3A_498 = tpu.memref_slice %arg9[%arg0, %add3A_497] : memref<2x212992xi32, #tpu.memory_space<hbm>> -> memref<1x1024xi32, #tpu.memory_space<hbm>>
          %dma_start3A_499 = tpu.memref_squeeze %dma_start3A_498 : memref<1x1024xi32, #tpu.memory_space<hbm>> -> memref<1024xi32, #tpu.memory_space<hbm>>
          %dma_start3A_500 = tpu.memref_slice %arg9[%arg0, %add3A_497] : memref<2x212992xi32, #tpu.memory_space<hbm>> -> memref<1x1024xi32, #tpu.memory_space<hbm>>
          %dma_start3A_501 = tpu.memref_squeeze %dma_start3A_500 : memref<1x1024xi32, #tpu.memory_space<hbm>> -> memref<1024xi32, #tpu.memory_space<hbm>>
          tpu.enqueue_dma source(%arg17 : memref<1024xi32, #tpu.memory_space<vmem>>) target(%dma_start3A_501 : memref<1024xi32, #tpu.memory_space<hbm>>) target_semaphore(%run_scoped3A : memref<!tpu.dma_semaphore, #tpu.memory_space<semaphore_mem>>)
          %dma_wait3A_502 = tpu.memref_slice %arg9[%arg0, %add3A_497] : memref<2x212992xi32, #tpu.memory_space<hbm>> -> memref<1x1024xi32, #tpu.memory_space<hbm>>
          %dma_wait3A_503 = tpu.memref_squeeze %dma_wait3A_502 : memref<1x1024xi32, #tpu.memory_space<hbm>> -> memref<1024xi32, #tpu.memory_space<hbm>>
          %dma_wait3A_504 = tpu.memref_slice %arg9[%arg0, %add3A_497] : memref<2x212992xi32, #tpu.memory_space<hbm>> -> memref<1x1024xi32, #tpu.memory_space<hbm>>
          %dma_wait3A_505 = tpu.memref_squeeze %dma_wait3A_504 : memref<1x1024xi32, #tpu.memory_space<hbm>> -> memref<1024xi32, #tpu.memory_space<hbm>>
          tpu.wait_dma2 semaphore(%run_scoped3A : memref<!tpu.dma_semaphore, #tpu.memory_space<semaphore_mem>>) src(%arg17 : memref<1024xi32, #tpu.memory_space<vmem>>) dst(%dma_wait3A_505 : memref<1024xi32, #tpu.memory_space<hbm>>)
          tpu.yield
        }) : () -> ()
        scf.yield %scan3A_491 : vector<16xi32>
      }
      %scan3A_478 = arith.constant 13 : i32
      %swap3A = arith.constant 0 : index
      %swap3A_479 = tpu.vector_load %arg19[%swap3A] {strides = array<i32>} : memref<16xi32, #tpu.memory_space<vmem>>, vector<16xi32>,
      %swap3A_480 = vector.shape_cast %swap3A_479 : vector<16xi32> to vector<16xi32>
      %swap3A_481 = vector.shape_cast %scan3A_477 : vector<16xi32> to vector<16xi32>
      tpu.vector_store %arg19[%swap3A], %swap3A_481 {strides = array<i32>} : memref<16xi32, #tpu.memory_space<vmem>>, vector<16xi32>,
      "tpu.region"() ({
        %run_scoped3A = tpu.sem_alloc : memref<!tpu.dma_semaphore, #tpu.memory_space<semaphore_mem>>
        %dma_start3A_482 = arith.constant 0 : i32
        %dma_start3A_483 = tpu.memref_slice %arg12[%arg1, %dma_start3A_482] : memref<16x16xi32, #tpu.memory_space<vmem_shared>> -> memref<1x16xi32, #tpu.memory_space<vmem_shared>>
        %dma_start3A_484 = tpu.memref_squeeze %dma_start3A_483 : memref<1x16xi32, #tpu.memory_space<vmem_shared>> -> memref<16xi32, #tpu.memory_space<vmem_shared>>
        %dma_start3A_485 = arith.constant 0 : i32
        %dma_start3A_486 = tpu.memref_slice %arg12[%arg1, %dma_start3A_485] : memref<16x16xi32, #tpu.memory_space<vmem_shared>> -> memref<1x16xi32, #tpu.memory_space<vmem_shared>>
        %dma_start3A_487 = tpu.memref_squeeze %dma_start3A_486 : memref<1x16xi32, #tpu.memory_space<vmem_shared>> -> memref<16xi32, #tpu.memory_space<vmem_shared>>
        tpu.enqueue_dma source(%arg19 : memref<16xi32, #tpu.memory_space<vmem>>) target(%dma_start3A_487 : memref<16xi32, #tpu.memory_space<vmem_shared>>) target_semaphore(%run_scoped3A : memref<!tpu.dma_semaphore, #tpu.memory_space<semaphore_mem>>)
        %dma_wait3A_488 = arith.constant 0 : i32
        %dma_wait3A_489 = tpu.memref_slice %arg12[%arg1, %dma_wait3A_488] : memref<16x16xi32, #tpu.memory_space<vmem_shared>> -> memref<1x16xi32, #tpu.memory_space<vmem_shared>>
        %dma_wait3A_490 = tpu.memref_squeeze %dma_wait3A_489 : memref<1x16xi32, #tpu.memory_space<vmem_shared>> -> memref<16xi32, #tpu.memory_space<vmem_shared>>
        %dma_wait3A_491 = arith.constant 0 : i32
        %dma_wait3A_492 = tpu.memref_slice %arg12[%arg1, %dma_wait3A_491] : memref<16x16xi32, #tpu.memory_space<vmem_shared>> -> memref<1x16xi32, #tpu.memory_space<vmem_shared>>
        %dma_wait3A_493 = tpu.memref_squeeze %dma_wait3A_492 : memref<1x16xi32, #tpu.memory_space<vmem_shared>> -> memref<16xi32, #tpu.memory_space<vmem_shared>>
        tpu.wait_dma2 semaphore(%run_scoped3A : memref<!tpu.dma_semaphore, #tpu.memory_space<semaphore_mem>>) src(%arg19 : memref<16xi32, #tpu.memory_space<vmem>>) dst(%dma_wait3A_493 : memref<16xi32, #tpu.memory_space<vmem_shared>>)
        tpu.yield
      }) : () -> ()
    } else {
    }
    %barrier3A_119 = arith.constant 0 : index
    tpu.barrier barrier_id(%barrier3A_119)
    "tpu.trace_stop"() : () -> ()
    "tpu.region"() ({
      %run_scoped3A = tpu.sem_alloc : memref<!tpu.dma_semaphore, #tpu.memory_space<semaphore_mem>>
      tpu.enqueue_dma source(%arg12 : memref<16x16xi32, #tpu.memory_space<vmem_shared>>) target(%arg18 : memref<16x16xi32, #tpu.memory_space<vmem>>) target_semaphore(%run_scoped3A : memref<!tpu.dma_semaphore, #tpu.memory_space<semaphore_mem>>)
      tpu.wait_dma2 semaphore(%run_scoped3A : memref<!tpu.dma_semaphore, #tpu.memory_space<semaphore_mem>>) src(%arg12 : memref<16x16xi32, #tpu.memory_space<vmem_shared>>) dst(%arg18 : memref<16x16xi32, #tpu.memory_space<vmem>>)
      tpu.yield
    }) : () -> ()
    %broadcast_in_dim3A = arith.constant 0 : i32
    %broadcast_in_dim3A_120 = vector.broadcast %broadcast_in_dim3A : i32 to vector<16xi32>
    %eq3A_121 = arith.constant 0 : i32
    %eq3A_122 = vector.broadcast %eq3A_121 : i32 to vector<16xi32>
    %eq3A_123 = arith.cmpi eq, %iota3A, %eq3A_122 : vector<16xi32>
    %get3A = arith.constant 0 : i32
    %get3A_124 = arith.index_cast %get3A : i32 to index
    %get3A_125 = arith.constant 0 : index
    %get3A_126 = tpu.vector_load %arg18[%get3A_124, %get3A_125] {strides = array<i32>} : memref<16x16xi32, #tpu.memory_space<vmem>>, vector<1x16xi32>,
    %get3A_127 = vector.shape_cast %get3A_126 : vector<1x16xi32> to vector<16xi32>
    %select_n3A = arith.select %eq3A_123, %get3A_127, %broadcast_in_dim3A_120 : vector<16xi1>, vector<16xi32>
    %eq3A_128 = arith.constant 1 : i32
    %eq3A_129 = vector.broadcast %eq3A_128 : i32 to vector<16xi32>
    %eq3A_130 = arith.cmpi eq, %iota3A, %eq3A_129 : vector<16xi32>
    %get3A_131 = arith.constant 1 : i32
    %get3A_132 = arith.index_cast %get3A_131 : i32 to index
    %get3A_133 = arith.constant 0 : index
    %get3A_134 = tpu.vector_load %arg18[%get3A_132, %get3A_133] {strides = array<i32>} : memref<16x16xi32, #tpu.memory_space<vmem>>, vector<1x16xi32>,
    %get3A_135 = vector.shape_cast %get3A_134 : vector<1x16xi32> to vector<16xi32>
    %select_n3A_136 = arith.select %eq3A_130, %get3A_135, %select_n3A : vector<16xi1>, vector<16xi32>
    %eq3A_137 = arith.constant 2 : i32
    %eq3A_138 = vector.broadcast %eq3A_137 : i32 to vector<16xi32>
    %eq3A_139 = arith.cmpi eq, %iota3A, %eq3A_138 : vector<16xi32>
    %get3A_140 = arith.constant 2 : i32
    %get3A_141 = arith.index_cast %get3A_140 : i32 to index
    %get3A_142 = arith.constant 0 : index
    %get3A_143 = tpu.vector_load %arg18[%get3A_141, %get3A_142] {strides = array<i32>} : memref<16x16xi32, #tpu.memory_space<vmem>>, vector<1x16xi32>,
    %get3A_144 = vector.shape_cast %get3A_143 : vector<1x16xi32> to vector<16xi32>
    %select_n3A_145 = arith.select %eq3A_139, %get3A_144, %select_n3A_136 : vector<16xi1>, vector<16xi32>
    %eq3A_146 = arith.constant 3 : i32
    %eq3A_147 = vector.broadcast %eq3A_146 : i32 to vector<16xi32>
    %eq3A_148 = arith.cmpi eq, %iota3A, %eq3A_147 : vector<16xi32>
    %get3A_149 = arith.constant 3 : i32
    %get3A_150 = arith.index_cast %get3A_149 : i32 to index
    %get3A_151 = arith.constant 0 : index
    %get3A_152 = tpu.vector_load %arg18[%get3A_150, %get3A_151] {strides = array<i32>} : memref<16x16xi32, #tpu.memory_space<vmem>>, vector<1x16xi32>,
    %get3A_153 = vector.shape_cast %get3A_152 : vector<1x16xi32> to vector<16xi32>
    %select_n3A_154 = arith.select %eq3A_148, %get3A_153, %select_n3A_145 : vector<16xi1>, vector<16xi32>
    %eq3A_155 = arith.constant 4 : i32
    %eq3A_156 = vector.broadcast %eq3A_155 : i32 to vector<16xi32>
    %eq3A_157 = arith.cmpi eq, %iota3A, %eq3A_156 : vector<16xi32>
    %get3A_158 = arith.constant 4 : i32
    %get3A_159 = arith.index_cast %get3A_158 : i32 to index
    %get3A_160 = arith.constant 0 : index
    %get3A_161 = tpu.vector_load %arg18[%get3A_159, %get3A_160] {strides = array<i32>} : memref<16x16xi32, #tpu.memory_space<vmem>>, vector<1x16xi32>,
    %get3A_162 = vector.shape_cast %get3A_161 : vector<1x16xi32> to vector<16xi32>
    %select_n3A_163 = arith.select %eq3A_157, %get3A_162, %select_n3A_154 : vector<16xi1>, vector<16xi32>
    %eq3A_164 = arith.constant 5 : i32
    %eq3A_165 = vector.broadcast %eq3A_164 : i32 to vector<16xi32>
    %eq3A_166 = arith.cmpi eq, %iota3A, %eq3A_165 : vector<16xi32>
    %get3A_167 = arith.constant 5 : i32
    %get3A_168 = arith.index_cast %get3A_167 : i32 to index
    %get3A_169 = arith.constant 0 : index
    %get3A_170 = tpu.vector_load %arg18[%get3A_168, %get3A_169] {strides = array<i32>} : memref<16x16xi32, #tpu.memory_space<vmem>>, vector<1x16xi32>,
    %get3A_171 = vector.shape_cast %get3A_170 : vector<1x16xi32> to vector<16xi32>
    %select_n3A_172 = arith.select %eq3A_166, %get3A_171, %select_n3A_163 : vector<16xi1>, vector<16xi32>
    %eq3A_173 = arith.constant 6 : i32
    %eq3A_174 = vector.broadcast %eq3A_173 : i32 to vector<16xi32>
    %eq3A_175 = arith.cmpi eq, %iota3A, %eq3A_174 : vector<16xi32>
    %get3A_176 = arith.constant 6 : i32
    %get3A_177 = arith.index_cast %get3A_176 : i32 to index
    %get3A_178 = arith.constant 0 : index
    %get3A_179 = tpu.vector_load %arg18[%get3A_177, %get3A_178] {strides = array<i32>} : memref<16x16xi32, #tpu.memory_space<vmem>>, vector<1x16xi32>,
    %get3A_180 = vector.shape_cast %get3A_179 : vector<1x16xi32> to vector<16xi32>
    %select_n3A_181 = arith.select %eq3A_175, %get3A_180, %select_n3A_172 : vector<16xi1>, vector<16xi32>
    %eq3A_182 = arith.constant 7 : i32
    %eq3A_183 = vector.broadcast %eq3A_182 : i32 to vector<16xi32>
    %eq3A_184 = arith.cmpi eq, %iota3A, %eq3A_183 : vector<16xi32>
    %get3A_185 = arith.constant 7 : i32
    %get3A_186 = arith.index_cast %get3A_185 : i32 to index
    %get3A_187 = arith.constant 0 : index
    %get3A_188 = tpu.vector_load %arg18[%get3A_186, %get3A_187] {strides = array<i32>} : memref<16x16xi32, #tpu.memory_space<vmem>>, vector<1x16xi32>,
    %get3A_189 = vector.shape_cast %get3A_188 : vector<1x16xi32> to vector<16xi32>
    %select_n3A_190 = arith.select %eq3A_184, %get3A_189, %select_n3A_181 : vector<16xi1>, vector<16xi32>
    %eq3A_191 = arith.constant 8 : i32
    %eq3A_192 = vector.broadcast %eq3A_191 : i32 to vector<16xi32>
    %eq3A_193 = arith.cmpi eq, %iota3A, %eq3A_192 : vector<16xi32>
    %get3A_194 = arith.constant 8 : i32
    %get3A_195 = arith.index_cast %get3A_194 : i32 to index
    %get3A_196 = arith.constant 0 : index
    %get3A_197 = tpu.vector_load %arg18[%get3A_195, %get3A_196] {strides = array<i32>} : memref<16x16xi32, #tpu.memory_space<vmem>>, vector<1x16xi32>,
    %get3A_198 = vector.shape_cast %get3A_197 : vector<1x16xi32> to vector<16xi32>
    %select_n3A_199 = arith.select %eq3A_193, %get3A_198, %select_n3A_190 : vector<16xi1>, vector<16xi32>
    %eq3A_200 = arith.constant 9 : i32
    %eq3A_201 = vector.broadcast %eq3A_200 : i32 to vector<16xi32>
    %eq3A_202 = arith.cmpi eq, %iota3A, %eq3A_201 : vector<16xi32>
    %get3A_203 = arith.constant 9 : i32
    %get3A_204 = arith.index_cast %get3A_203 : i32 to index
    %get3A_205 = arith.constant 0 : index
    %get3A_206 = tpu.vector_load %arg18[%get3A_204, %get3A_205] {strides = array<i32>} : memref<16x16xi32, #tpu.memory_space<vmem>>, vector<1x16xi32>,
    %get3A_207 = vector.shape_cast %get3A_206 : vector<1x16xi32> to vector<16xi32>
    %select_n3A_208 = arith.select %eq3A_202, %get3A_207, %select_n3A_199 : vector<16xi1>, vector<16xi32>
    %eq3A_209 = arith.constant 10 : i32
    %eq3A_210 = vector.broadcast %eq3A_209 : i32 to vector<16xi32>
    %eq3A_211 = arith.cmpi eq, %iota3A, %eq3A_210 : vector<16xi32>
    %get3A_212 = arith.constant 10 : i32
    %get3A_213 = arith.index_cast %get3A_212 : i32 to index
    %get3A_214 = arith.constant 0 : index
    %get3A_215 = tpu.vector_load %arg18[%get3A_213, %get3A_214] {strides = array<i32>} : memref<16x16xi32, #tpu.memory_space<vmem>>, vector<1x16xi32>,
    %get3A_216 = vector.shape_cast %get3A_215 : vector<1x16xi32> to vector<16xi32>
    %select_n3A_217 = arith.select %eq3A_211, %get3A_216, %select_n3A_208 : vector<16xi1>, vector<16xi32>
    %eq3A_218 = arith.constant 11 : i32
    %eq3A_219 = vector.broadcast %eq3A_218 : i32 to vector<16xi32>
    %eq3A_220 = arith.cmpi eq, %iota3A, %eq3A_219 : vector<16xi32>
    %get3A_221 = arith.constant 11 : i32
    %get3A_222 = arith.index_cast %get3A_221 : i32 to index
    %get3A_223 = arith.constant 0 : index
    %get3A_224 = tpu.vector_load %arg18[%get3A_222, %get3A_223] {strides = array<i32>} : memref<16x16xi32, #tpu.memory_space<vmem>>, vector<1x16xi32>,
    %get3A_225 = vector.shape_cast %get3A_224 : vector<1x16xi32> to vector<16xi32>
    %select_n3A_226 = arith.select %eq3A_220, %get3A_225, %select_n3A_217 : vector<16xi1>, vector<16xi32>
    %eq3A_227 = arith.constant 12 : i32
    %eq3A_228 = vector.broadcast %eq3A_227 : i32 to vector<16xi32>
    %eq3A_229 = arith.cmpi eq, %iota3A, %eq3A_228 : vector<16xi32>
    %get3A_230 = arith.constant 12 : i32
    %get3A_231 = arith.index_cast %get3A_230 : i32 to index
    %get3A_232 = arith.constant 0 : index
    %get3A_233 = tpu.vector_load %arg18[%get3A_231, %get3A_232] {strides = array<i32>} : memref<16x16xi32, #tpu.memory_space<vmem>>, vector<1x16xi32>,
    %get3A_234 = vector.shape_cast %get3A_233 : vector<1x16xi32> to vector<16xi32>
    %select_n3A_235 = arith.select %eq3A_229, %get3A_234, %select_n3A_226 : vector<16xi1>, vector<16xi32>
    %eq3A_236 = arith.constant 13 : i32
    %eq3A_237 = vector.broadcast %eq3A_236 : i32 to vector<16xi32>
    %eq3A_238 = arith.cmpi eq, %iota3A, %eq3A_237 : vector<16xi32>
    %get3A_239 = arith.constant 13 : i32
    %get3A_240 = arith.index_cast %get3A_239 : i32 to index
    %get3A_241 = arith.constant 0 : index
    %get3A_242 = tpu.vector_load %arg18[%get3A_240, %get3A_241] {strides = array<i32>} : memref<16x16xi32, #tpu.memory_space<vmem>>, vector<1x16xi32>,
    %get3A_243 = vector.shape_cast %get3A_242 : vector<1x16xi32> to vector<16xi32>
    %select_n3A_244 = arith.select %eq3A_238, %get3A_243, %select_n3A_235 : vector<16xi1>, vector<16xi32>
    %eq3A_245 = arith.constant 14 : i32
    %eq3A_246 = vector.broadcast %eq3A_245 : i32 to vector<16xi32>
    %eq3A_247 = arith.cmpi eq, %iota3A, %eq3A_246 : vector<16xi32>
    %get3A_248 = arith.constant 14 : i32
    %get3A_249 = arith.index_cast %get3A_248 : i32 to index
    %get3A_250 = arith.constant 0 : index
    %get3A_251 = tpu.vector_load %arg18[%get3A_249, %get3A_250] {strides = array<i32>} : memref<16x16xi32, #tpu.memory_space<vmem>>, vector<1x16xi32>,
    %get3A_252 = vector.shape_cast %get3A_251 : vector<1x16xi32> to vector<16xi32>
    %select_n3A_253 = arith.select %eq3A_247, %get3A_252, %select_n3A_244 : vector<16xi1>, vector<16xi32>
    %eq3A_254 = arith.constant 15 : i32
    %eq3A_255 = vector.broadcast %eq3A_254 : i32 to vector<16xi32>
    %eq3A_256 = arith.cmpi eq, %iota3A, %eq3A_255 : vector<16xi32>
    %get3A_257 = arith.constant 15 : i32
    %get3A_258 = arith.index_cast %get3A_257 : i32 to index
    %get3A_259 = arith.constant 0 : index
    %get3A_260 = tpu.vector_load %arg18[%get3A_258, %get3A_259] {strides = array<i32>} : memref<16x16xi32, #tpu.memory_space<vmem>>, vector<1x16xi32>,
    %get3A_261 = vector.shape_cast %get3A_260 : vector<1x16xi32> to vector<16xi32>
    %select_n3A_262 = arith.select %eq3A_256, %get3A_261, %select_n3A_253 : vector<16xi1>, vector<16xi32>
    %lt3A_263 = vector.broadcast %arg1 : i32 to vector<16xi32>
    %lt3A_264 = arith.cmpi slt, %iota3A, %lt3A_263 : vector<16xi32>
    %jit3A = arith.constant 0 : i32
    %broadcast_in_dim3A_265 = vector.broadcast %jit3A : i32 to vector<16xi32>
    %select_n3A_266 = arith.select %lt3A_264, %select_n3A_262, %broadcast_in_dim3A_265 : vector<16xi1>, vector<16xi32>
    %xor3A = arith.constant 1 : i32
    %xor3A_267 = vector.broadcast %xor3A : i32 to vector<16xi32>
    %xor3A_268 = arith.xori %iota3A, %xor3A_267 : vector<16xi32>
    %jit3A_269 = arith.constant 16 : i32
    %eq3A_270 = arith.constant 0 : i32
    %eq3A_271 = arith.cmpi eq, %jit3A_269, %eq3A_270 : i32
    %jit3A_272 = arith.constant 1 : i32
    %select_n3A_273 = arith.select %eq3A_271, %jit3A_272, %jit3A_269 : i32
    %rem3A = vector.broadcast %select_n3A_273 : i32 to vector<16xi32>
    %rem3A_274 = arith.remsi %xor3A_268, %rem3A : vector<16xi32>
    %ne3A = arith.constant 0 : i32
    %ne3A_275 = vector.broadcast %ne3A : i32 to vector<16xi32>
    %ne3A_276 = arith.cmpi ne, %rem3A_274, %ne3A_275 : vector<16xi32>
    %lt3A_277 = arith.constant 0 : i32
    %lt3A_278 = vector.broadcast %lt3A_277 : i32 to vector<16xi32>
    %lt3A_279 = arith.cmpi slt, %rem3A_274, %lt3A_278 : vector<16xi32>
    %lt3A_280 = arith.constant 0 : i32
    %lt3A_281 = arith.cmpi slt, %select_n3A_273, %lt3A_280 : i32
    %ne3A_282 = vector.broadcast %lt3A_281 : i1 to vector<16xi1>
    %ne3A_283 = vector.broadcast %ne3A_282 : vector<16xi1> to vector<16xi1>
    %ne3A_284 = arith.xori %lt3A_279, %ne3A_283 : vector<16xi1>
    %and3A_285 = arith.andi %ne3A_284, %ne3A_276 : vector<16xi1>
    %add3A_286 = vector.broadcast %select_n3A_273 : i32 to vector<16xi32>
    %add3A_287 = arith.addi %rem3A_274, %add3A_286 : vector<16xi32>
    %select_n3A_288 = arith.select %and3A_285, %add3A_287, %rem3A_274 : vector<16xi1>, vector<16xi32>
    %broadcast_in_dim3A_289 = vector.shape_cast %select_n3A_288 : vector<16xi32> to vector<16x1xi32>
    %gather3A = vector.shape_cast %broadcast_in_dim3A_289 : vector<16x1xi32> to vector<16xi32>
    %gather3A_290 = tpu.dynamic_gather %select_n3A_266[%gather3A] in [0] : vector<16xi32>, vector<16xi32> -> vector<16xi32>
    %add3A_291 = arith.addi %select_n3A_266, %gather3A_290 : vector<16xi32>
    %xor3A_292 = arith.constant 2 : i32
    %xor3A_293 = vector.broadcast %xor3A_292 : i32 to vector<16xi32>
    %xor3A_294 = arith.xori %iota3A, %xor3A_293 : vector<16xi32>
    %jit3A_295 = arith.constant 16 : i32
    %eq3A_296 = arith.constant 0 : i32
    %eq3A_297 = arith.cmpi eq, %jit3A_295, %eq3A_296 : i32
    %jit3A_298 = arith.constant 1 : i32
    %select_n3A_299 = arith.select %eq3A_297, %jit3A_298, %jit3A_295 : i32
    %rem3A_300 = vector.broadcast %select_n3A_299 : i32 to vector<16xi32>
    %rem3A_301 = arith.remsi %xor3A_294, %rem3A_300 : vector<16xi32>
    %ne3A_302 = arith.constant 0 : i32
    %ne3A_303 = vector.broadcast %ne3A_302 : i32 to vector<16xi32>
    %ne3A_304 = arith.cmpi ne, %rem3A_301, %ne3A_303 : vector<16xi32>
    %lt3A_305 = arith.constant 0 : i32
    %lt3A_306 = vector.broadcast %lt3A_305 : i32 to vector<16xi32>
    %lt3A_307 = arith.cmpi slt, %rem3A_301, %lt3A_306 : vector<16xi32>
    %lt3A_308 = arith.constant 0 : i32
    %lt3A_309 = arith.cmpi slt, %select_n3A_299, %lt3A_308 : i32
    %ne3A_310 = vector.broadcast %lt3A_309 : i1 to vector<16xi1>
    %ne3A_311 = vector.broadcast %ne3A_310 : vector<16xi1> to vector<16xi1>
    %ne3A_312 = arith.xori %lt3A_307, %ne3A_311 : vector<16xi1>
    %and3A_313 = arith.andi %ne3A_312, %ne3A_304 : vector<16xi1>
    %add3A_314 = vector.broadcast %select_n3A_299 : i32 to vector<16xi32>
    %add3A_315 = arith.addi %rem3A_301, %add3A_314 : vector<16xi32>
    %select_n3A_316 = arith.select %and3A_313, %add3A_315, %rem3A_301 : vector<16xi1>, vector<16xi32>
    %broadcast_in_dim3A_317 = vector.shape_cast %select_n3A_316 : vector<16xi32> to vector<16x1xi32>
    %gather3A_318 = vector.shape_cast %broadcast_in_dim3A_317 : vector<16x1xi32> to vector<16xi32>
    %gather3A_319 = tpu.dynamic_gather %add3A_291[%gather3A_318] in [0] : vector<16xi32>, vector<16xi32> -> vector<16xi32>
    %add3A_320 = arith.addi %add3A_291, %gather3A_319 : vector<16xi32>
    %xor3A_321 = arith.constant 4 : i32
    %xor3A_322 = vector.broadcast %xor3A_321 : i32 to vector<16xi32>
    %xor3A_323 = arith.xori %iota3A, %xor3A_322 : vector<16xi32>
    %jit3A_324 = arith.constant 16 : i32
    %eq3A_325 = arith.constant 0 : i32
    %eq3A_326 = arith.cmpi eq, %jit3A_324, %eq3A_325 : i32
    %jit3A_327 = arith.constant 1 : i32
    %select_n3A_328 = arith.select %eq3A_326, %jit3A_327, %jit3A_324 : i32
    %rem3A_329 = vector.broadcast %select_n3A_328 : i32 to vector<16xi32>
    %rem3A_330 = arith.remsi %xor3A_323, %rem3A_329 : vector<16xi32>
    %ne3A_331 = arith.constant 0 : i32
    %ne3A_332 = vector.broadcast %ne3A_331 : i32 to vector<16xi32>
    %ne3A_333 = arith.cmpi ne, %rem3A_330, %ne3A_332 : vector<16xi32>
    %lt3A_334 = arith.constant 0 : i32
    %lt3A_335 = vector.broadcast %lt3A_334 : i32 to vector<16xi32>
    %lt3A_336 = arith.cmpi slt, %rem3A_330, %lt3A_335 : vector<16xi32>
    %lt3A_337 = arith.constant 0 : i32
    %lt3A_338 = arith.cmpi slt, %select_n3A_328, %lt3A_337 : i32
    %ne3A_339 = vector.broadcast %lt3A_338 : i1 to vector<16xi1>
    %ne3A_340 = vector.broadcast %ne3A_339 : vector<16xi1> to vector<16xi1>
    %ne3A_341 = arith.xori %lt3A_336, %ne3A_340 : vector<16xi1>
    %and3A_342 = arith.andi %ne3A_341, %ne3A_333 : vector<16xi1>
    %add3A_343 = vector.broadcast %select_n3A_328 : i32 to vector<16xi32>
    %add3A_344 = arith.addi %rem3A_330, %add3A_343 : vector<16xi32>
    %select_n3A_345 = arith.select %and3A_342, %add3A_344, %rem3A_330 : vector<16xi1>, vector<16xi32>
    %broadcast_in_dim3A_346 = vector.shape_cast %select_n3A_345 : vector<16xi32> to vector<16x1xi32>
    %gather3A_347 = vector.shape_cast %broadcast_in_dim3A_346 : vector<16x1xi32> to vector<16xi32>
    %gather3A_348 = tpu.dynamic_gather %add3A_320[%gather3A_347] in [0] : vector<16xi32>, vector<16xi32> -> vector<16xi32>
    %add3A_349 = arith.addi %add3A_320, %gather3A_348 : vector<16xi32>
    %xor3A_350 = arith.constant 8 : i32
    %xor3A_351 = vector.broadcast %xor3A_350 : i32 to vector<16xi32>
    %xor3A_352 = arith.xori %iota3A, %xor3A_351 : vector<16xi32>
    %jit3A_353 = arith.constant 16 : i32
    %eq3A_354 = arith.constant 0 : i32
    %eq3A_355 = arith.cmpi eq, %jit3A_353, %eq3A_354 : i32
    %jit3A_356 = arith.constant 1 : i32
    %select_n3A_357 = arith.select %eq3A_355, %jit3A_356, %jit3A_353 : i32
    %rem3A_358 = vector.broadcast %select_n3A_357 : i32 to vector<16xi32>
    %rem3A_359 = arith.remsi %xor3A_352, %rem3A_358 : vector<16xi32>
    %ne3A_360 = arith.constant 0 : i32
    %ne3A_361 = vector.broadcast %ne3A_360 : i32 to vector<16xi32>
    %ne3A_362 = arith.cmpi ne, %rem3A_359, %ne3A_361 : vector<16xi32>
    %lt3A_363 = arith.constant 0 : i32
    %lt3A_364 = vector.broadcast %lt3A_363 : i32 to vector<16xi32>
    %lt3A_365 = arith.cmpi slt, %rem3A_359, %lt3A_364 : vector<16xi32>
    %lt3A_366 = arith.constant 0 : i32
    %lt3A_367 = arith.cmpi slt, %select_n3A_357, %lt3A_366 : i32
    %ne3A_368 = vector.broadcast %lt3A_367 : i1 to vector<16xi1>
    %ne3A_369 = vector.broadcast %ne3A_368 : vector<16xi1> to vector<16xi1>
    %ne3A_370 = arith.xori %lt3A_365, %ne3A_369 : vector<16xi1>
    %and3A_371 = arith.andi %ne3A_370, %ne3A_362 : vector<16xi1>
    %add3A_372 = vector.broadcast %select_n3A_357 : i32 to vector<16xi32>
    %add3A_373 = arith.addi %rem3A_359, %add3A_372 : vector<16xi32>
    %select_n3A_374 = arith.select %and3A_371, %add3A_373, %rem3A_359 : vector<16xi1>, vector<16xi32>
    %broadcast_in_dim3A_375 = vector.shape_cast %select_n3A_374 : vector<16xi32> to vector<16x1xi32>
    %gather3A_376 = vector.shape_cast %broadcast_in_dim3A_375 : vector<16x1xi32> to vector<16xi32>
    %gather3A_377 = tpu.dynamic_gather %add3A_349[%gather3A_376] in [0] : vector<16xi32>, vector<16xi32> -> vector<16xi32>
    %add3A_378 = arith.addi %add3A_349, %gather3A_377 : vector<16xi32>
    %mul3A_379 = arith.constant 53248 : i32
    %mul3A_380 = arith.muli %arg0, %mul3A_379 : i32
    %sub3A = arith.constant -1 : i32
    %sub3A_381 = arith.subi %sub3A, %mul3A_380 : i32
    %add3A_382 = vector.broadcast %sub3A_381 : i32 to vector<16xi32>
    %add3A_383 = arith.addi %add3A_378, %add3A_382 : vector<16xi32>
    "tpu.trace_start"() <{level = 10 : i32, message = "ph_main"}> : () -> ()
    %mul3A_384 = arith.constant 13312 : i32
    %mul3A_385 = arith.muli %arg1, %mul3A_384 : i32
    %add3A_386 = arith.constant 0 : i32
    %add3A_387 = arith.addi %mul3A_385, %add3A_386 : i32
    %dma_start3A_388 = arith.constant 0 : i32
    %dma_start3A_389 = tpu.memref_slice %arg14[%dma_start3A_388] : memref<2048xi32, #tpu.memory_space<vmem>> -> memref<1024xi32, #tpu.memory_space<vmem>>
    %dma_start3A_390 = tpu.memref_slice %arg2[%add3A_387] : memref<212992xi32, #tpu.memory_space<hbm>> -> memref<1024xi32, #tpu.memory_space<hbm>>
    %dma_start3A_391 = arith.constant 0 : i32
    %dma_start3A_392 = tpu.memref_slice %arg14[%dma_start3A_391] : memref<2048xi32, #tpu.memory_space<vmem>> -> memref<1024xi32, #tpu.memory_space<vmem>>
    %dma_start3A_393 = tpu.memref_slice %arg2[%add3A_387] : memref<212992xi32, #tpu.memory_space<hbm>> -> memref<1024xi32, #tpu.memory_space<hbm>>
    tpu.enqueue_dma source(%dma_start3A_393 : memref<1024xi32, #tpu.memory_space<hbm>>) target(%dma_start3A_392 : memref<1024xi32, #tpu.memory_space<vmem>>) target_semaphore(%arg21 : memref<!tpu.dma_semaphore, #tpu.memory_space<semaphore_mem>>)
    %dma_start3A_394 = arith.constant 0 : i32
    %dma_start3A_395 = tpu.memref_slice %arg15[%dma_start3A_394] : memref<2048xi32, #tpu.memory_space<vmem>> -> memref<1024xi32, #tpu.memory_space<vmem>>
    %dma_start3A_396 = tpu.memref_slice %arg9[%arg0, %add3A_387] : memref<2x212992xi32, #tpu.memory_space<hbm>> -> memref<1x1024xi32, #tpu.memory_space<hbm>>
    %dma_start3A_397 = tpu.memref_squeeze %dma_start3A_396 : memref<1x1024xi32, #tpu.memory_space<hbm>> -> memref<1024xi32, #tpu.memory_space<hbm>>
    %dma_start3A_398 = arith.constant 0 : i32
    %dma_start3A_399 = tpu.memref_slice %arg15[%dma_start3A_398] : memref<2048xi32, #tpu.memory_space<vmem>> -> memref<1024xi32, #tpu.memory_space<vmem>>
    %dma_start3A_400 = tpu.memref_slice %arg9[%arg0, %add3A_387] : memref<2x212992xi32, #tpu.memory_space<hbm>> -> memref<1x1024xi32, #tpu.memory_space<hbm>>
    %dma_start3A_401 = tpu.memref_squeeze %dma_start3A_400 : memref<1x1024xi32, #tpu.memory_space<hbm>> -> memref<1024xi32, #tpu.memory_space<hbm>>
    tpu.enqueue_dma source(%dma_start3A_401 : memref<1024xi32, #tpu.memory_space<hbm>>) target(%dma_start3A_399 : memref<1024xi32, #tpu.memory_space<vmem>>) target_semaphore(%arg21 : memref<!tpu.dma_semaphore, #tpu.memory_space<semaphore_mem>>)
    %scan3A_402 = arith.constant 0 : i32
    %scan3A_403 = arith.constant 0 : i32
    %scan3A_404 = arith.constant 13 : i32
    %scan3A_405 = arith.addi %scan3A_403, %scan3A_404 : i32
    %scan3A_406 = arith.constant 1 : i32
    scf.for %scan3A_467 = %scan3A_403 to %scan3A_405 step %scan3A_406  : i32 {
      %and3A_468 = arith.constant 1 : i32
      %and3A_469 = arith.andi %scan3A_467, %and3A_468 : i32
      %mul3A_470 = arith.constant 1024 : i32
      %mul3A_471 = arith.muli %and3A_469, %mul3A_470 : i32
      %mul3A_472 = arith.constant 1024 : i32
      %mul3A_473 = arith.muli %and3A_469, %mul3A_472 : i32
      %dma_wait3A_474 = tpu.memref_slice %arg14[%mul3A_473] : memref<2048xi32, #tpu.memory_space<vmem>> -> memref<1024xi32, #tpu.memory_space<vmem>>
      %dma_wait3A_475 = arith.constant 0 : i32
      %dma_wait3A_476 = tpu.memref_slice %arg2[%dma_wait3A_475] : memref<212992xi32, #tpu.memory_space<hbm>> -> memref<1024xi32, #tpu.memory_space<hbm>>
      %dma_wait3A_477 = tpu.memref_slice %arg14[%mul3A_473] : memref<2048xi32, #tpu.memory_space<vmem>> -> memref<1024xi32, #tpu.memory_space<vmem>>
      %dma_wait3A_478 = arith.constant 0 : i32
      %dma_wait3A_479 = tpu.memref_slice %arg2[%dma_wait3A_478] : memref<212992xi32, #tpu.memory_space<hbm>> -> memref<1024xi32, #tpu.memory_space<hbm>>
      tpu.wait_dma2 semaphore(%arg21 : memref<!tpu.dma_semaphore, #tpu.memory_space<semaphore_mem>>) src(%dma_wait3A_479 : memref<1024xi32, #tpu.memory_space<hbm>>) dst(%dma_wait3A_477 : memref<1024xi32, #tpu.memory_space<vmem>>)
      %mul3A_480 = arith.constant 1024 : i32
      %mul3A_481 = arith.muli %and3A_469, %mul3A_480 : i32
      %dma_wait3A_482 = tpu.memref_slice %arg14[%mul3A_481] : memref<2048xi32, #tpu.memory_space<vmem>> -> memref<1024xi32, #tpu.memory_space<vmem>>
      %dma_wait3A_483 = arith.constant 0 : i32
      %dma_wait3A_484 = tpu.memref_slice %arg2[%dma_wait3A_483] : memref<212992xi32, #tpu.memory_space<hbm>> -> memref<1024xi32, #tpu.memory_space<hbm>>
      %dma_wait3A_485 = tpu.memref_slice %arg14[%mul3A_481] : memref<2048xi32, #tpu.memory_space<vmem>> -> memref<1024xi32, #tpu.memory_space<vmem>>
      %dma_wait3A_486 = arith.constant 0 : i32
      %dma_wait3A_487 = tpu.memref_slice %arg2[%dma_wait3A_486] : memref<212992xi32, #tpu.memory_space<hbm>> -> memref<1024xi32, #tpu.memory_space<hbm>>
      tpu.wait_dma2 semaphore(%arg21 : memref<!tpu.dma_semaphore, #tpu.memory_space<semaphore_mem>>) src(%dma_wait3A_487 : memref<1024xi32, #tpu.memory_space<hbm>>) dst(%dma_wait3A_485 : memref<1024xi32, #tpu.memory_space<vmem>>)
      %lt3A_488 = arith.constant 12 : i32
      %lt3A_489 = arith.cmpi slt, %scan3A_467, %lt3A_488 : i32
      %convert_element_type3A_490 = arith.extui %lt3A_489 : i1 to i32
      %cond3A_491 = arith.constant 0 : i32
      %cond3A_492 = arith.cmpi ne, %convert_element_type3A_490, %cond3A_491 : i32
      scf.if %cond3A_492 {
        %add3A_829 = arith.constant 1 : i32
        %add3A_830 = arith.addi %scan3A_467, %add3A_829 : i32
        %sub3A_831 = arith.constant 1 : i32
        %sub3A_832 = arith.subi %sub3A_831, %and3A_469 : i32
        %mul3A_833 = arith.constant 13312 : i32
        %mul3A_834 = arith.muli %arg1, %mul3A_833 : i32
        %mul3A_835 = arith.constant 1024 : i32
        %mul3A_836 = arith.muli %add3A_830, %mul3A_835 : i32
        %add3A_837 = arith.addi %mul3A_834, %mul3A_836 : i32
        %mul3A_838 = arith.constant 1024 : i32
        %mul3A_839 = arith.muli %sub3A_832, %mul3A_838 : i32
        %dma_start3A_840 = tpu.memref_slice %arg14[%mul3A_839] : memref<2048xi32, #tpu.memory_space<vmem>> -> memref<1024xi32, #tpu.memory_space<vmem>>
        %dma_start3A_841 = tpu.memref_slice %arg2[%add3A_837] : memref<212992xi32, #tpu.memory_space<hbm>> -> memref<1024xi32, #tpu.memory_space<hbm>>
        %dma_start3A_842 = tpu.memref_slice %arg14[%mul3A_839] : memref<2048xi32, #tpu.memory_space<vmem>> -> memref<1024xi32, #tpu.memory_space<vmem>>
        %dma_start3A_843 = tpu.memref_slice %arg2[%add3A_837] : memref<212992xi32, #tpu.memory_space<hbm>> -> memref<1024xi32, #tpu.memory_space<hbm>>
        tpu.enqueue_dma source(%dma_start3A_843 : memref<1024xi32, #tpu.memory_space<hbm>>) target(%dma_start3A_842 : memref<1024xi32, #tpu.memory_space<vmem>>) target_semaphore(%arg21 : memref<!tpu.dma_semaphore, #tpu.memory_space<semaphore_mem>>)
        %mul3A_844 = arith.constant 1024 : i32
        %mul3A_845 = arith.muli %sub3A_832, %mul3A_844 : i32
        %dma_start3A_846 = tpu.memref_slice %arg15[%mul3A_845] : memref<2048xi32, #tpu.memory_space<vmem>> -> memref<1024xi32, #tpu.memory_space<vmem>>
        %dma_start3A_847 = tpu.memref_slice %arg9[%arg0, %add3A_837] : memref<2x212992xi32, #tpu.memory_space<hbm>> -> memref<1x1024xi32, #tpu.memory_space<hbm>>
        %dma_start3A_848 = tpu.memref_squeeze %dma_start3A_847 : memref<1x1024xi32, #tpu.memory_space<hbm>> -> memref<1024xi32, #tpu.memory_space<hbm>>
        %dma_start3A_849 = tpu.memref_slice %arg15[%mul3A_845] : memref<2048xi32, #tpu.memory_space<vmem>> -> memref<1024xi32, #tpu.memory_space<vmem>>
        %dma_start3A_850 = tpu.memref_slice %arg9[%arg0, %add3A_837] : memref<2x212992xi32, #tpu.memory_space<hbm>> -> memref<1x1024xi32, #tpu.memory_space<hbm>>
        %dma_start3A_851 = tpu.memref_squeeze %dma_start3A_850 : memref<1x1024xi32, #tpu.memory_space<hbm>> -> memref<1024xi32, #tpu.memory_space<hbm>>
        tpu.enqueue_dma source(%dma_start3A_851 : memref<1024xi32, #tpu.memory_space<hbm>>) target(%dma_start3A_849 : memref<1024xi32, #tpu.memory_space<vmem>>) target_semaphore(%arg21 : memref<!tpu.dma_semaphore, #tpu.memory_space<semaphore_mem>>)
      } else {
      }
      %add3A_493 = arith.constant 0 : i32
      %add3A_494 = arith.addi %mul3A_471, %add3A_493 : i32
      %dma_start3A_495 = arith.constant 0 : i32
      %dma_start3A_496 = arith.constant 0 : i32
      %dma_start3A_497 = tpu.memref_slice %arg13[%dma_start3A_495, %dma_start3A_496] : memref<256x32xf32, #tpu.memory_space<vmem>> -> memref<128x32xf32, #tpu.memory_space<vmem>>
      %dma_start3A_498 = tpu.memref_slice %arg14[%add3A_494] : memref<2048xi32, #tpu.memory_space<vmem>> -> memref<128xi32, #tpu.memory_space<vmem>>
      %dma_start3A_499 = arith.constant 0 : i32
      %dma_start3A_500 = arith.constant 0 : i32
      %dma_start3A_501 = tpu.memref_slice %arg4[%dma_start3A_499, %dma_start3A_500] : memref<2600000x32xf32, #tpu.memory_space<hbm>> -> memref<2600000x32xf32, #tpu.memory_space<hbm>>
      tpu.enqueue_indirect_dma source(%dma_start3A_501 : memref<2600000x32xf32, #tpu.memory_space<hbm>>) target(%dma_start3A_497 : memref<128x32xf32, #tpu.memory_space<vmem>>) offsets(%dma_start3A_498 : memref<128xi32, #tpu.memory_space<vmem>>) semaphore(%arg22 : memref<!tpu.dma_semaphore, #tpu.memory_space<semaphore_mem>>)
      %add3A_502 = arith.constant 128 : i32
      %add3A_503 = arith.addi %mul3A_471, %add3A_502 : i32
      %dma_start3A_504 = arith.constant 128 : i32
      %dma_start3A_505 = arith.constant 0 : i32
      %dma_start3A_506 = tpu.memref_slice %arg13[%dma_start3A_504, %dma_start3A_505] : memref<256x32xf32, #tpu.memory_space<vmem>> -> memref<128x32xf32, #tpu.memory_space<vmem>>
      %dma_start3A_507 = tpu.memref_slice %arg14[%add3A_503] : memref<2048xi32, #tpu.memory_space<vmem>> -> memref<128xi32, #tpu.memory_space<vmem>>
      %dma_start3A_508 = arith.constant 0 : i32
      %dma_start3A_509 = arith.constant 0 : i32
      %dma_start3A_510 = tpu.memref_slice %arg4[%dma_start3A_508, %dma_start3A_509] : memref<2600000x32xf32, #tpu.memory_space<hbm>> -> memref<2600000x32xf32, #tpu.memory_space<hbm>>
      tpu.enqueue_indirect_dma source(%dma_start3A_510 : memref<2600000x32xf32, #tpu.memory_space<hbm>>) target(%dma_start3A_506 : memref<128x32xf32, #tpu.memory_space<vmem>>) offsets(%dma_start3A_507 : memref<128xi32, #tpu.memory_space<vmem>>) semaphore(%arg23 : memref<!tpu.dma_semaphore, #tpu.memory_space<semaphore_mem>>)
      %scan3A_511 = arith.constant 0 : i32
      %scan3A_512 = arith.constant 0 : i32
      %scan3A_513 = arith.constant 8 : i32
      %scan3A_514 = arith.addi %scan3A_512, %scan3A_513 : i32
      %scan3A_515 = arith.constant 1 : i32
      scf.for %scan3A_829 = %scan3A_512 to %scan3A_514 step %scan3A_515  : i32 {
        %add3A_830 = arith.constant 0 : i32
        %add3A_831 = arith.addi %mul3A_471, %add3A_830 : i32
        %mul3A_832 = arith.constant 16 : i32
        %mul3A_833 = arith.muli %scan3A_829, %mul3A_832 : i32
        %add3A_834 = arith.addi %add3A_831, %mul3A_833 : i32
        %get3A_835 = arith.index_cast %add3A_834 : i32 to index
        %get3A_836 = tpu.vector_load %arg15[%get3A_835] {strides = array<i32>} : memref<2048xi32, #tpu.memory_space<vmem>>, vector<16xi32>,
        %get3A_837 = vector.shape_cast %get3A_836 : vector<16xi32> to vector<16xi32>
        %add3A_838 = arith.addi %get3A_837, %add3A_383 : vector<16xi32>
        %ge3A_839 = arith.constant 0 : i32
        %ge3A_840 = vector.broadcast %ge3A_839 : i32 to vector<16xi32>
        %ge3A_841 = arith.cmpi sge, %add3A_838, %ge3A_840 : vector<16xi32>
        %lt3A_842 = arith.constant 53248 : i32
        %lt3A_843 = vector.broadcast %lt3A_842 : i32 to vector<16xi32>
        %lt3A_844 = arith.cmpi slt, %add3A_838, %lt3A_843 : vector<16xi32>
        %and3A_845 = arith.andi %ge3A_841, %lt3A_844 : vector<16xi1>
        %jit3A_846 = arith.constant 53248 : i32
        %broadcast_in_dim3A_847 = vector.broadcast %jit3A_846 : i32 to vector<16xi32>
        %select_n3A_848 = arith.select %and3A_845, %add3A_838, %broadcast_in_dim3A_847 : vector<16xi1>, vector<16xi32>
        %mul3A_849 = arith.constant 16 : i32
        %mul3A_850 = arith.muli %scan3A_829, %mul3A_849 : i32
        %swap3A = arith.constant 0 : i32
        %swap3A_851 = arith.index_cast %swap3A : i32 to index
        %swap3A_852 = arith.index_cast %mul3A_850 : i32 to index
        %swap3A_853 = tpu.vector_load %arg16[%swap3A_851, %swap3A_852] {strides = array<i32>} : memref<8x128xi32, #tpu.memory_space<vmem>>, vector<1x16xi32>,
        %swap3A_854 = vector.shape_cast %swap3A_853 : vector<1x16xi32> to vector<16xi32>
        %swap3A_855 = vector.shape_cast %select_n3A_848 : vector<16xi32> to vector<1x16xi32>
        tpu.vector_store %arg16[%swap3A_851, %swap3A_852], %swap3A_855 {strides = array<i32>} : memref<8x128xi32, #tpu.memory_space<vmem>>, vector<1x16xi32>,
      }
      %scan3A_516 = arith.constant 8 : i32
      %dma_wait3A_517 = arith.constant 0 : i32
      %dma_wait3A_518 = arith.constant 0 : i32
      %dma_wait3A_519 = tpu.memref_slice %arg13[%dma_wait3A_517, %dma_wait3A_518] : memref<256x32xf32, #tpu.memory_space<vmem>> -> memref<128x32xf32, #tpu.memory_space<vmem>>
      %dma_wait3A_520 = tpu.memref_slice %arg14[%add3A_494] : memref<2048xi32, #tpu.memory_space<vmem>> -> memref<128xi32, #tpu.memory_space<vmem>>
      %dma_wait3A_521 = arith.constant 0 : i32
      %dma_wait3A_522 = arith.constant 0 : i32
      %dma_wait3A_523 = tpu.memref_slice %arg4[%dma_wait3A_521, %dma_wait3A_522] : memref<2600000x32xf32, #tpu.memory_space<hbm>> -> memref<2600000x32xf32, #tpu.memory_space<hbm>>
      tpu.wait_indirect_dma semaphore(%arg22 : memref<!tpu.dma_semaphore, #tpu.memory_space<semaphore_mem>>) src(%dma_wait3A_523 : memref<2600000x32xf32, #tpu.memory_space<hbm>>) dst(%dma_wait3A_519 : memref<128x32xf32, #tpu.memory_space<vmem>>)
      %dma_start3A_524 = arith.constant 0 : i32
      %dma_start3A_525 = arith.constant 0 : i32
      %dma_start3A_526 = arith.constant 0 : i32
      %dma_start3A_527 = tpu.memref_slice %arg13[%dma_start3A_525, %dma_start3A_526] : memref<256x32xf32, #tpu.memory_space<vmem>> -> memref<128x32xf32, #tpu.memory_space<vmem>>
      %dma_start3A_528 = arith.constant 0 : i32
      %dma_start3A_529 = tpu.memref_slice %arg16[%dma_start3A_524, %dma_start3A_528] : memref<8x128xi32, #tpu.memory_space<vmem>> -> memref<1x128xi32, #tpu.memory_space<vmem>>
      %dma_start3A_530 = tpu.memref_squeeze %dma_start3A_529 : memref<1x128xi32, #tpu.memory_space<vmem>> -> memref<128xi32, #tpu.memory_space<vmem>>
      %dma_start3A_531 = arith.constant 0 : i32
      %dma_start3A_532 = arith.constant 0 : i32
      %dma_start3A_533 = tpu.memref_slice %arg10[%dma_start3A_531, %dma_start3A_532] : memref<53264x32xf32, #tpu.memory_space<vmem_shared>> -> memref<53264x32xf32, #tpu.memory_space<vmem_shared>>
      tpu.enqueue_indirect_dma source(%dma_start3A_527 : memref<128x32xf32, #tpu.memory_space<vmem>>) target(%dma_start3A_533 : memref<53264x32xf32, #tpu.memory_space<vmem_shared>>) offsets(%dma_start3A_530 : memref<128xi32, #tpu.memory_space<vmem>>) semaphore(%arg24 : memref<!tpu.dma_semaphore, #tpu.memory_space<semaphore_mem>>) {add = true}
      %dma_wait3A_534 = arith.constant 0 : i32
      %dma_wait3A_535 = arith.constant 0 : i32
      %dma_wait3A_536 = arith.constant 0 : i32
      %dma_wait3A_537 = tpu.memref_slice %arg13[%dma_wait3A_535, %dma_wait3A_536] : memref<256x32xf32, #tpu.memory_space<vmem>> -> memref<128x32xf32, #tpu.memory_space<vmem>>
      %dma_wait3A_538 = arith.constant 0 : i32
      %dma_wait3A_539 = tpu.memref_slice %arg16[%dma_wait3A_534, %dma_wait3A_538] : memref<8x128xi32, #tpu.memory_space<vmem>> -> memref<1x128xi32, #tpu.memory_space<vmem>>
      %dma_wait3A_540 = tpu.memref_squeeze %dma_wait3A_539 : memref<1x128xi32, #tpu.memory_space<vmem>> -> memref<128xi32, #tpu.memory_space<vmem>>
      %dma_wait3A_541 = arith.constant 0 : i32
      %dma_wait3A_542 = arith.constant 0 : i32
      %dma_wait3A_543 = tpu.memref_slice %arg10[%dma_wait3A_541, %dma_wait3A_542] : memref<53264x32xf32, #tpu.memory_space<vmem_shared>> -> memref<53264x32xf32, #tpu.memory_space<vmem_shared>>
      tpu.wait_indirect_dma semaphore(%arg24 : memref<!tpu.dma_semaphore, #tpu.memory_space<semaphore_mem>>) src(%dma_wait3A_537 : memref<128x32xf32, #tpu.memory_space<vmem>>) dst(%dma_wait3A_543 : memref<53264x32xf32, #tpu.memory_space<vmem_shared>>)
      %add3A_544 = arith.constant 256 : i32
      %add3A_545 = arith.addi %mul3A_471, %add3A_544 : i32
      %dma_start3A_546 = arith.constant 0 : i32
      %dma_start3A_547 = arith.constant 0 : i32
      %dma_start3A_548 = tpu.memref_slice %arg13[%dma_start3A_546, %dma_start3A_547] : memref<256x32xf32, #tpu.memory_space<vmem>> -> memref<128x32xf32, #tpu.memory_space<vmem>>
      %dma_start3A_549 = tpu.memref_slice %arg14[%add3A_545] : memref<2048xi32, #tpu.memory_space<vmem>> -> memref<128xi32, #tpu.memory_space<vmem>>
      %dma_start3A_550 = arith.constant 0 : i32
      %dma_start3A_551 = arith.constant 0 : i32
      %dma_start3A_552 = tpu.memref_slice %arg4[%dma_start3A_550, %dma_start3A_551] : memref<2600000x32xf32, #tpu.memory_space<hbm>> -> memref<2600000x32xf32, #tpu.memory_space<hbm>>
      tpu.enqueue_indirect_dma source(%dma_start3A_552 : memref<2600000x32xf32, #tpu.memory_space<hbm>>) target(%dma_start3A_548 : memref<128x32xf32, #tpu.memory_space<vmem>>) offsets(%dma_start3A_549 : memref<128xi32, #tpu.memory_space<vmem>>) semaphore(%arg22 : memref<!tpu.dma_semaphore, #tpu.memory_space<semaphore_mem>>)
      %scan3A_553 = arith.constant 0 : i32
      %scan3A_554 = arith.constant 0 : i32
      %scan3A_555 = arith.constant 8 : i32
      %scan3A_556 = arith.addi %scan3A_554, %scan3A_555 : i32
      %scan3A_557 = arith.constant 1 : i32
      scf.for %scan3A_829 = %scan3A_554 to %scan3A_556 step %scan3A_557  : i32 {
        %add3A_830 = arith.constant 128 : i32
        %add3A_831 = arith.addi %mul3A_471, %add3A_830 : i32
        %mul3A_832 = arith.constant 16 : i32
        %mul3A_833 = arith.muli %scan3A_829, %mul3A_832 : i32
        %add3A_834 = arith.addi %add3A_831, %mul3A_833 : i32
        %get3A_835 = arith.index_cast %add3A_834 : i32 to index
        %get3A_836 = tpu.vector_load %arg15[%get3A_835] {strides = array<i32>} : memref<2048xi32, #tpu.memory_space<vmem>>, vector<16xi32>,
        %get3A_837 = vector.shape_cast %get3A_836 : vector<16xi32> to vector<16xi32>
        %add3A_838 = arith.addi %get3A_837, %add3A_383 : vector<16xi32>
        %ge3A_839 = arith.constant 0 : i32
        %ge3A_840 = vector.broadcast %ge3A_839 : i32 to vector<16xi32>
        %ge3A_841 = arith.cmpi sge, %add3A_838, %ge3A_840 : vector<16xi32>
        %lt3A_842 = arith.constant 53248 : i32
        %lt3A_843 = vector.broadcast %lt3A_842 : i32 to vector<16xi32>
        %lt3A_844 = arith.cmpi slt, %add3A_838, %lt3A_843 : vector<16xi32>
        %and3A_845 = arith.andi %ge3A_841, %lt3A_844 : vector<16xi1>
        %jit3A_846 = arith.constant 53248 : i32
        %broadcast_in_dim3A_847 = vector.broadcast %jit3A_846 : i32 to vector<16xi32>
        %select_n3A_848 = arith.select %and3A_845, %add3A_838, %broadcast_in_dim3A_847 : vector<16xi1>, vector<16xi32>
        %mul3A_849 = arith.constant 16 : i32
        %mul3A_850 = arith.muli %scan3A_829, %mul3A_849 : i32
        %swap3A = arith.constant 1 : i32
        %swap3A_851 = arith.index_cast %swap3A : i32 to index
        %swap3A_852 = arith.index_cast %mul3A_850 : i32 to index
        %swap3A_853 = tpu.vector_load %arg16[%swap3A_851, %swap3A_852] {strides = array<i32>} : memref<8x128xi32, #tpu.memory_space<vmem>>, vector<1x16xi32>,
        %swap3A_854 = vector.shape_cast %swap3A_853 : vector<1x16xi32> to vector<16xi32>
        %swap3A_855 = vector.shape_cast %select_n3A_848 : vector<16xi32> to vector<1x16xi32>
        tpu.vector_store %arg16[%swap3A_851, %swap3A_852], %swap3A_855 {strides = array<i32>} : memref<8x128xi32, #tpu.memory_space<vmem>>, vector<1x16xi32>,
      }
      %scan3A_558 = arith.constant 8 : i32
      %dma_wait3A_559 = arith.constant 128 : i32
      %dma_wait3A_560 = arith.constant 0 : i32
      %dma_wait3A_561 = tpu.memref_slice %arg13[%dma_wait3A_559, %dma_wait3A_560] : memref<256x32xf32, #tpu.memory_space<vmem>> -> memref<128x32xf32, #tpu.memory_space<vmem>>
      %dma_wait3A_562 = tpu.memref_slice %arg14[%add3A_503] : memref<2048xi32, #tpu.memory_space<vmem>> -> memref<128xi32, #tpu.memory_space<vmem>>
      %dma_wait3A_563 = arith.constant 0 : i32
      %dma_wait3A_564 = arith.constant 0 : i32
      %dma_wait3A_565 = tpu.memref_slice %arg4[%dma_wait3A_563, %dma_wait3A_564] : memref<2600000x32xf32, #tpu.memory_space<hbm>> -> memref<2600000x32xf32, #tpu.memory_space<hbm>>
      tpu.wait_indirect_dma semaphore(%arg23 : memref<!tpu.dma_semaphore, #tpu.memory_space<semaphore_mem>>) src(%dma_wait3A_565 : memref<2600000x32xf32, #tpu.memory_space<hbm>>) dst(%dma_wait3A_561 : memref<128x32xf32, #tpu.memory_space<vmem>>)
      %dma_start3A_566 = arith.constant 1 : i32
      %dma_start3A_567 = arith.constant 128 : i32
      %dma_start3A_568 = arith.constant 0 : i32
      %dma_start3A_569 = tpu.memref_slice %arg13[%dma_start3A_567, %dma_start3A_568] : memref<256x32xf32, #tpu.memory_space<vmem>> -> memref<128x32xf32, #tpu.memory_space<vmem>>
      %dma_start3A_570 = arith.constant 0 : i32
      %dma_start3A_571 = tpu.memref_slice %arg16[%dma_start3A_566, %dma_start3A_570] : memref<8x128xi32, #tpu.memory_space<vmem>> -> memref<1x128xi32, #tpu.memory_space<vmem>>
      %dma_start3A_572 = tpu.memref_squeeze %dma_start3A_571 : memref<1x128xi32, #tpu.memory_space<vmem>> -> memref<128xi32, #tpu.memory_space<vmem>>
      %dma_start3A_573 = arith.constant 0 : i32
      %dma_start3A_574 = arith.constant 0 : i32
      %dma_start3A_575 = tpu.memref_slice %arg10[%dma_start3A_573, %dma_start3A_574] : memref<53264x32xf32, #tpu.memory_space<vmem_shared>> -> memref<53264x32xf32, #tpu.memory_space<vmem_shared>>
      tpu.enqueue_indirect_dma source(%dma_start3A_569 : memref<128x32xf32, #tpu.memory_space<vmem>>) target(%dma_start3A_575 : memref<53264x32xf32, #tpu.memory_space<vmem_shared>>) offsets(%dma_start3A_572 : memref<128xi32, #tpu.memory_space<vmem>>) semaphore(%arg25 : memref<!tpu.dma_semaphore, #tpu.memory_space<semaphore_mem>>) {add = true}
      %dma_wait3A_576 = arith.constant 1 : i32
      %dma_wait3A_577 = arith.constant 128 : i32
      %dma_wait3A_578 = arith.constant 0 : i32
      %dma_wait3A_579 = tpu.memref_slice %arg13[%dma_wait3A_577, %dma_wait3A_578] : memref<256x32xf32, #tpu.memory_space<vmem>> -> memref<128x32xf32, #tpu.memory_space<vmem>>
      %dma_wait3A_580 = arith.constant 0 : i32
      %dma_wait3A_581 = tpu.memref_slice %arg16[%dma_wait3A_576, %dma_wait3A_580] : memref<8x128xi32, #tpu.memory_space<vmem>> -> memref<1x128xi32, #tpu.memory_space<vmem>>
      %dma_wait3A_582 = tpu.memref_squeeze %dma_wait3A_581 : memref<1x128xi32, #tpu.memory_space<vmem>> -> memref<128xi32, #tpu.memory_space<vmem>>
      %dma_wait3A_583 = arith.constant 0 : i32
      %dma_wait3A_584 = arith.constant 0 : i32
      %dma_wait3A_585 = tpu.memref_slice %arg10[%dma_wait3A_583, %dma_wait3A_584] : memref<53264x32xf32, #tpu.memory_space<vmem_shared>> -> memref<53264x32xf32, #tpu.memory_space<vmem_shared>>
      tpu.wait_indirect_dma semaphore(%arg25 : memref<!tpu.dma_semaphore, #tpu.memory_space<semaphore_mem>>) src(%dma_wait3A_579 : memref<128x32xf32, #tpu.memory_space<vmem>>) dst(%dma_wait3A_585 : memref<53264x32xf32, #tpu.memory_space<vmem_shared>>)
      %add3A_586 = arith.constant 384 : i32
      %add3A_587 = arith.addi %mul3A_471, %add3A_586 : i32
      %dma_start3A_588 = arith.constant 128 : i32
      %dma_start3A_589 = arith.constant 0 : i32
      %dma_start3A_590 = tpu.memref_slice %arg13[%dma_start3A_588, %dma_start3A_589] : memref<256x32xf32, #tpu.memory_space<vmem>> -> memref<128x32xf32, #tpu.memory_space<vmem>>
      %dma_start3A_591 = tpu.memref_slice %arg14[%add3A_587] : memref<2048xi32, #tpu.memory_space<vmem>> -> memref<128xi32, #tpu.memory_space<vmem>>
      %dma_start3A_592 = arith.constant 0 : i32
      %dma_start3A_593 = arith.constant 0 : i32
      %dma_start3A_594 = tpu.memref_slice %arg4[%dma_start3A_592, %dma_start3A_593] : memref<2600000x32xf32, #tpu.memory_space<hbm>> -> memref<2600000x32xf32, #tpu.memory_space<hbm>>
      tpu.enqueue_indirect_dma source(%dma_start3A_594 : memref<2600000x32xf32, #tpu.memory_space<hbm>>) target(%dma_start3A_590 : memref<128x32xf32, #tpu.memory_space<vmem>>) offsets(%dma_start3A_591 : memref<128xi32, #tpu.memory_space<vmem>>) semaphore(%arg23 : memref<!tpu.dma_semaphore, #tpu.memory_space<semaphore_mem>>)
      %scan3A_595 = arith.constant 0 : i32
      %scan3A_596 = arith.constant 0 : i32
      %scan3A_597 = arith.constant 8 : i32
      %scan3A_598 = arith.addi %scan3A_596, %scan3A_597 : i32
      %scan3A_599 = arith.constant 1 : i32
      scf.for %scan3A_829 = %scan3A_596 to %scan3A_598 step %scan3A_599  : i32 {
        %add3A_830 = arith.constant 256 : i32
        %add3A_831 = arith.addi %mul3A_471, %add3A_830 : i32
        %mul3A_832 = arith.constant 16 : i32
        %mul3A_833 = arith.muli %scan3A_829, %mul3A_832 : i32
        %add3A_834 = arith.addi %add3A_831, %mul3A_833 : i32
        %get3A_835 = arith.index_cast %add3A_834 : i32 to index
        %get3A_836 = tpu.vector_load %arg15[%get3A_835] {strides = array<i32>} : memref<2048xi32, #tpu.memory_space<vmem>>, vector<16xi32>,
        %get3A_837 = vector.shape_cast %get3A_836 : vector<16xi32> to vector<16xi32>
        %add3A_838 = arith.addi %get3A_837, %add3A_383 : vector<16xi32>
        %ge3A_839 = arith.constant 0 : i32
        %ge3A_840 = vector.broadcast %ge3A_839 : i32 to vector<16xi32>
        %ge3A_841 = arith.cmpi sge, %add3A_838, %ge3A_840 : vector<16xi32>
        %lt3A_842 = arith.constant 53248 : i32
        %lt3A_843 = vector.broadcast %lt3A_842 : i32 to vector<16xi32>
        %lt3A_844 = arith.cmpi slt, %add3A_838, %lt3A_843 : vector<16xi32>
        %and3A_845 = arith.andi %ge3A_841, %lt3A_844 : vector<16xi1>
        %jit3A_846 = arith.constant 53248 : i32
        %broadcast_in_dim3A_847 = vector.broadcast %jit3A_846 : i32 to vector<16xi32>
        %select_n3A_848 = arith.select %and3A_845, %add3A_838, %broadcast_in_dim3A_847 : vector<16xi1>, vector<16xi32>
        %mul3A_849 = arith.constant 16 : i32
        %mul3A_850 = arith.muli %scan3A_829, %mul3A_849 : i32
        %swap3A = arith.constant 2 : i32
        %swap3A_851 = arith.index_cast %swap3A : i32 to index
        %swap3A_852 = arith.index_cast %mul3A_850 : i32 to index
        %swap3A_853 = tpu.vector_load %arg16[%swap3A_851, %swap3A_852] {strides = array<i32>} : memref<8x128xi32, #tpu.memory_space<vmem>>, vector<1x16xi32>,
        %swap3A_854 = vector.shape_cast %swap3A_853 : vector<1x16xi32> to vector<16xi32>
        %swap3A_855 = vector.shape_cast %select_n3A_848 : vector<16xi32> to vector<1x16xi32>
        tpu.vector_store %arg16[%swap3A_851, %swap3A_852], %swap3A_855 {strides = array<i32>} : memref<8x128xi32, #tpu.memory_space<vmem>>, vector<1x16xi32>,
      }
      %scan3A_600 = arith.constant 8 : i32
      %dma_wait3A_601 = arith.constant 0 : i32
      %dma_wait3A_602 = arith.constant 0 : i32
      %dma_wait3A_603 = tpu.memref_slice %arg13[%dma_wait3A_601, %dma_wait3A_602] : memref<256x32xf32, #tpu.memory_space<vmem>> -> memref<128x32xf32, #tpu.memory_space<vmem>>
      %dma_wait3A_604 = tpu.memref_slice %arg14[%add3A_545] : memref<2048xi32, #tpu.memory_space<vmem>> -> memref<128xi32, #tpu.memory_space<vmem>>
      %dma_wait3A_605 = arith.constant 0 : i32
      %dma_wait3A_606 = arith.constant 0 : i32
      %dma_wait3A_607 = tpu.memref_slice %arg4[%dma_wait3A_605, %dma_wait3A_606] : memref<2600000x32xf32, #tpu.memory_space<hbm>> -> memref<2600000x32xf32, #tpu.memory_space<hbm>>
      tpu.wait_indirect_dma semaphore(%arg22 : memref<!tpu.dma_semaphore, #tpu.memory_space<semaphore_mem>>) src(%dma_wait3A_607 : memref<2600000x32xf32, #tpu.memory_space<hbm>>) dst(%dma_wait3A_603 : memref<128x32xf32, #tpu.memory_space<vmem>>)
      %dma_start3A_608 = arith.constant 2 : i32
      %dma_start3A_609 = arith.constant 0 : i32
      %dma_start3A_610 = arith.constant 0 : i32
      %dma_start3A_611 = tpu.memref_slice %arg13[%dma_start3A_609, %dma_start3A_610] : memref<256x32xf32, #tpu.memory_space<vmem>> -> memref<128x32xf32, #tpu.memory_space<vmem>>
      %dma_start3A_612 = arith.constant 0 : i32
      %dma_start3A_613 = tpu.memref_slice %arg16[%dma_start3A_608, %dma_start3A_612] : memref<8x128xi32, #tpu.memory_space<vmem>> -> memref<1x128xi32, #tpu.memory_space<vmem>>
      %dma_start3A_614 = tpu.memref_squeeze %dma_start3A_613 : memref<1x128xi32, #tpu.memory_space<vmem>> -> memref<128xi32, #tpu.memory_space<vmem>>
      %dma_start3A_615 = arith.constant 0 : i32
      %dma_start3A_616 = arith.constant 0 : i32
      %dma_start3A_617 = tpu.memref_slice %arg10[%dma_start3A_615, %dma_start3A_616] : memref<53264x32xf32, #tpu.memory_space<vmem_shared>> -> memref<53264x32xf32, #tpu.memory_space<vmem_shared>>
      tpu.enqueue_indirect_dma source(%dma_start3A_611 : memref<128x32xf32, #tpu.memory_space<vmem>>) target(%dma_start3A_617 : memref<53264x32xf32, #tpu.memory_space<vmem_shared>>) offsets(%dma_start3A_614 : memref<128xi32, #tpu.memory_space<vmem>>) semaphore(%arg24 : memref<!tpu.dma_semaphore, #tpu.memory_space<semaphore_mem>>) {add = true}
      %dma_wait3A_618 = arith.constant 2 : i32
      %dma_wait3A_619 = arith.constant 0 : i32
      %dma_wait3A_620 = arith.constant 0 : i32
      %dma_wait3A_621 = tpu.memref_slice %arg13[%dma_wait3A_619, %dma_wait3A_620] : memref<256x32xf32, #tpu.memory_space<vmem>> -> memref<128x32xf32, #tpu.memory_space<vmem>>
      %dma_wait3A_622 = arith.constant 0 : i32
      %dma_wait3A_623 = tpu.memref_slice %arg16[%dma_wait3A_618, %dma_wait3A_622] : memref<8x128xi32, #tpu.memory_space<vmem>> -> memref<1x128xi32, #tpu.memory_space<vmem>>
      %dma_wait3A_624 = tpu.memref_squeeze %dma_wait3A_623 : memref<1x128xi32, #tpu.memory_space<vmem>> -> memref<128xi32, #tpu.memory_space<vmem>>
      %dma_wait3A_625 = arith.constant 0 : i32
      %dma_wait3A_626 = arith.constant 0 : i32
      %dma_wait3A_627 = tpu.memref_slice %arg10[%dma_wait3A_625, %dma_wait3A_626] : memref<53264x32xf32, #tpu.memory_space<vmem_shared>> -> memref<53264x32xf32, #tpu.memory_space<vmem_shared>>
      tpu.wait_indirect_dma semaphore(%arg24 : memref<!tpu.dma_semaphore, #tpu.memory_space<semaphore_mem>>) src(%dma_wait3A_621 : memref<128x32xf32, #tpu.memory_space<vmem>>) dst(%dma_wait3A_627 : memref<53264x32xf32, #tpu.memory_space<vmem_shared>>)
      %add3A_628 = arith.constant 512 : i32
      %add3A_629 = arith.addi %mul3A_471, %add3A_628 : i32
      %dma_start3A_630 = arith.constant 0 : i32
      %dma_start3A_631 = arith.constant 0 : i32
      %dma_start3A_632 = tpu.memref_slice %arg13[%dma_start3A_630, %dma_start3A_631] : memref<256x32xf32, #tpu.memory_space<vmem>> -> memref<128x32xf32, #tpu.memory_space<vmem>>
      %dma_start3A_633 = tpu.memref_slice %arg14[%add3A_629] : memref<2048xi32, #tpu.memory_space<vmem>> -> memref<128xi32, #tpu.memory_space<vmem>>
      %dma_start3A_634 = arith.constant 0 : i32
      %dma_start3A_635 = arith.constant 0 : i32
      %dma_start3A_636 = tpu.memref_slice %arg4[%dma_start3A_634, %dma_start3A_635] : memref<2600000x32xf32, #tpu.memory_space<hbm>> -> memref<2600000x32xf32, #tpu.memory_space<hbm>>
      tpu.enqueue_indirect_dma source(%dma_start3A_636 : memref<2600000x32xf32, #tpu.memory_space<hbm>>) target(%dma_start3A_632 : memref<128x32xf32, #tpu.memory_space<vmem>>) offsets(%dma_start3A_633 : memref<128xi32, #tpu.memory_space<vmem>>) semaphore(%arg22 : memref<!tpu.dma_semaphore, #tpu.memory_space<semaphore_mem>>)
      %scan3A_637 = arith.constant 0 : i32
      %scan3A_638 = arith.constant 0 : i32
      %scan3A_639 = arith.constant 8 : i32
      %scan3A_640 = arith.addi %scan3A_638, %scan3A_639 : i32
      %scan3A_641 = arith.constant 1 : i32
      scf.for %scan3A_829 = %scan3A_638 to %scan3A_640 step %scan3A_641  : i32 {
        %add3A_830 = arith.constant 384 : i32
        %add3A_831 = arith.addi %mul3A_471, %add3A_830 : i32
        %mul3A_832 = arith.constant 16 : i32
        %mul3A_833 = arith.muli %scan3A_829, %mul3A_832 : i32
        %add3A_834 = arith.addi %add3A_831, %mul3A_833 : i32
        %get3A_835 = arith.index_cast %add3A_834 : i32 to index
        %get3A_836 = tpu.vector_load %arg15[%get3A_835] {strides = array<i32>} : memref<2048xi32, #tpu.memory_space<vmem>>, vector<16xi32>,
        %get3A_837 = vector.shape_cast %get3A_836 : vector<16xi32> to vector<16xi32>
        %add3A_838 = arith.addi %get3A_837, %add3A_383 : vector<16xi32>
        %ge3A_839 = arith.constant 0 : i32
        %ge3A_840 = vector.broadcast %ge3A_839 : i32 to vector<16xi32>
        %ge3A_841 = arith.cmpi sge, %add3A_838, %ge3A_840 : vector<16xi32>
        %lt3A_842 = arith.constant 53248 : i32
        %lt3A_843 = vector.broadcast %lt3A_842 : i32 to vector<16xi32>
        %lt3A_844 = arith.cmpi slt, %add3A_838, %lt3A_843 : vector<16xi32>
        %and3A_845 = arith.andi %ge3A_841, %lt3A_844 : vector<16xi1>
        %jit3A_846 = arith.constant 53248 : i32
        %broadcast_in_dim3A_847 = vector.broadcast %jit3A_846 : i32 to vector<16xi32>
        %select_n3A_848 = arith.select %and3A_845, %add3A_838, %broadcast_in_dim3A_847 : vector<16xi1>, vector<16xi32>
        %mul3A_849 = arith.constant 16 : i32
        %mul3A_850 = arith.muli %scan3A_829, %mul3A_849 : i32
        %swap3A = arith.constant 3 : i32
        %swap3A_851 = arith.index_cast %swap3A : i32 to index
        %swap3A_852 = arith.index_cast %mul3A_850 : i32 to index
        %swap3A_853 = tpu.vector_load %arg16[%swap3A_851, %swap3A_852] {strides = array<i32>} : memref<8x128xi32, #tpu.memory_space<vmem>>, vector<1x16xi32>,
        %swap3A_854 = vector.shape_cast %swap3A_853 : vector<1x16xi32> to vector<16xi32>
        %swap3A_855 = vector.shape_cast %select_n3A_848 : vector<16xi32> to vector<1x16xi32>
        tpu.vector_store %arg16[%swap3A_851, %swap3A_852], %swap3A_855 {strides = array<i32>} : memref<8x128xi32, #tpu.memory_space<vmem>>, vector<1x16xi32>,
      }
      %scan3A_642 = arith.constant 8 : i32
      %dma_wait3A_643 = arith.constant 128 : i32
      %dma_wait3A_644 = arith.constant 0 : i32
      %dma_wait3A_645 = tpu.memref_slice %arg13[%dma_wait3A_643, %dma_wait3A_644] : memref<256x32xf32, #tpu.memory_space<vmem>> -> memref<128x32xf32, #tpu.memory_space<vmem>>
      %dma_wait3A_646 = tpu.memref_slice %arg14[%add3A_587] : memref<2048xi32, #tpu.memory_space<vmem>> -> memref<128xi32, #tpu.memory_space<vmem>>
      %dma_wait3A_647 = arith.constant 0 : i32
      %dma_wait3A_648 = arith.constant 0 : i32
      %dma_wait3A_649 = tpu.memref_slice %arg4[%dma_wait3A_647, %dma_wait3A_648] : memref<2600000x32xf32, #tpu.memory_space<hbm>> -> memref<2600000x32xf32, #tpu.memory_space<hbm>>
      tpu.wait_indirect_dma semaphore(%arg23 : memref<!tpu.dma_semaphore, #tpu.memory_space<semaphore_mem>>) src(%dma_wait3A_649 : memref<2600000x32xf32, #tpu.memory_space<hbm>>) dst(%dma_wait3A_645 : memref<128x32xf32, #tpu.memory_space<vmem>>)
      %dma_start3A_650 = arith.constant 3 : i32
      %dma_start3A_651 = arith.constant 128 : i32
      %dma_start3A_652 = arith.constant 0 : i32
      %dma_start3A_653 = tpu.memref_slice %arg13[%dma_start3A_651, %dma_start3A_652] : memref<256x32xf32, #tpu.memory_space<vmem>> -> memref<128x32xf32, #tpu.memory_space<vmem>>
      %dma_start3A_654 = arith.constant 0 : i32
      %dma_start3A_655 = tpu.memref_slice %arg16[%dma_start3A_650, %dma_start3A_654] : memref<8x128xi32, #tpu.memory_space<vmem>> -> memref<1x128xi32, #tpu.memory_space<vmem>>
      %dma_start3A_656 = tpu.memref_squeeze %dma_start3A_655 : memref<1x128xi32, #tpu.memory_space<vmem>> -> memref<128xi32, #tpu.memory_space<vmem>>
      %dma_start3A_657 = arith.constant 0 : i32
      %dma_start3A_658 = arith.constant 0 : i32
      %dma_start3A_659 = tpu.memref_slice %arg10[%dma_start3A_657, %dma_start3A_658] : memref<53264x32xf32, #tpu.memory_space<vmem_shared>> -> memref<53264x32xf32, #tpu.memory_space<vmem_shared>>
      tpu.enqueue_indirect_dma source(%dma_start3A_653 : memref<128x32xf32, #tpu.memory_space<vmem>>) target(%dma_start3A_659 : memref<53264x32xf32, #tpu.memory_space<vmem_shared>>) offsets(%dma_start3A_656 : memref<128xi32, #tpu.memory_space<vmem>>) semaphore(%arg25 : memref<!tpu.dma_semaphore, #tpu.memory_space<semaphore_mem>>) {add = true}
      %dma_wait3A_660 = arith.constant 3 : i32
      %dma_wait3A_661 = arith.constant 128 : i32
      %dma_wait3A_662 = arith.constant 0 : i32
      %dma_wait3A_663 = tpu.memref_slice %arg13[%dma_wait3A_661, %dma_wait3A_662] : memref<256x32xf32, #tpu.memory_space<vmem>> -> memref<128x32xf32, #tpu.memory_space<vmem>>
      %dma_wait3A_664 = arith.constant 0 : i32
      %dma_wait3A_665 = tpu.memref_slice %arg16[%dma_wait3A_660, %dma_wait3A_664] : memref<8x128xi32, #tpu.memory_space<vmem>> -> memref<1x128xi32, #tpu.memory_space<vmem>>
      %dma_wait3A_666 = tpu.memref_squeeze %dma_wait3A_665 : memref<1x128xi32, #tpu.memory_space<vmem>> -> memref<128xi32, #tpu.memory_space<vmem>>
      %dma_wait3A_667 = arith.constant 0 : i32
      %dma_wait3A_668 = arith.constant 0 : i32
      %dma_wait3A_669 = tpu.memref_slice %arg10[%dma_wait3A_667, %dma_wait3A_668] : memref<53264x32xf32, #tpu.memory_space<vmem_shared>> -> memref<53264x32xf32, #tpu.memory_space<vmem_shared>>
      tpu.wait_indirect_dma semaphore(%arg25 : memref<!tpu.dma_semaphore, #tpu.memory_space<semaphore_mem>>) src(%dma_wait3A_663 : memref<128x32xf32, #tpu.memory_space<vmem>>) dst(%dma_wait3A_669 : memref<53264x32xf32, #tpu.memory_space<vmem_shared>>)
      %add3A_670 = arith.constant 640 : i32
      %add3A_671 = arith.addi %mul3A_471, %add3A_670 : i32
      %dma_start3A_672 = arith.constant 128 : i32
      %dma_start3A_673 = arith.constant 0 : i32
      %dma_start3A_674 = tpu.memref_slice %arg13[%dma_start3A_672, %dma_start3A_673] : memref<256x32xf32, #tpu.memory_space<vmem>> -> memref<128x32xf32, #tpu.memory_space<vmem>>
      %dma_start3A_675 = tpu.memref_slice %arg14[%add3A_671] : memref<2048xi32, #tpu.memory_space<vmem>> -> memref<128xi32, #tpu.memory_space<vmem>>
      %dma_start3A_676 = arith.constant 0 : i32
      %dma_start3A_677 = arith.constant 0 : i32
      %dma_start3A_678 = tpu.memref_slice %arg4[%dma_start3A_676, %dma_start3A_677] : memref<2600000x32xf32, #tpu.memory_space<hbm>> -> memref<2600000x32xf32, #tpu.memory_space<hbm>>
      tpu.enqueue_indirect_dma source(%dma_start3A_678 : memref<2600000x32xf32, #tpu.memory_space<hbm>>) target(%dma_start3A_674 : memref<128x32xf32, #tpu.memory_space<vmem>>) offsets(%dma_start3A_675 : memref<128xi32, #tpu.memory_space<vmem>>) semaphore(%arg23 : memref<!tpu.dma_semaphore, #tpu.memory_space<semaphore_mem>>)
      %scan3A_679 = arith.constant 0 : i32
      %scan3A_680 = arith.constant 0 : i32
      %scan3A_681 = arith.constant 8 : i32
      %scan3A_682 = arith.addi %scan3A_680, %scan3A_681 : i32
      %scan3A_683 = arith.constant 1 : i32
      scf.for %scan3A_829 = %scan3A_680 to %scan3A_682 step %scan3A_683  : i32 {
        %add3A_830 = arith.constant 512 : i32
        %add3A_831 = arith.addi %mul3A_471, %add3A_830 : i32
        %mul3A_832 = arith.constant 16 : i32
        %mul3A_833 = arith.muli %scan3A_829, %mul3A_832 : i32
        %add3A_834 = arith.addi %add3A_831, %mul3A_833 : i32
        %get3A_835 = arith.index_cast %add3A_834 : i32 to index
        %get3A_836 = tpu.vector_load %arg15[%get3A_835] {strides = array<i32>} : memref<2048xi32, #tpu.memory_space<vmem>>, vector<16xi32>,
        %get3A_837 = vector.shape_cast %get3A_836 : vector<16xi32> to vector<16xi32>
        %add3A_838 = arith.addi %get3A_837, %add3A_383 : vector<16xi32>
        %ge3A_839 = arith.constant 0 : i32
        %ge3A_840 = vector.broadcast %ge3A_839 : i32 to vector<16xi32>
        %ge3A_841 = arith.cmpi sge, %add3A_838, %ge3A_840 : vector<16xi32>
        %lt3A_842 = arith.constant 53248 : i32
        %lt3A_843 = vector.broadcast %lt3A_842 : i32 to vector<16xi32>
        %lt3A_844 = arith.cmpi slt, %add3A_838, %lt3A_843 : vector<16xi32>
        %and3A_845 = arith.andi %ge3A_841, %lt3A_844 : vector<16xi1>
        %jit3A_846 = arith.constant 53248 : i32
        %broadcast_in_dim3A_847 = vector.broadcast %jit3A_846 : i32 to vector<16xi32>
        %select_n3A_848 = arith.select %and3A_845, %add3A_838, %broadcast_in_dim3A_847 : vector<16xi1>, vector<16xi32>
        %mul3A_849 = arith.constant 16 : i32
        %mul3A_850 = arith.muli %scan3A_829, %mul3A_849 : i32
        %swap3A = arith.constant 4 : i32
        %swap3A_851 = arith.index_cast %swap3A : i32 to index
        %swap3A_852 = arith.index_cast %mul3A_850 : i32 to index
        %swap3A_853 = tpu.vector_load %arg16[%swap3A_851, %swap3A_852] {strides = array<i32>} : memref<8x128xi32, #tpu.memory_space<vmem>>, vector<1x16xi32>,
        %swap3A_854 = vector.shape_cast %swap3A_853 : vector<1x16xi32> to vector<16xi32>
        %swap3A_855 = vector.shape_cast %select_n3A_848 : vector<16xi32> to vector<1x16xi32>
        tpu.vector_store %arg16[%swap3A_851, %swap3A_852], %swap3A_855 {strides = array<i32>} : memref<8x128xi32, #tpu.memory_space<vmem>>, vector<1x16xi32>,
      }
      %scan3A_684 = arith.constant 8 : i32
      %dma_wait3A_685 = arith.constant 0 : i32
      %dma_wait3A_686 = arith.constant 0 : i32
      %dma_wait3A_687 = tpu.memref_slice %arg13[%dma_wait3A_685, %dma_wait3A_686] : memref<256x32xf32, #tpu.memory_space<vmem>> -> memref<128x32xf32, #tpu.memory_space<vmem>>
      %dma_wait3A_688 = tpu.memref_slice %arg14[%add3A_629] : memref<2048xi32, #tpu.memory_space<vmem>> -> memref<128xi32, #tpu.memory_space<vmem>>
      %dma_wait3A_689 = arith.constant 0 : i32
      %dma_wait3A_690 = arith.constant 0 : i32
      %dma_wait3A_691 = tpu.memref_slice %arg4[%dma_wait3A_689, %dma_wait3A_690] : memref<2600000x32xf32, #tpu.memory_space<hbm>> -> memref<2600000x32xf32, #tpu.memory_space<hbm>>
      tpu.wait_indirect_dma semaphore(%arg22 : memref<!tpu.dma_semaphore, #tpu.memory_space<semaphore_mem>>) src(%dma_wait3A_691 : memref<2600000x32xf32, #tpu.memory_space<hbm>>) dst(%dma_wait3A_687 : memref<128x32xf32, #tpu.memory_space<vmem>>)
      %dma_start3A_692 = arith.constant 4 : i32
      %dma_start3A_693 = arith.constant 0 : i32
      %dma_start3A_694 = arith.constant 0 : i32
      %dma_start3A_695 = tpu.memref_slice %arg13[%dma_start3A_693, %dma_start3A_694] : memref<256x32xf32, #tpu.memory_space<vmem>> -> memref<128x32xf32, #tpu.memory_space<vmem>>
      %dma_start3A_696 = arith.constant 0 : i32
      %dma_start3A_697 = tpu.memref_slice %arg16[%dma_start3A_692, %dma_start3A_696] : memref<8x128xi32, #tpu.memory_space<vmem>> -> memref<1x128xi32, #tpu.memory_space<vmem>>
      %dma_start3A_698 = tpu.memref_squeeze %dma_start3A_697 : memref<1x128xi32, #tpu.memory_space<vmem>> -> memref<128xi32, #tpu.memory_space<vmem>>
      %dma_start3A_699 = arith.constant 0 : i32
      %dma_start3A_700 = arith.constant 0 : i32
      %dma_start3A_701 = tpu.memref_slice %arg10[%dma_start3A_699, %dma_start3A_700] : memref<53264x32xf32, #tpu.memory_space<vmem_shared>> -> memref<53264x32xf32, #tpu.memory_space<vmem_shared>>
      tpu.enqueue_indirect_dma source(%dma_start3A_695 : memref<128x32xf32, #tpu.memory_space<vmem>>) target(%dma_start3A_701 : memref<53264x32xf32, #tpu.memory_space<vmem_shared>>) offsets(%dma_start3A_698 : memref<128xi32, #tpu.memory_space<vmem>>) semaphore(%arg24 : memref<!tpu.dma_semaphore, #tpu.memory_space<semaphore_mem>>) {add = true}
      %dma_wait3A_702 = arith.constant 4 : i32
      %dma_wait3A_703 = arith.constant 0 : i32
      %dma_wait3A_704 = arith.constant 0 : i32
      %dma_wait3A_705 = tpu.memref_slice %arg13[%dma_wait3A_703, %dma_wait3A_704] : memref<256x32xf32, #tpu.memory_space<vmem>> -> memref<128x32xf32, #tpu.memory_space<vmem>>
      %dma_wait3A_706 = arith.constant 0 : i32
      %dma_wait3A_707 = tpu.memref_slice %arg16[%dma_wait3A_702, %dma_wait3A_706] : memref<8x128xi32, #tpu.memory_space<vmem>> -> memref<1x128xi32, #tpu.memory_space<vmem>>
      %dma_wait3A_708 = tpu.memref_squeeze %dma_wait3A_707 : memref<1x128xi32, #tpu.memory_space<vmem>> -> memref<128xi32, #tpu.memory_space<vmem>>
      %dma_wait3A_709 = arith.constant 0 : i32
      %dma_wait3A_710 = arith.constant 0 : i32
      %dma_wait3A_711 = tpu.memref_slice %arg10[%dma_wait3A_709, %dma_wait3A_710] : memref<53264x32xf32, #tpu.memory_space<vmem_shared>> -> memref<53264x32xf32, #tpu.memory_space<vmem_shared>>
      tpu.wait_indirect_dma semaphore(%arg24 : memref<!tpu.dma_semaphore, #tpu.memory_space<semaphore_mem>>) src(%dma_wait3A_705 : memref<128x32xf32, #tpu.memory_space<vmem>>) dst(%dma_wait3A_711 : memref<53264x32xf32, #tpu.memory_space<vmem_shared>>)
      %add3A_712 = arith.constant 768 : i32
      %add3A_713 = arith.addi %mul3A_471, %add3A_712 : i32
      %dma_start3A_714 = arith.constant 0 : i32
      %dma_start3A_715 = arith.constant 0 : i32
      %dma_start3A_716 = tpu.memref_slice %arg13[%dma_start3A_714, %dma_start3A_715] : memref<256x32xf32, #tpu.memory_space<vmem>> -> memref<128x32xf32, #tpu.memory_space<vmem>>
      %dma_start3A_717 = tpu.memref_slice %arg14[%add3A_713] : memref<2048xi32, #tpu.memory_space<vmem>> -> memref<128xi32, #tpu.memory_space<vmem>>
      %dma_start3A_718 = arith.constant 0 : i32
      %dma_start3A_719 = arith.constant 0 : i32
      %dma_start3A_720 = tpu.memref_slice %arg4[%dma_start3A_718, %dma_start3A_719] : memref<2600000x32xf32, #tpu.memory_space<hbm>> -> memref<2600000x32xf32, #tpu.memory_space<hbm>>
      tpu.enqueue_indirect_dma source(%dma_start3A_720 : memref<2600000x32xf32, #tpu.memory_space<hbm>>) target(%dma_start3A_716 : memref<128x32xf32, #tpu.memory_space<vmem>>) offsets(%dma_start3A_717 : memref<128xi32, #tpu.memory_space<vmem>>) semaphore(%arg22 : memref<!tpu.dma_semaphore, #tpu.memory_space<semaphore_mem>>)
      %scan3A_721 = arith.constant 0 : i32
      %scan3A_722 = arith.constant 0 : i32
      %scan3A_723 = arith.constant 8 : i32
      %scan3A_724 = arith.addi %scan3A_722, %scan3A_723 : i32
      %scan3A_725 = arith.constant 1 : i32
      scf.for %scan3A_829 = %scan3A_722 to %scan3A_724 step %scan3A_725  : i32 {
        %add3A_830 = arith.constant 640 : i32
        %add3A_831 = arith.addi %mul3A_471, %add3A_830 : i32
        %mul3A_832 = arith.constant 16 : i32
        %mul3A_833 = arith.muli %scan3A_829, %mul3A_832 : i32
        %add3A_834 = arith.addi %add3A_831, %mul3A_833 : i32
        %get3A_835 = arith.index_cast %add3A_834 : i32 to index
        %get3A_836 = tpu.vector_load %arg15[%get3A_835] {strides = array<i32>} : memref<2048xi32, #tpu.memory_space<vmem>>, vector<16xi32>,
        %get3A_837 = vector.shape_cast %get3A_836 : vector<16xi32> to vector<16xi32>
        %add3A_838 = arith.addi %get3A_837, %add3A_383 : vector<16xi32>
        %ge3A_839 = arith.constant 0 : i32
        %ge3A_840 = vector.broadcast %ge3A_839 : i32 to vector<16xi32>
        %ge3A_841 = arith.cmpi sge, %add3A_838, %ge3A_840 : vector<16xi32>
        %lt3A_842 = arith.constant 53248 : i32
        %lt3A_843 = vector.broadcast %lt3A_842 : i32 to vector<16xi32>
        %lt3A_844 = arith.cmpi slt, %add3A_838, %lt3A_843 : vector<16xi32>
        %and3A_845 = arith.andi %ge3A_841, %lt3A_844 : vector<16xi1>
        %jit3A_846 = arith.constant 53248 : i32
        %broadcast_in_dim3A_847 = vector.broadcast %jit3A_846 : i32 to vector<16xi32>
        %select_n3A_848 = arith.select %and3A_845, %add3A_838, %broadcast_in_dim3A_847 : vector<16xi1>, vector<16xi32>
        %mul3A_849 = arith.constant 16 : i32
        %mul3A_850 = arith.muli %scan3A_829, %mul3A_849 : i32
        %swap3A = arith.constant 5 : i32
        %swap3A_851 = arith.index_cast %swap3A : i32 to index
        %swap3A_852 = arith.index_cast %mul3A_850 : i32 to index
        %swap3A_853 = tpu.vector_load %arg16[%swap3A_851, %swap3A_852] {strides = array<i32>} : memref<8x128xi32, #tpu.memory_space<vmem>>, vector<1x16xi32>,
        %swap3A_854 = vector.shape_cast %swap3A_853 : vector<1x16xi32> to vector<16xi32>
        %swap3A_855 = vector.shape_cast %select_n3A_848 : vector<16xi32> to vector<1x16xi32>
        tpu.vector_store %arg16[%swap3A_851, %swap3A_852], %swap3A_855 {strides = array<i32>} : memref<8x128xi32, #tpu.memory_space<vmem>>, vector<1x16xi32>,
      }
      %scan3A_726 = arith.constant 8 : i32
      %dma_wait3A_727 = arith.constant 128 : i32
      %dma_wait3A_728 = arith.constant 0 : i32
      %dma_wait3A_729 = tpu.memref_slice %arg13[%dma_wait3A_727, %dma_wait3A_728] : memref<256x32xf32, #tpu.memory_space<vmem>> -> memref<128x32xf32, #tpu.memory_space<vmem>>
      %dma_wait3A_730 = tpu.memref_slice %arg14[%add3A_671] : memref<2048xi32, #tpu.memory_space<vmem>> -> memref<128xi32, #tpu.memory_space<vmem>>
      %dma_wait3A_731 = arith.constant 0 : i32
      %dma_wait3A_732 = arith.constant 0 : i32
      %dma_wait3A_733 = tpu.memref_slice %arg4[%dma_wait3A_731, %dma_wait3A_732] : memref<2600000x32xf32, #tpu.memory_space<hbm>> -> memref<2600000x32xf32, #tpu.memory_space<hbm>>
      tpu.wait_indirect_dma semaphore(%arg23 : memref<!tpu.dma_semaphore, #tpu.memory_space<semaphore_mem>>) src(%dma_wait3A_733 : memref<2600000x32xf32, #tpu.memory_space<hbm>>) dst(%dma_wait3A_729 : memref<128x32xf32, #tpu.memory_space<vmem>>)
      %dma_start3A_734 = arith.constant 5 : i32
      %dma_start3A_735 = arith.constant 128 : i32
      %dma_start3A_736 = arith.constant 0 : i32
      %dma_start3A_737 = tpu.memref_slice %arg13[%dma_start3A_735, %dma_start3A_736] : memref<256x32xf32, #tpu.memory_space<vmem>> -> memref<128x32xf32, #tpu.memory_space<vmem>>
      %dma_start3A_738 = arith.constant 0 : i32
      %dma_start3A_739 = tpu.memref_slice %arg16[%dma_start3A_734, %dma_start3A_738] : memref<8x128xi32, #tpu.memory_space<vmem>> -> memref<1x128xi32, #tpu.memory_space<vmem>>
      %dma_start3A_740 = tpu.memref_squeeze %dma_start3A_739 : memref<1x128xi32, #tpu.memory_space<vmem>> -> memref<128xi32, #tpu.memory_space<vmem>>
      %dma_start3A_741 = arith.constant 0 : i32
      %dma_start3A_742 = arith.constant 0 : i32
      %dma_start3A_743 = tpu.memref_slice %arg10[%dma_start3A_741, %dma_start3A_742] : memref<53264x32xf32, #tpu.memory_space<vmem_shared>> -> memref<53264x32xf32, #tpu.memory_space<vmem_shared>>
      tpu.enqueue_indirect_dma source(%dma_start3A_737 : memref<128x32xf32, #tpu.memory_space<vmem>>) target(%dma_start3A_743 : memref<53264x32xf32, #tpu.memory_space<vmem_shared>>) offsets(%dma_start3A_740 : memref<128xi32, #tpu.memory_space<vmem>>) semaphore(%arg25 : memref<!tpu.dma_semaphore, #tpu.memory_space<semaphore_mem>>) {add = true}
      %dma_wait3A_744 = arith.constant 5 : i32
      %dma_wait3A_745 = arith.constant 128 : i32
      %dma_wait3A_746 = arith.constant 0 : i32
      %dma_wait3A_747 = tpu.memref_slice %arg13[%dma_wait3A_745, %dma_wait3A_746] : memref<256x32xf32, #tpu.memory_space<vmem>> -> memref<128x32xf32, #tpu.memory_space<vmem>>
      %dma_wait3A_748 = arith.constant 0 : i32
      %dma_wait3A_749 = tpu.memref_slice %arg16[%dma_wait3A_744, %dma_wait3A_748] : memref<8x128xi32, #tpu.memory_space<vmem>> -> memref<1x128xi32, #tpu.memory_space<vmem>>
      %dma_wait3A_750 = tpu.memref_squeeze %dma_wait3A_749 : memref<1x128xi32, #tpu.memory_space<vmem>> -> memref<128xi32, #tpu.memory_space<vmem>>
      %dma_wait3A_751 = arith.constant 0 : i32
      %dma_wait3A_752 = arith.constant 0 : i32
      %dma_wait3A_753 = tpu.memref_slice %arg10[%dma_wait3A_751, %dma_wait3A_752] : memref<53264x32xf32, #tpu.memory_space<vmem_shared>> -> memref<53264x32xf32, #tpu.memory_space<vmem_shared>>
      tpu.wait_indirect_dma semaphore(%arg25 : memref<!tpu.dma_semaphore, #tpu.memory_space<semaphore_mem>>) src(%dma_wait3A_747 : memref<128x32xf32, #tpu.memory_space<vmem>>) dst(%dma_wait3A_753 : memref<53264x32xf32, #tpu.memory_space<vmem_shared>>)
      %add3A_754 = arith.constant 896 : i32
      %add3A_755 = arith.addi %mul3A_471, %add3A_754 : i32
      %dma_start3A_756 = arith.constant 128 : i32
      %dma_start3A_757 = arith.constant 0 : i32
      %dma_start3A_758 = tpu.memref_slice %arg13[%dma_start3A_756, %dma_start3A_757] : memref<256x32xf32, #tpu.memory_space<vmem>> -> memref<128x32xf32, #tpu.memory_space<vmem>>
      %dma_start3A_759 = tpu.memref_slice %arg14[%add3A_755] : memref<2048xi32, #tpu.memory_space<vmem>> -> memref<128xi32, #tpu.memory_space<vmem>>
      %dma_start3A_760 = arith.constant 0 : i32
      %dma_start3A_761 = arith.constant 0 : i32
      %dma_start3A_762 = tpu.memref_slice %arg4[%dma_start3A_760, %dma_start3A_761] : memref<2600000x32xf32, #tpu.memory_space<hbm>> -> memref<2600000x32xf32, #tpu.memory_space<hbm>>
      tpu.enqueue_indirect_dma source(%dma_start3A_762 : memref<2600000x32xf32, #tpu.memory_space<hbm>>) target(%dma_start3A_758 : memref<128x32xf32, #tpu.memory_space<vmem>>) offsets(%dma_start3A_759 : memref<128xi32, #tpu.memory_space<vmem>>) semaphore(%arg23 : memref<!tpu.dma_semaphore, #tpu.memory_space<semaphore_mem>>)
      %scan3A_763 = arith.constant 0 : i32
      %scan3A_764 = arith.constant 0 : i32
      %scan3A_765 = arith.constant 8 : i32
      %scan3A_766 = arith.addi %scan3A_764, %scan3A_765 : i32
      %scan3A_767 = arith.constant 1 : i32
      scf.for %scan3A_829 = %scan3A_764 to %scan3A_766 step %scan3A_767  : i32 {
        %add3A_830 = arith.constant 768 : i32
        %add3A_831 = arith.addi %mul3A_471, %add3A_830 : i32
        %mul3A_832 = arith.constant 16 : i32
        %mul3A_833 = arith.muli %scan3A_829, %mul3A_832 : i32
        %add3A_834 = arith.addi %add3A_831, %mul3A_833 : i32
        %get3A_835 = arith.index_cast %add3A_834 : i32 to index
        %get3A_836 = tpu.vector_load %arg15[%get3A_835] {strides = array<i32>} : memref<2048xi32, #tpu.memory_space<vmem>>, vector<16xi32>,
        %get3A_837 = vector.shape_cast %get3A_836 : vector<16xi32> to vector<16xi32>
        %add3A_838 = arith.addi %get3A_837, %add3A_383 : vector<16xi32>
        %ge3A_839 = arith.constant 0 : i32
        %ge3A_840 = vector.broadcast %ge3A_839 : i32 to vector<16xi32>
        %ge3A_841 = arith.cmpi sge, %add3A_838, %ge3A_840 : vector<16xi32>
        %lt3A_842 = arith.constant 53248 : i32
        %lt3A_843 = vector.broadcast %lt3A_842 : i32 to vector<16xi32>
        %lt3A_844 = arith.cmpi slt, %add3A_838, %lt3A_843 : vector<16xi32>
        %and3A_845 = arith.andi %ge3A_841, %lt3A_844 : vector<16xi1>
        %jit3A_846 = arith.constant 53248 : i32
        %broadcast_in_dim3A_847 = vector.broadcast %jit3A_846 : i32 to vector<16xi32>
        %select_n3A_848 = arith.select %and3A_845, %add3A_838, %broadcast_in_dim3A_847 : vector<16xi1>, vector<16xi32>
        %mul3A_849 = arith.constant 16 : i32
        %mul3A_850 = arith.muli %scan3A_829, %mul3A_849 : i32
        %swap3A = arith.constant 6 : i32
        %swap3A_851 = arith.index_cast %swap3A : i32 to index
        %swap3A_852 = arith.index_cast %mul3A_850 : i32 to index
        %swap3A_853 = tpu.vector_load %arg16[%swap3A_851, %swap3A_852] {strides = array<i32>} : memref<8x128xi32, #tpu.memory_space<vmem>>, vector<1x16xi32>,
        %swap3A_854 = vector.shape_cast %swap3A_853 : vector<1x16xi32> to vector<16xi32>
        %swap3A_855 = vector.shape_cast %select_n3A_848 : vector<16xi32> to vector<1x16xi32>
        tpu.vector_store %arg16[%swap3A_851, %swap3A_852], %swap3A_855 {strides = array<i32>} : memref<8x128xi32, #tpu.memory_space<vmem>>, vector<1x16xi32>,
      }
      %scan3A_768 = arith.constant 8 : i32
      %dma_wait3A_769 = arith.constant 0 : i32
      %dma_wait3A_770 = arith.constant 0 : i32
      %dma_wait3A_771 = tpu.memref_slice %arg13[%dma_wait3A_769, %dma_wait3A_770] : memref<256x32xf32, #tpu.memory_space<vmem>> -> memref<128x32xf32, #tpu.memory_space<vmem>>
      %dma_wait3A_772 = tpu.memref_slice %arg14[%add3A_713] : memref<2048xi32, #tpu.memory_space<vmem>> -> memref<128xi32, #tpu.memory_space<vmem>>
      %dma_wait3A_773 = arith.constant 0 : i32
      %dma_wait3A_774 = arith.constant 0 : i32
      %dma_wait3A_775 = tpu.memref_slice %arg4[%dma_wait3A_773, %dma_wait3A_774] : memref<2600000x32xf32, #tpu.memory_space<hbm>> -> memref<2600000x32xf32, #tpu.memory_space<hbm>>
      tpu.wait_indirect_dma semaphore(%arg22 : memref<!tpu.dma_semaphore, #tpu.memory_space<semaphore_mem>>) src(%dma_wait3A_775 : memref<2600000x32xf32, #tpu.memory_space<hbm>>) dst(%dma_wait3A_771 : memref<128x32xf32, #tpu.memory_space<vmem>>)
      %dma_start3A_776 = arith.constant 6 : i32
      %dma_start3A_777 = arith.constant 0 : i32
      %dma_start3A_778 = arith.constant 0 : i32
      %dma_start3A_779 = tpu.memref_slice %arg13[%dma_start3A_777, %dma_start3A_778] : memref<256x32xf32, #tpu.memory_space<vmem>> -> memref<128x32xf32, #tpu.memory_space<vmem>>
      %dma_start3A_780 = arith.constant 0 : i32
      %dma_start3A_781 = tpu.memref_slice %arg16[%dma_start3A_776, %dma_start3A_780] : memref<8x128xi32, #tpu.memory_space<vmem>> -> memref<1x128xi32, #tpu.memory_space<vmem>>
      %dma_start3A_782 = tpu.memref_squeeze %dma_start3A_781 : memref<1x128xi32, #tpu.memory_space<vmem>> -> memref<128xi32, #tpu.memory_space<vmem>>
      %dma_start3A_783 = arith.constant 0 : i32
      %dma_start3A_784 = arith.constant 0 : i32
      %dma_start3A_785 = tpu.memref_slice %arg10[%dma_start3A_783, %dma_start3A_784] : memref<53264x32xf32, #tpu.memory_space<vmem_shared>> -> memref<53264x32xf32, #tpu.memory_space<vmem_shared>>
      tpu.enqueue_indirect_dma source(%dma_start3A_779 : memref<128x32xf32, #tpu.memory_space<vmem>>) target(%dma_start3A_785 : memref<53264x32xf32, #tpu.memory_space<vmem_shared>>) offsets(%dma_start3A_782 : memref<128xi32, #tpu.memory_space<vmem>>) semaphore(%arg24 : memref<!tpu.dma_semaphore, #tpu.memory_space<semaphore_mem>>) {add = true}
      %scan3A_786 = arith.constant 0 : i32
      %scan3A_787 = arith.constant 0 : i32
      %scan3A_788 = arith.constant 8 : i32
      %scan3A_789 = arith.addi %scan3A_787, %scan3A_788 : i32
      %scan3A_790 = arith.constant 1 : i32
      scf.for %scan3A_829 = %scan3A_787 to %scan3A_789 step %scan3A_790  : i32 {
        %add3A_830 = arith.constant 896 : i32
        %add3A_831 = arith.addi %mul3A_471, %add3A_830 : i32
        %mul3A_832 = arith.constant 16 : i32
        %mul3A_833 = arith.muli %scan3A_829, %mul3A_832 : i32
        %add3A_834 = arith.addi %add3A_831, %mul3A_833 : i32
        %get3A_835 = arith.index_cast %add3A_834 : i32 to index
        %get3A_836 = tpu.vector_load %arg15[%get3A_835] {strides = array<i32>} : memref<2048xi32, #tpu.memory_space<vmem>>, vector<16xi32>,
        %get3A_837 = vector.shape_cast %get3A_836 : vector<16xi32> to vector<16xi32>
        %add3A_838 = arith.addi %get3A_837, %add3A_383 : vector<16xi32>
        %ge3A_839 = arith.constant 0 : i32
        %ge3A_840 = vector.broadcast %ge3A_839 : i32 to vector<16xi32>
        %ge3A_841 = arith.cmpi sge, %add3A_838, %ge3A_840 : vector<16xi32>
        %lt3A_842 = arith.constant 53248 : i32
        %lt3A_843 = vector.broadcast %lt3A_842 : i32 to vector<16xi32>
        %lt3A_844 = arith.cmpi slt, %add3A_838, %lt3A_843 : vector<16xi32>
        %and3A_845 = arith.andi %ge3A_841, %lt3A_844 : vector<16xi1>
        %jit3A_846 = arith.constant 53248 : i32
        %broadcast_in_dim3A_847 = vector.broadcast %jit3A_846 : i32 to vector<16xi32>
        %select_n3A_848 = arith.select %and3A_845, %add3A_838, %broadcast_in_dim3A_847 : vector<16xi1>, vector<16xi32>
        %mul3A_849 = arith.constant 16 : i32
        %mul3A_850 = arith.muli %scan3A_829, %mul3A_849 : i32
        %swap3A = arith.constant 7 : i32
        %swap3A_851 = arith.index_cast %swap3A : i32 to index
        %swap3A_852 = arith.index_cast %mul3A_850 : i32 to index
        %swap3A_853 = tpu.vector_load %arg16[%swap3A_851, %swap3A_852] {strides = array<i32>} : memref<8x128xi32, #tpu.memory_space<vmem>>, vector<1x16xi32>,
        %swap3A_854 = vector.shape_cast %swap3A_853 : vector<1x16xi32> to vector<16xi32>
        %swap3A_855 = vector.shape_cast %select_n3A_848 : vector<16xi32> to vector<1x16xi32>
        tpu.vector_store %arg16[%swap3A_851, %swap3A_852], %swap3A_855 {strides = array<i32>} : memref<8x128xi32, #tpu.memory_space<vmem>>, vector<1x16xi32>,
      }
      %scan3A_791 = arith.constant 8 : i32
      %dma_wait3A_792 = arith.constant 128 : i32
      %dma_wait3A_793 = arith.constant 0 : i32
      %dma_wait3A_794 = tpu.memref_slice %arg13[%dma_wait3A_792, %dma_wait3A_793] : memref<256x32xf32, #tpu.memory_space<vmem>> -> memref<128x32xf32, #tpu.memory_space<vmem>>
      %dma_wait3A_795 = tpu.memref_slice %arg14[%add3A_755] : memref<2048xi32, #tpu.memory_space<vmem>> -> memref<128xi32, #tpu.memory_space<vmem>>
      %dma_wait3A_796 = arith.constant 0 : i32
      %dma_wait3A_797 = arith.constant 0 : i32
      %dma_wait3A_798 = tpu.memref_slice %arg4[%dma_wait3A_796, %dma_wait3A_797] : memref<2600000x32xf32, #tpu.memory_space<hbm>> -> memref<2600000x32xf32, #tpu.memory_space<hbm>>
      tpu.wait_indirect_dma semaphore(%arg23 : memref<!tpu.dma_semaphore, #tpu.memory_space<semaphore_mem>>) src(%dma_wait3A_798 : memref<2600000x32xf32, #tpu.memory_space<hbm>>) dst(%dma_wait3A_794 : memref<128x32xf32, #tpu.memory_space<vmem>>)
      %dma_start3A_799 = arith.constant 7 : i32
      %dma_start3A_800 = arith.constant 128 : i32
      %dma_start3A_801 = arith.constant 0 : i32
      %dma_start3A_802 = tpu.memref_slice %arg13[%dma_start3A_800, %dma_start3A_801] : memref<256x32xf32, #tpu.memory_space<vmem>> -> memref<128x32xf32, #tpu.memory_space<vmem>>
      %dma_start3A_803 = arith.constant 0 : i32
      %dma_start3A_804 = tpu.memref_slice %arg16[%dma_start3A_799, %dma_start3A_803] : memref<8x128xi32, #tpu.memory_space<vmem>> -> memref<1x128xi32, #tpu.memory_space<vmem>>
      %dma_start3A_805 = tpu.memref_squeeze %dma_start3A_804 : memref<1x128xi32, #tpu.memory_space<vmem>> -> memref<128xi32, #tpu.memory_space<vmem>>
      %dma_start3A_806 = arith.constant 0 : i32
      %dma_start3A_807 = arith.constant 0 : i32
      %dma_start3A_808 = tpu.memref_slice %arg10[%dma_start3A_806, %dma_start3A_807] : memref<53264x32xf32, #tpu.memory_space<vmem_shared>> -> memref<53264x32xf32, #tpu.memory_space<vmem_shared>>
      tpu.enqueue_indirect_dma source(%dma_start3A_802 : memref<128x32xf32, #tpu.memory_space<vmem>>) target(%dma_start3A_808 : memref<53264x32xf32, #tpu.memory_space<vmem_shared>>) offsets(%dma_start3A_805 : memref<128xi32, #tpu.memory_space<vmem>>) semaphore(%arg25 : memref<!tpu.dma_semaphore, #tpu.memory_space<semaphore_mem>>) {add = true}
      %dma_wait3A_809 = arith.constant 6 : i32
      %dma_wait3A_810 = arith.constant 0 : i32
      %dma_wait3A_811 = arith.constant 0 : i32
      %dma_wait3A_812 = tpu.memref_slice %arg13[%dma_wait3A_810, %dma_wait3A_811] : memref<256x32xf32, #tpu.memory_space<vmem>> -> memref<128x32xf32, #tpu.memory_space<vmem>>
      %dma_wait3A_813 = arith.constant 0 : i32
      %dma_wait3A_814 = tpu.memref_slice %arg16[%dma_wait3A_809, %dma_wait3A_813] : memref<8x128xi32, #tpu.memory_space<vmem>> -> memref<1x128xi32, #tpu.memory_space<vmem>>
      %dma_wait3A_815 = tpu.memref_squeeze %dma_wait3A_814 : memref<1x128xi32, #tpu.memory_space<vmem>> -> memref<128xi32, #tpu.memory_space<vmem>>
      %dma_wait3A_816 = arith.constant 0 : i32
      %dma_wait3A_817 = arith.constant 0 : i32
      %dma_wait3A_818 = tpu.memref_slice %arg10[%dma_wait3A_816, %dma_wait3A_817] : memref<53264x32xf32, #tpu.memory_space<vmem_shared>> -> memref<53264x32xf32, #tpu.memory_space<vmem_shared>>
      tpu.wait_indirect_dma semaphore(%arg24 : memref<!tpu.dma_semaphore, #tpu.memory_space<semaphore_mem>>) src(%dma_wait3A_812 : memref<128x32xf32, #tpu.memory_space<vmem>>) dst(%dma_wait3A_818 : memref<53264x32xf32, #tpu.memory_space<vmem_shared>>)
      %dma_wait3A_819 = arith.constant 7 : i32
      %dma_wait3A_820 = arith.constant 128 : i32
      %dma_wait3A_821 = arith.constant 0 : i32
      %dma_wait3A_822 = tpu.memref_slice %arg13[%dma_wait3A_820, %dma_wait3A_821] : memref<256x32xf32, #tpu.memory_space<vmem>> -> memref<128x32xf32, #tpu.memory_space<vmem>>
      %dma_wait3A_823 = arith.constant 0 : i32
      %dma_wait3A_824 = tpu.memref_slice %arg16[%dma_wait3A_819, %dma_wait3A_823] : memref<8x128xi32, #tpu.memory_space<vmem>> -> memref<1x128xi32, #tpu.memory_space<vmem>>
      %dma_wait3A_825 = tpu.memref_squeeze %dma_wait3A_824 : memref<1x128xi32, #tpu.memory_space<vmem>> -> memref<128xi32, #tpu.memory_space<vmem>>
      %dma_wait3A_826 = arith.constant 0 : i32
      %dma_wait3A_827 = arith.constant 0 : i32
      %dma_wait3A_828 = tpu.memref_slice %arg10[%dma_wait3A_826, %dma_wait3A_827] : memref<53264x32xf32, #tpu.memory_space<vmem_shared>> -> memref<53264x32xf32, #tpu.memory_space<vmem_shared>>
      tpu.wait_indirect_dma semaphore(%arg25 : memref<!tpu.dma_semaphore, #tpu.memory_space<semaphore_mem>>) src(%dma_wait3A_822 : memref<128x32xf32, #tpu.memory_space<vmem>>) dst(%dma_wait3A_828 : memref<53264x32xf32, #tpu.memory_space<vmem_shared>>)
    }
    %scan3A_407 = arith.constant 13 : i32
    %barrier3A_408 = arith.constant 0 : index
    tpu.barrier barrier_id(%barrier3A_408)
    "tpu.trace_stop"() : () -> ()
    "tpu.trace_start"() <{level = 10 : i32, message = "ph_writeout"}> : () -> ()
    %mul3A_409 = arith.constant 3328 : i32
    %mul3A_410 = arith.muli %arg1, %mul3A_409 : i32
    %add3A_411 = arith.constant 0 : i32
    %add3A_412 = arith.addi %mul3A_410, %add3A_411 : i32
    %dma_start3A_413 = arith.constant 0 : i32
    %dma_start3A_414 = arith.constant 0 : i32
    %dma_start3A_415 = tpu.memref_slice %arg13[%dma_start3A_413, %dma_start3A_414] : memref<256x32xf32, #tpu.memory_space<vmem>> -> memref<128x32xf32, #tpu.memory_space<vmem>>
    %dma_start3A_416 = arith.constant 0 : i32
    %dma_start3A_417 = tpu.memref_slice %arg10[%add3A_412, %dma_start3A_416] : memref<53264x32xf32, #tpu.memory_space<vmem_shared>> -> memref<128x32xf32, #tpu.memory_space<vmem_shared>>
    %dma_start3A_418 = arith.constant 0 : i32
    %dma_start3A_419 = arith.constant 0 : i32
    %dma_start3A_420 = tpu.memref_slice %arg13[%dma_start3A_418, %dma_start3A_419] : memref<256x32xf32, #tpu.memory_space<vmem>> -> memref<128x32xf32, #tpu.memory_space<vmem>>
    %dma_start3A_421 = arith.constant 0 : i32
    %dma_start3A_422 = tpu.memref_slice %arg10[%add3A_412, %dma_start3A_421] : memref<53264x32xf32, #tpu.memory_space<vmem_shared>> -> memref<128x32xf32, #tpu.memory_space<vmem_shared>>
    tpu.enqueue_dma source(%dma_start3A_422 : memref<128x32xf32, #tpu.memory_space<vmem_shared>>) target(%dma_start3A_420 : memref<128x32xf32, #tpu.memory_space<vmem>>) target_semaphore(%arg22 : memref<!tpu.dma_semaphore, #tpu.memory_space<semaphore_mem>>)
    %mul3A_423 = arith.constant 3328 : i32
    %mul3A_424 = arith.muli %arg1, %mul3A_423 : i32
    %add3A_425 = arith.constant 128 : i32
    %add3A_426 = arith.addi %mul3A_424, %add3A_425 : i32
    %dma_start3A_427 = arith.constant 128 : i32
    %dma_start3A_428 = arith.constant 0 : i32
    %dma_start3A_429 = tpu.memref_slice %arg13[%dma_start3A_427, %dma_start3A_428] : memref<256x32xf32, #tpu.memory_space<vmem>> -> memref<128x32xf32, #tpu.memory_space<vmem>>
    %dma_start3A_430 = arith.constant 0 : i32
    %dma_start3A_431 = tpu.memref_slice %arg10[%add3A_426, %dma_start3A_430] : memref<53264x32xf32, #tpu.memory_space<vmem_shared>> -> memref<128x32xf32, #tpu.memory_space<vmem_shared>>
    %dma_start3A_432 = arith.constant 128 : i32
    %dma_start3A_433 = arith.constant 0 : i32
    %dma_start3A_434 = tpu.memref_slice %arg13[%dma_start3A_432, %dma_start3A_433] : memref<256x32xf32, #tpu.memory_space<vmem>> -> memref<128x32xf32, #tpu.memory_space<vmem>>
    %dma_start3A_435 = arith.constant 0 : i32
    %dma_start3A_436 = tpu.memref_slice %arg10[%add3A_426, %dma_start3A_435] : memref<53264x32xf32, #tpu.memory_space<vmem_shared>> -> memref<128x32xf32, #tpu.memory_space<vmem_shared>>
    tpu.enqueue_dma source(%dma_start3A_436 : memref<128x32xf32, #tpu.memory_space<vmem_shared>>) target(%dma_start3A_434 : memref<128x32xf32, #tpu.memory_space<vmem>>) target_semaphore(%arg23 : memref<!tpu.dma_semaphore, #tpu.memory_space<semaphore_mem>>)
    %scan3A_437 = arith.constant 0 : i32
    %scan3A_438 = arith.constant 0 : i32
    %scan3A_439 = arith.constant 13 : i32
    %scan3A_440 = arith.addi %scan3A_438, %scan3A_439 : i32
    %scan3A_441 = arith.constant 1 : i32
    scf.for %scan3A_467 = %scan3A_438 to %scan3A_440 step %scan3A_441  : i32 {
      %mul3A_468 = arith.constant 2 : i32
      %mul3A_469 = arith.muli %mul3A_468, %scan3A_467 : i32
      %add3A_470 = arith.constant 0 : i32
      %add3A_471 = arith.addi %mul3A_469, %add3A_470 : i32
      %scan3A_472 = arith.constant 0 : i32
      %scan3A_473 = arith.constant 0 : i32
      %scan3A_474 = arith.constant 8 : i32
      %scan3A_475 = arith.addi %scan3A_473, %scan3A_474 : i32
      %scan3A_476 = arith.constant 1 : i32
      scf.for %scan3A_542 = %scan3A_473 to %scan3A_475 step %scan3A_476  : i32 {
        %mul3A_543 = arith.constant 53248 : i32
        %mul3A_544 = arith.muli %arg0, %mul3A_543 : i32
        %mul3A_545 = arith.constant 3328 : i32
        %mul3A_546 = arith.muli %arg1, %mul3A_545 : i32
        %add3A_547 = arith.addi %mul3A_544, %mul3A_546 : i32
        %mul3A_548 = arith.constant 128 : i32
        %mul3A_549 = arith.muli %add3A_471, %mul3A_548 : i32
        %add3A_550 = arith.addi %add3A_547, %mul3A_549 : i32
        %mul3A_551 = arith.constant 16 : i32
        %mul3A_552 = arith.muli %scan3A_542, %mul3A_551 : i32
        %add3A_553 = arith.addi %add3A_550, %mul3A_552 : i32
        %add3A_554 = vector.broadcast %add3A_553 : i32 to vector<16xi32>
        %add3A_555 = arith.addi %add3A_554, %iota3A : vector<16xi32>
        %shift_right_arithmetic3A = arith.constant 12 : i32
        %shift_right_arithmetic3A_556 = vector.broadcast %shift_right_arithmetic3A : i32 to vector<16xi32>
        %shift_right_arithmetic3A_557 = arith.shrsi %add3A_555, %shift_right_arithmetic3A_556 : vector<16xi32>
        %and3A_558 = arith.constant 4095 : i32
        %and3A_559 = vector.broadcast %and3A_558 : i32 to vector<16xi32>
        %and3A_560 = arith.andi %add3A_555, %and3A_559 : vector<16xi32>
        %mul3A_561 = arith.constant 26 : i32
        %mul3A_562 = vector.broadcast %mul3A_561 : i32 to vector<16xi32>
        %mul3A_563 = arith.muli %and3A_560, %mul3A_562 : vector<16xi32>
        %add3A_564 = arith.addi %mul3A_563, %shift_right_arithmetic3A_557 : vector<16xi32>
        %mul3A_565 = arith.constant 16 : i32
        %mul3A_566 = arith.muli %scan3A_542, %mul3A_565 : i32
        %swap3A = arith.constant 0 : i32
        %swap3A_567 = arith.index_cast %swap3A : i32 to index
        %swap3A_568 = arith.index_cast %mul3A_566 : i32 to index
        %swap3A_569 = tpu.vector_load %arg16[%swap3A_567, %swap3A_568] {strides = array<i32>} : memref<8x128xi32, #tpu.memory_space<vmem>>, vector<1x16xi32>,
        %swap3A_570 = vector.shape_cast %swap3A_569 : vector<1x16xi32> to vector<16xi32>
        %swap3A_571 = vector.shape_cast %add3A_564 : vector<16xi32> to vector<1x16xi32>
        tpu.vector_store %arg16[%swap3A_567, %swap3A_568], %swap3A_571 {strides = array<i32>} : memref<8x128xi32, #tpu.memory_space<vmem>>, vector<1x16xi32>,
      }
      %scan3A_477 = arith.constant 8 : i32
      %dma_wait3A_478 = arith.constant 0 : i32
      %dma_wait3A_479 = arith.constant 0 : i32
      %dma_wait3A_480 = tpu.memref_slice %arg13[%dma_wait3A_478, %dma_wait3A_479] : memref<256x32xf32, #tpu.memory_space<vmem>> -> memref<128x32xf32, #tpu.memory_space<vmem>>
      %dma_wait3A_481 = arith.constant 0 : i32
      %dma_wait3A_482 = arith.constant 0 : i32
      %dma_wait3A_483 = tpu.memref_slice %arg10[%dma_wait3A_481, %dma_wait3A_482] : memref<53264x32xf32, #tpu.memory_space<vmem_shared>> -> memref<128x32xf32, #tpu.memory_space<vmem_shared>>
      %dma_wait3A_484 = arith.constant 0 : i32
      %dma_wait3A_485 = arith.constant 0 : i32
      %dma_wait3A_486 = tpu.memref_slice %arg13[%dma_wait3A_484, %dma_wait3A_485] : memref<256x32xf32, #tpu.memory_space<vmem>> -> memref<128x32xf32, #tpu.memory_space<vmem>>
      %dma_wait3A_487 = arith.constant 0 : i32
      %dma_wait3A_488 = arith.constant 0 : i32
      %dma_wait3A_489 = tpu.memref_slice %arg10[%dma_wait3A_487, %dma_wait3A_488] : memref<53264x32xf32, #tpu.memory_space<vmem_shared>> -> memref<128x32xf32, #tpu.memory_space<vmem_shared>>
      tpu.wait_dma2 semaphore(%arg22 : memref<!tpu.dma_semaphore, #tpu.memory_space<semaphore_mem>>) src(%dma_wait3A_489 : memref<128x32xf32, #tpu.memory_space<vmem_shared>>) dst(%dma_wait3A_486 : memref<128x32xf32, #tpu.memory_space<vmem>>)
      %dma_start3A_490 = arith.constant 0 : i32
      %dma_start3A_491 = arith.constant 0 : i32
      %dma_start3A_492 = arith.constant 0 : i32
      %dma_start3A_493 = tpu.memref_slice %arg13[%dma_start3A_491, %dma_start3A_492] : memref<256x32xf32, #tpu.memory_space<vmem>> -> memref<128x32xf32, #tpu.memory_space<vmem>>
      %dma_start3A_494 = arith.constant 0 : i32
      %dma_start3A_495 = tpu.memref_slice %arg16[%dma_start3A_490, %dma_start3A_494] : memref<8x128xi32, #tpu.memory_space<vmem>> -> memref<1x128xi32, #tpu.memory_space<vmem>>
      %dma_start3A_496 = tpu.memref_squeeze %dma_start3A_495 : memref<1x128xi32, #tpu.memory_space<vmem>> -> memref<128xi32, #tpu.memory_space<vmem>>
      %dma_start3A_497 = arith.constant 0 : i32
      %dma_start3A_498 = arith.constant 0 : i32
      %dma_start3A_499 = tpu.memref_slice %arg8[%dma_start3A_497, %dma_start3A_498] : memref<106496x32xf32, #tpu.memory_space<hbm>> -> memref<106496x32xf32, #tpu.memory_space<hbm>>
      tpu.enqueue_indirect_dma source(%dma_start3A_493 : memref<128x32xf32, #tpu.memory_space<vmem>>) target(%dma_start3A_499 : memref<106496x32xf32, #tpu.memory_space<hbm>>) offsets(%dma_start3A_496 : memref<128xi32, #tpu.memory_space<vmem>>) semaphore(%arg24 : memref<!tpu.dma_semaphore, #tpu.memory_space<semaphore_mem>>)
      %lt3A_500 = arith.constant 24 : i32
      %lt3A_501 = arith.cmpi slt, %add3A_471, %lt3A_500 : i32
      %convert_element_type3A_502 = arith.extui %lt3A_501 : i1 to i32
      %cond3A_503 = arith.constant 0 : i32
      %cond3A_504 = arith.cmpi ne, %convert_element_type3A_502, %cond3A_503 : i32
      scf.if %cond3A_504 {
        %dma_wait3A_542 = arith.constant 0 : i32
        %dma_wait3A_543 = arith.constant 0 : i32
        %dma_wait3A_544 = tpu.memref_slice %arg13[%dma_wait3A_542, %dma_wait3A_543] : memref<256x32xf32, #tpu.memory_space<vmem>> -> memref<128x32xf32, #tpu.memory_space<vmem>>
        %dma_wait3A_545 = arith.constant 0 : i32
        %dma_wait3A_546 = arith.constant 0 : i32
        %dma_wait3A_547 = tpu.memref_slice %arg8[%dma_wait3A_545, %dma_wait3A_546] : memref<106496x32xf32, #tpu.memory_space<hbm>> -> memref<128x32xf32, #tpu.memory_space<hbm>>
        %dma_wait3A_548 = arith.constant 0 : i32
        %dma_wait3A_549 = arith.constant 0 : i32
        %dma_wait3A_550 = tpu.memref_slice %arg8[%dma_wait3A_548, %dma_wait3A_549] : memref<106496x32xf32, #tpu.memory_space<hbm>> -> memref<128x32xf32, #tpu.memory_space<hbm>>
        %dma_wait3A_551 = arith.constant 0 : i32
        %dma_wait3A_552 = arith.constant 0 : i32
        %dma_wait3A_553 = tpu.memref_slice %arg13[%dma_wait3A_551, %dma_wait3A_552] : memref<256x32xf32, #tpu.memory_space<vmem>> -> memref<128x32xf32, #tpu.memory_space<vmem>>
        tpu.wait_dma2 semaphore(%arg24 : memref<!tpu.dma_semaphore, #tpu.memory_space<semaphore_mem>>) src(%dma_wait3A_553 : memref<128x32xf32, #tpu.memory_space<vmem>>) dst(%dma_wait3A_550 : memref<128x32xf32, #tpu.memory_space<hbm>>)
        %add3A_554 = arith.constant 2 : i32
        %add3A_555 = arith.addi %add3A_471, %add3A_554 : i32
        %mul3A_556 = arith.constant 3328 : i32
        %mul3A_557 = arith.muli %arg1, %mul3A_556 : i32
        %mul3A_558 = arith.constant 128 : i32
        %mul3A_559 = arith.muli %add3A_555, %mul3A_558 : i32
        %add3A_560 = arith.addi %mul3A_557, %mul3A_559 : i32
        %dma_start3A_561 = arith.constant 0 : i32
        %dma_start3A_562 = arith.constant 0 : i32
        %dma_start3A_563 = tpu.memref_slice %arg13[%dma_start3A_561, %dma_start3A_562] : memref<256x32xf32, #tpu.memory_space<vmem>> -> memref<128x32xf32, #tpu.memory_space<vmem>>
        %dma_start3A_564 = arith.constant 0 : i32
        %dma_start3A_565 = tpu.memref_slice %arg10[%add3A_560, %dma_start3A_564] : memref<53264x32xf32, #tpu.memory_space<vmem_shared>> -> memref<128x32xf32, #tpu.memory_space<vmem_shared>>
        %dma_start3A_566 = arith.constant 0 : i32
        %dma_start3A_567 = arith.constant 0 : i32
        %dma_start3A_568 = tpu.memref_slice %arg13[%dma_start3A_566, %dma_start3A_567] : memref<256x32xf32, #tpu.memory_space<vmem>> -> memref<128x32xf32, #tpu.memory_space<vmem>>
        %dma_start3A_569 = arith.constant 0 : i32
        %dma_start3A_570 = tpu.memref_slice %arg10[%add3A_560, %dma_start3A_569] : memref<53264x32xf32, #tpu.memory_space<vmem_shared>> -> memref<128x32xf32, #tpu.memory_space<vmem_shared>>
        tpu.enqueue_dma source(%dma_start3A_570 : memref<128x32xf32, #tpu.memory_space<vmem_shared>>) target(%dma_start3A_568 : memref<128x32xf32, #tpu.memory_space<vmem>>) target_semaphore(%arg22 : memref<!tpu.dma_semaphore, #tpu.memory_space<semaphore_mem>>)
      } else {
      }
      %mul3A_505 = arith.constant 2 : i32
      %mul3A_506 = arith.muli %mul3A_505, %scan3A_467 : i32
      %add3A_507 = arith.constant 1 : i32
      %add3A_508 = arith.addi %mul3A_506, %add3A_507 : i32
      %scan3A_509 = arith.constant 0 : i32
      %scan3A_510 = arith.constant 0 : i32
      %scan3A_511 = arith.constant 8 : i32
      %scan3A_512 = arith.addi %scan3A_510, %scan3A_511 : i32
      %scan3A_513 = arith.constant 1 : i32
      scf.for %scan3A_542 = %scan3A_510 to %scan3A_512 step %scan3A_513  : i32 {
        %mul3A_543 = arith.constant 53248 : i32
        %mul3A_544 = arith.muli %arg0, %mul3A_543 : i32
        %mul3A_545 = arith.constant 3328 : i32
        %mul3A_546 = arith.muli %arg1, %mul3A_545 : i32
        %add3A_547 = arith.addi %mul3A_544, %mul3A_546 : i32
        %mul3A_548 = arith.constant 128 : i32
        %mul3A_549 = arith.muli %add3A_508, %mul3A_548 : i32
        %add3A_550 = arith.addi %add3A_547, %mul3A_549 : i32
        %mul3A_551 = arith.constant 16 : i32
        %mul3A_552 = arith.muli %scan3A_542, %mul3A_551 : i32
        %add3A_553 = arith.addi %add3A_550, %mul3A_552 : i32
        %add3A_554 = vector.broadcast %add3A_553 : i32 to vector<16xi32>
        %add3A_555 = arith.addi %add3A_554, %iota3A : vector<16xi32>
        %shift_right_arithmetic3A = arith.constant 12 : i32
        %shift_right_arithmetic3A_556 = vector.broadcast %shift_right_arithmetic3A : i32 to vector<16xi32>
        %shift_right_arithmetic3A_557 = arith.shrsi %add3A_555, %shift_right_arithmetic3A_556 : vector<16xi32>
        %and3A_558 = arith.constant 4095 : i32
        %and3A_559 = vector.broadcast %and3A_558 : i32 to vector<16xi32>
        %and3A_560 = arith.andi %add3A_555, %and3A_559 : vector<16xi32>
        %mul3A_561 = arith.constant 26 : i32
        %mul3A_562 = vector.broadcast %mul3A_561 : i32 to vector<16xi32>
        %mul3A_563 = arith.muli %and3A_560, %mul3A_562 : vector<16xi32>
        %add3A_564 = arith.addi %mul3A_563, %shift_right_arithmetic3A_557 : vector<16xi32>
        %mul3A_565 = arith.constant 16 : i32
        %mul3A_566 = arith.muli %scan3A_542, %mul3A_565 : i32
        %swap3A = arith.constant 1 : i32
        %swap3A_567 = arith.index_cast %swap3A : i32 to index
        %swap3A_568 = arith.index_cast %mul3A_566 : i32 to index
        %swap3A_569 = tpu.vector_load %arg16[%swap3A_567, %swap3A_568] {strides = array<i32>} : memref<8x128xi32, #tpu.memory_space<vmem>>, vector<1x16xi32>,
        %swap3A_570 = vector.shape_cast %swap3A_569 : vector<1x16xi32> to vector<16xi32>
        %swap3A_571 = vector.shape_cast %add3A_564 : vector<16xi32> to vector<1x16xi32>
        tpu.vector_store %arg16[%swap3A_567, %swap3A_568], %swap3A_571 {strides = array<i32>} : memref<8x128xi32, #tpu.memory_space<vmem>>, vector<1x16xi32>,
      }
      %scan3A_514 = arith.constant 8 : i32
      %dma_wait3A_515 = arith.constant 128 : i32
      %dma_wait3A_516 = arith.constant 0 : i32
      %dma_wait3A_517 = tpu.memref_slice %arg13[%dma_wait3A_515, %dma_wait3A_516] : memref<256x32xf32, #tpu.memory_space<vmem>> -> memref<128x32xf32, #tpu.memory_space<vmem>>
      %dma_wait3A_518 = arith.constant 0 : i32
      %dma_wait3A_519 = arith.constant 0 : i32
      %dma_wait3A_520 = tpu.memref_slice %arg10[%dma_wait3A_518, %dma_wait3A_519] : memref<53264x32xf32, #tpu.memory_space<vmem_shared>> -> memref<128x32xf32, #tpu.memory_space<vmem_shared>>
      %dma_wait3A_521 = arith.constant 128 : i32
      %dma_wait3A_522 = arith.constant 0 : i32
      %dma_wait3A_523 = tpu.memref_slice %arg13[%dma_wait3A_521, %dma_wait3A_522] : memref<256x32xf32, #tpu.memory_space<vmem>> -> memref<128x32xf32, #tpu.memory_space<vmem>>
      %dma_wait3A_524 = arith.constant 0 : i32
      %dma_wait3A_525 = arith.constant 0 : i32
      %dma_wait3A_526 = tpu.memref_slice %arg10[%dma_wait3A_524, %dma_wait3A_525] : memref<53264x32xf32, #tpu.memory_space<vmem_shared>> -> memref<128x32xf32, #tpu.memory_space<vmem_shared>>
      tpu.wait_dma2 semaphore(%arg23 : memref<!tpu.dma_semaphore, #tpu.memory_space<semaphore_mem>>) src(%dma_wait3A_526 : memref<128x32xf32, #tpu.memory_space<vmem_shared>>) dst(%dma_wait3A_523 : memref<128x32xf32, #tpu.memory_space<vmem>>)
      %dma_start3A_527 = arith.constant 1 : i32
      %dma_start3A_528 = arith.constant 128 : i32
      %dma_start3A_529 = arith.constant 0 : i32
      %dma_start3A_530 = tpu.memref_slice %arg13[%dma_start3A_528, %dma_start3A_529] : memref<256x32xf32, #tpu.memory_space<vmem>> -> memref<128x32xf32, #tpu.memory_space<vmem>>
      %dma_start3A_531 = arith.constant 0 : i32
      %dma_start3A_532 = tpu.memref_slice %arg16[%dma_start3A_527, %dma_start3A_531] : memref<8x128xi32, #tpu.memory_space<vmem>> -> memref<1x128xi32, #tpu.memory_space<vmem>>
      %dma_start3A_533 = tpu.memref_squeeze %dma_start3A_532 : memref<1x128xi32, #tpu.memory_space<vmem>> -> memref<128xi32, #tpu.memory_space<vmem>>
      %dma_start3A_534 = arith.constant 0 : i32
      %dma_start3A_535 = arith.constant 0 : i32
      %dma_start3A_536 = tpu.memref_slice %arg8[%dma_start3A_534, %dma_start3A_535] : memref<106496x32xf32, #tpu.memory_space<hbm>> -> memref<106496x32xf32, #tpu.memory_space<hbm>>
      tpu.enqueue_indirect_dma source(%dma_start3A_530 : memref<128x32xf32, #tpu.memory_space<vmem>>) target(%dma_start3A_536 : memref<106496x32xf32, #tpu.memory_space<hbm>>) offsets(%dma_start3A_533 : memref<128xi32, #tpu.memory_space<vmem>>) semaphore(%arg25 : memref<!tpu.dma_semaphore, #tpu.memory_space<semaphore_mem>>)
      %lt3A_537 = arith.constant 24 : i32
      %lt3A_538 = arith.cmpi slt, %add3A_508, %lt3A_537 : i32
      %convert_element_type3A_539 = arith.extui %lt3A_538 : i1 to i32
      %cond3A_540 = arith.constant 0 : i32
      %cond3A_541 = arith.cmpi ne, %convert_element_type3A_539, %cond3A_540 : i32
      scf.if %cond3A_541 {
        %dma_wait3A_542 = arith.constant 128 : i32
        %dma_wait3A_543 = arith.constant 0 : i32
        %dma_wait3A_544 = tpu.memref_slice %arg13[%dma_wait3A_542, %dma_wait3A_543] : memref<256x32xf32, #tpu.memory_space<vmem>> -> memref<128x32xf32, #tpu.memory_space<vmem>>
        %dma_wait3A_545 = arith.constant 0 : i32
        %dma_wait3A_546 = arith.constant 0 : i32
        %dma_wait3A_547 = tpu.memref_slice %arg8[%dma_wait3A_545, %dma_wait3A_546] : memref<106496x32xf32, #tpu.memory_space<hbm>> -> memref<128x32xf32, #tpu.memory_space<hbm>>
        %dma_wait3A_548 = arith.constant 0 : i32
        %dma_wait3A_549 = arith.constant 0 : i32
        %dma_wait3A_550 = tpu.memref_slice %arg8[%dma_wait3A_548, %dma_wait3A_549] : memref<106496x32xf32, #tpu.memory_space<hbm>> -> memref<128x32xf32, #tpu.memory_space<hbm>>
        %dma_wait3A_551 = arith.constant 128 : i32
        %dma_wait3A_552 = arith.constant 0 : i32
        %dma_wait3A_553 = tpu.memref_slice %arg13[%dma_wait3A_551, %dma_wait3A_552] : memref<256x32xf32, #tpu.memory_space<vmem>> -> memref<128x32xf32, #tpu.memory_space<vmem>>
        tpu.wait_dma2 semaphore(%arg25 : memref<!tpu.dma_semaphore, #tpu.memory_space<semaphore_mem>>) src(%dma_wait3A_553 : memref<128x32xf32, #tpu.memory_space<vmem>>) dst(%dma_wait3A_550 : memref<128x32xf32, #tpu.memory_space<hbm>>)
        %add3A_554 = arith.constant 2 : i32
        %add3A_555 = arith.addi %add3A_508, %add3A_554 : i32
        %mul3A_556 = arith.constant 3328 : i32
        %mul3A_557 = arith.muli %arg1, %mul3A_556 : i32
        %mul3A_558 = arith.constant 128 : i32
        %mul3A_559 = arith.muli %add3A_555, %mul3A_558 : i32
        %add3A_560 = arith.addi %mul3A_557, %mul3A_559 : i32
        %dma_start3A_561 = arith.constant 128 : i32
        %dma_start3A_562 = arith.constant 0 : i32
        %dma_start3A_563 = tpu.memref_slice %arg13[%dma_start3A_561, %dma_start3A_562] : memref<256x32xf32, #tpu.memory_space<vmem>> -> memref<128x32xf32, #tpu.memory_space<vmem>>
        %dma_start3A_564 = arith.constant 0 : i32
        %dma_start3A_565 = tpu.memref_slice %arg10[%add3A_560, %dma_start3A_564] : memref<53264x32xf32, #tpu.memory_space<vmem_shared>> -> memref<128x32xf32, #tpu.memory_space<vmem_shared>>
        %dma_start3A_566 = arith.constant 128 : i32
        %dma_start3A_567 = arith.constant 0 : i32
        %dma_start3A_568 = tpu.memref_slice %arg13[%dma_start3A_566, %dma_start3A_567] : memref<256x32xf32, #tpu.memory_space<vmem>> -> memref<128x32xf32, #tpu.memory_space<vmem>>
        %dma_start3A_569 = arith.constant 0 : i32
        %dma_start3A_570 = tpu.memref_slice %arg10[%add3A_560, %dma_start3A_569] : memref<53264x32xf32, #tpu.memory_space<vmem_shared>> -> memref<128x32xf32, #tpu.memory_space<vmem_shared>>
        tpu.enqueue_dma source(%dma_start3A_570 : memref<128x32xf32, #tpu.memory_space<vmem_shared>>) target(%dma_start3A_568 : memref<128x32xf32, #tpu.memory_space<vmem>>) target_semaphore(%arg23 : memref<!tpu.dma_semaphore, #tpu.memory_space<semaphore_mem>>)
      } else {
      }
    }
    %scan3A_442 = arith.constant 13 : i32
    %dma_wait3A_443 = arith.constant 0 : i32
    %dma_wait3A_444 = arith.constant 0 : i32
    %dma_wait3A_445 = tpu.memref_slice %arg13[%dma_wait3A_443, %dma_wait3A_444] : memref<256x32xf32, #tpu.memory_space<vmem>> -> memref<128x32xf32, #tpu.memory_space<vmem>>
    %dma_wait3A_446 = arith.constant 0 : i32
    %dma_wait3A_447 = arith.constant 0 : i32
    %dma_wait3A_448 = tpu.memref_slice %arg8[%dma_wait3A_446, %dma_wait3A_447] : memref<106496x32xf32, #tpu.memory_space<hbm>> -> memref<128x32xf32, #tpu.memory_space<hbm>>
    %dma_wait3A_449 = arith.constant 0 : i32
    %dma_wait3A_450 = arith.constant 0 : i32
    %dma_wait3A_451 = tpu.memref_slice %arg8[%dma_wait3A_449, %dma_wait3A_450] : memref<106496x32xf32, #tpu.memory_space<hbm>> -> memref<128x32xf32, #tpu.memory_space<hbm>>
    %dma_wait3A_452 = arith.constant 0 : i32
    %dma_wait3A_453 = arith.constant 0 : i32
    %dma_wait3A_454 = tpu.memref_slice %arg13[%dma_wait3A_452, %dma_wait3A_453] : memref<256x32xf32, #tpu.memory_space<vmem>> -> memref<128x32xf32, #tpu.memory_space<vmem>>
    tpu.wait_dma2 semaphore(%arg24 : memref<!tpu.dma_semaphore, #tpu.memory_space<semaphore_mem>>) src(%dma_wait3A_454 : memref<128x32xf32, #tpu.memory_space<vmem>>) dst(%dma_wait3A_451 : memref<128x32xf32, #tpu.memory_space<hbm>>)
    %dma_wait3A_455 = arith.constant 128 : i32
    %dma_wait3A_456 = arith.constant 0 : i32
    %dma_wait3A_457 = tpu.memref_slice %arg13[%dma_wait3A_455, %dma_wait3A_456] : memref<256x32xf32, #tpu.memory_space<vmem>> -> memref<128x32xf32, #tpu.memory_space<vmem>>
    %dma_wait3A_458 = arith.constant 0 : i32
    %dma_wait3A_459 = arith.constant 0 : i32
    %dma_wait3A_460 = tpu.memref_slice %arg8[%dma_wait3A_458, %dma_wait3A_459] : memref<106496x32xf32, #tpu.memory_space<hbm>> -> memref<128x32xf32, #tpu.memory_space<hbm>>
    %dma_wait3A_461 = arith.constant 0 : i32
    %dma_wait3A_462 = arith.constant 0 : i32
    %dma_wait3A_463 = tpu.memref_slice %arg8[%dma_wait3A_461, %dma_wait3A_462] : memref<106496x32xf32, #tpu.memory_space<hbm>> -> memref<128x32xf32, #tpu.memory_space<hbm>>
    %dma_wait3A_464 = arith.constant 128 : i32
    %dma_wait3A_465 = arith.constant 0 : i32
    %dma_wait3A_466 = tpu.memref_slice %arg13[%dma_wait3A_464, %dma_wait3A_465] : memref<256x32xf32, #tpu.memory_space<vmem>> -> memref<128x32xf32, #tpu.memory_space<vmem>>
    tpu.wait_dma2 semaphore(%arg25 : memref<!tpu.dma_semaphore, #tpu.memory_space<semaphore_mem>>) src(%dma_wait3A_466 : memref<128x32xf32, #tpu.memory_space<vmem>>) dst(%dma_wait3A_463 : memref<128x32xf32, #tpu.memory_space<hbm>>)
    "tpu.trace_stop"() : () -> ()
    return
  }
}

</mosaic_0001>

<sc_bundles>
// kernel: kernel.3.cloned.1.call-start
scs
__scs_entry_jumppad:
0x0: {  	(pc) =	sbr.rel $0x88, $3  }
0x1: {  	(tag) =	ssettag $0x0;
	lr =	simm.s32 $0x1  }
0x2: {  	[smem:$0x3F9E] =	sst lr;
	_ =	strace $0xD0000000  }
0x3: {  	_ = 	snop  }
0x4: {  	_ = 	snop  }
0x5: {  	_ = 	snop  }
0x6: {  	_ = 	snop  }
0x7: {  	_ = 	snop  }
__scs_overlays_trampoline_lowered:
0x8: {  	[smem:$0x3FAD] =	sst s0  }
0x9: {  	[smem:$0x3FAE] =	sst s1  }
0xa: {  	[smem:$0x3FAF] =	sst s2  }
0xb: {  	[smem:$0x3FB0] =	sst s3  }
0xc: {  	[smem:$0x3FB1] =	sst s4  }
0xd: {  	[smem:$0x3FB2] =	sst s5  }
0xe: {  	[smem:$0x3FB3] =	sst s6  }
0xf: {  	[smem:$0x3FB4] =	sst s7  }
0x10: {  	[smem:$0x3FB5] =	sst s8  }
0x11: {  	[smem:$0x3FB6] =	sst s9;
	s0 =	simm.s32 @!p0 $0x0  }
0x12: {  	s1 =	sld [smem:$0x3F9C];
	s0 =	simm.s32 @p0 $0x1  }
0x13: {  	[smem:$0x3FB7] =	sst s0;
	s0 =	simm.s32 @!p1 $0x0  }
0x14: {  	s2 =	sld [smem:$0x3F9B];
	s0 =	simm.s32 @p1 $0x1  }
0x15: {  	[smem:$0x3FB8] =	sst s0;
	s0 =	simm.s32 @!p2 $0x0  }
0x16: {  	s3 =	sld [smem:$0x3FDB];
	s0 =	simm.s32 @p2 $0x1  }
0x17: {  	s4 =	simm.s32 $0x1BF5;
	[smem:$0x3FBA] =	sst s0  }
0x18: {  	s0 =	sld [smem:$0x3F9D];
	_ =	swait.ge [sflag:s4], $0x0  }
0x19: {  	s7 =	sld [smem:$0x3F9E]  }
0x1a: {  	s8 =	sadd.s32 $0xFFFFE003, lr  }
0x1b: {  	s9 =	sadd.s32 $0xFFFFFEF7, lr;
	s5 =	simm.s32 $0xFFFFFFFF;
	p2 =	slt.u32 s8, $0xFFFFF086  }
0x1c: {  	p1 =	slt.u32 s9, $0xF7A;
	s5 =	simm.s32 @!p2 $0x0  }
0x1d: {  	s5 =	simm.s32 @p1 $0x1;
	p0 =	seq.s32 s7, s2  }
0x1e: {  	s7 =	smul.u32 @!p0 $0xF7A, s2;
	p2 =	seq.s32 @!p0 s5, $0x0  }
0x1f: {  	s9 =	smul.u32 $0xF7A, s1;
	s8 =	simm.s32 @!p0 $0x1BF5;
	p2 =	por !p2, p0  }
0x20: {  	[sflag:s8] =	ssyncset.s32 @!p0 $0xFFFFF086;
	s6 =	sadd.s32 @!p0 s3, s7;
	s7 =	simm.s32 @!p0 $0x108  }
0x21: {  	s3 =	sadd.s32 s3, s9;
	s6 =	sadd.s32 @!p0 $0x88, s6;
	s7 =	simm.s32 @p2 $0x1082  }
0x22: {  	[simem:s7], [sflag:s8] =	dma.local @!p0 [hbm:s6], $0xF7A  }
0x23: {  	s9 =	sor.u32 $0xD0000000, s2;
	s6 =	simm.s32 $0x108;
	_ =	swait.ge @!p0 [sflag:s8], $0x0  }
0x24: {  	s3 =	sadd.s32 $0x88, s3;
	s6 =	simm.s32 @!p1 $0x1082;
	[sflag:s4] =	ssyncset.s32 $0xFFFFF086  }
0x25: {  	[simem:s6], [sflag:s4] =	dma.local [hbm:s3], $0xF7A  }
0x26: {  	[smem:$0x3F9E] =	sst s1;
	(tag) =	ssettag s2;
	_ =	strace s9  }
0x27: {  	s1 =	sld [smem:$0x3FAE]  }
0x28: {  	s2 =	sld [smem:$0x3FAF]  }
0x29: {  	s4 =	sld [smem:$0x3FB1]  }
0x2a: {  	p0 =	seq.s32 s5, $0x0;
	s5 =	sld [smem:$0x3FB2]  }
0x2b: {  	s6 =	sld [smem:$0x3FB3]  }
0x2c: {  	s7 =	sld [smem:$0x3FB4]  }
0x2d: {  	s3 =	simm.s32 $0x108;
	s8 =	sld [smem:$0x3FB5]  }
0x2e: {  	s3 =	simm.s32 @!p0 $0x1082;
	s9 =	sld [smem:$0x3FB6]  }
0x2f: {  	lr =	sadd.s32 s0, s3;
	s0 =	sld [smem:$0x3FAD]  }
0x30: {  	s3 =	sld [smem:$0x3FB0]  }
0x31: {  	[smem:$0x3FB9] =	sst s10  }
0x32: {  	s10 =	sld [smem:$0x3FB7];
	_ =	sdelay $0x3  }
0x33: {  	p0 =	seq.s32 s10, $0x1;
	s10 =	sld [smem:$0x3FB9];
	_ =	sdelay $0x3  }
0x34: {  	[smem:$0x3FB9] =	sst s10  }
0x35: {  	s10 =	sld [smem:$0x3FB8];
	_ =	sdelay $0x3  }
0x36: {  	p1 =	seq.s32 s10, $0x1;
	s10 =	sld [smem:$0x3FB9];
	_ =	sdelay $0x3  }
0x37: {  	[smem:$0x3FB9] =	sst s10  }
0x38: {  	s10 =	sld [smem:$0x3FBA]  }
0x39: {  	_ = 	snop;
	(pc) =	sbr.ind lr, $3  }
0x3a: {  	_ = 	snop  }
0x3b: {  	_ = 	snop  }
0x3c: {  	p2 =	seq.s32 s10, $0x1;
	s10 =	sld [smem:$0x3FB9]  }
0x3d: {  	_ =	shalt  }
0x3e: {  	_ =	shalt  }
0x3f: {  	_ =	shalt  }
0x40: {  	_ =	shalt  }
0x41: {  	_ =	shalt  }
0x42: {  	_ =	shalt  }
0x43: {  	_ =	shalt  }
0x44: {  	_ =	shalt  }
0x45: {  	_ =	shalt  }
0x46: {  	_ =	shalt  }
0x47: {  	_ =	shalt  }
0x48: {  	_ =	shalt  }
0x49: {  	_ =	shalt  }
0x4a: {  	_ =	shalt  }
0x4b: {  	_ =	shalt  }
0x4c: {  	_ =	shalt  }
0x4d: {  	_ =	shalt  }
0x4e: {  	_ =	shalt  }
0x4f: {  	_ =	shalt  }
0x50: {  	_ =	shalt  }
0x51: {  	_ =	shalt  }
0x52: {  	_ =	shalt  }
0x53: {  	_ =	shalt  }
0x54: {  	_ =	shalt  }
0x55: {  	_ =	shalt  }
0x56: {  	_ =	shalt  }
0x57: {  	_ =	shalt  }
0x58: {  	_ =	shalt  }
0x59: {  	_ =	shalt  }
0x5a: {  	_ =	shalt  }
0x5b: {  	_ =	shalt  }
0x5c: {  	_ =	shalt  }
0x5d: {  	_ =	shalt  }
0x5e: {  	_ =	shalt  }
0x5f: {  	_ =	shalt  }
0x60: {  	_ =	shalt  }
0x61: {  	_ =	shalt  }
0x62: {  	_ =	shalt  }
0x63: {  	_ =	shalt  }
0x64: {  	_ =	shalt  }
0x65: {  	_ =	shalt  }
0x66: {  	_ =	shalt  }
0x67: {  	_ =	shalt  }
0x68: {  	_ =	shalt  }
0x69: {  	_ =	shalt  }
0x6a: {  	_ =	shalt  }
0x6b: {  	_ =	shalt  }
0x6c: {  	_ =	shalt  }
0x6d: {  	_ =	shalt  }
0x6e: {  	_ =	shalt  }
0x6f: {  	_ =	shalt  }
0x70: {  	_ =	shalt  }
0x71: {  	_ =	shalt  }
0x72: {  	_ =	shalt  }
0x73: {  	_ =	shalt  }
0x74: {  	_ =	shalt  }
0x75: {  	_ =	shalt  }
0x76: {  	_ =	shalt  }
0x77: {  	_ =	shalt  }
0x78: {  	_ =	shalt  }
0x79: {  	_ =	shalt  }
0x7a: {  	_ =	shalt  }
0x7b: {  	_ =	shalt  }
0x7c: {  	_ =	shalt  }
0x7d: {  	_ =	shalt  }
0x7e: {  	_ =	shalt  }
0x7f: {  	_ =	shalt  }
0x80: {  	_ =	shalt  }
0x81: {  	_ =	shalt  }
0x82: {  	_ =	shalt  }
0x83: {  	_ =	shalt  }
0x84: {  	_ =	shalt  }
0x85: {  	_ =	shalt  }
0x86: {  	_ =	shalt  }
0x87: {  	_ =	shalt  }
.Lfunc_end0:
.L_simem_size_0:
called_computation_lowered:
.L_overlay_start_0:
0x88: {  	s2 =	sld [smem:$0x3FD9]  }
0x89: {  	s3 =	sld [smem:$0x3FFE];
	_ =	sdelay $0x1  }
0x8a: {  	s1 =	srdreg.scid  }
0x8b: {  	s0 =	sand.u32 $0x1, s1  }
0x8c: {  	s17 =	sshll.u32 s0, $0xA;
	s2 =	sadd.s32 s3, s2  }
0x8d: {  	s2 =	sadd.s32 s2, s17  }
0x8e: {  	[smem:$0x3FC5] =	sst s2  }
0x8f: {  	_ = 	snop  }
0x90: {  	s2 =	sld [smem:$0x3FC9]  }
0x91: {  	s18 =	sld [smem:$0x3FC8]  }
0x92: {  	s4 =	sld [smem:$0x3FD0];
	(tm) =	ssettm $0x1  }
0x93: {  	s5 =	sld [smem:$0x3FFB];
	_ =	sdelay $0x3  }
0x94: {  	_ =	strace s5  }
0x95: {  	s5 =	sld [smem:$0x3FFC];
	_ =	sdelay $0x3  }
0x96: {  	_ =	strace s5  }
0x97: {  	s5 =	sld [smem:$0x3FFD];
	_ =	sdelay $0x3  }
0x98: {  	_ =	strace s5  }
0x99: {  	_ =	strace $0x8FFFFFFF  }
0x9a: {  	s19 =	sld [smem:$0x3FDB];
	_ =	sdelay $0x1  }
0x9b: {  	s6 =	simm.s32 $_scs_section_size  }
0x9c: {  	s7 =	simm.s32 $_size__tile_overlayer_lowered;
	s8 =	simm.s32 $_tile_overlayer_lowered  }
0x9d: {  	s22 =	simm.s32 $0x1BFF;
	s21 =	sshll.u32 s8, $0x1;
	s5 =	sadd.s32 s6, s19  }
0x9e: {  	s9 =	simm.s32 $0x0;
	s20 =	sshll.u32 s7, $0x1;
	s7 =	sadd.s32 s21, s5  }
0x9f: {  	[timem:s9], [sflag:s22] =	dma.local [hbm:s7], s20  }
0xa0: {  	_ =	swait.ge [sflag:s22], s20  }
0xa1: {  	s6 =	ssub.s32 $0x0, s20;
	[sflag:s22] =	ssyncset.done $0x0  }
0xa2: {  	[sflag:s22] =	ssyncadd.s32 s6;
	_ =	sdelay $0x1  }
0xa3: {  	s23 =	simm.s32 $0x1B8B  }
0xa4: {  	_ =	swait.ge [sflag:s23], $0x1  }
0xa5: {  	[sflag:s23] =	ssyncset.done $0x0  }
0xa6: {  	s25 =	simm.s32 $0x1B8E;
	s24 =	sld [smem:$0x3FFE];
	[sflag:s23] =	ssyncadd.s32 $0xFFFFFFFF  }
0xa7: {  	s26 =	simm.s32 $execute0_lowered;
	[smem:$0x3FD2] =	sst s25  }
0xa8: {  	s7 =	sshll.u32 s26, $0x1;
	_ =	strace $0x80000046;
	[dreg:$0x1] =	wrdreg $0xFFFFFFFF  }
0xa9: {  	s28 =	simm.s32 $_size_execute0_lowered;
	s5 =	sadd.s32 s5, s7;
	[dreg:$0x0] =	wrdreg $0x0  }
0xaa: {  	s7 =	sshll.u32 s28, $0x1;
	[dreg:$0x2] =	wrdreg s5  }
0xab: {  	[dreg:$0x3] =	wrdreg s7  }
0xac: {  	[dreg:$0x4] =	wrdreg $0xC0  }
0xad: {  	_ =	task [dreg:s9], $0x5FFFF  }
0xae: {  	[dreg:$0x1] =	wrdreg $0xFFFFFFFF  }
0xaf: {  	[dreg:$0x0] =	wrdreg $0x60  }
0xb0: {  	[dreg:$0x2] =	wrdreg s2  }
0xb1: {  	[dreg:$0x3] =	wrdreg s18  }
0xb2: {  	[dreg:$0x4] =	wrdreg s24  }
0xb3: {  	[dreg:$0x5] =	wrdreg s4  }
0xb4: {  	[dreg:$0x6] =	wrdreg $0x0  }
0xb5: {  	[dreg:$0x7] =	wrdreg $0x1A0200  }
0xb6: {  	[dreg:$0x8] =	wrdreg $0x1BA280  }
0xb7: {  	[dreg:$0x9] =	wrdreg $0x9  }
0xb8: {  	_ =	task.clear_ibuf [dreg:s9], $0xAFFFF;
	_ =	strace $0x90000046  }
0xb9: {  	s29 =	simm.s32 $0x9;
	_ =	strace $0x8000004F  }
0xba: {  	_ =	swait.ge [sflag:s29], $0x1  }
0xbb: {  	[sflag:s29] =	ssyncadd.s32 $0xFFFFFFFF  }
0xbc: {  	_ =	strace $0x9000004F  }
0xbd: {  	_ =	sfence  }
0xbe: {  	s30 =	sld [smem:$0x0];
	_ =	sdelay $0x2  }
0xbf: {  	s31 =	sshll.u32 s1, $0xD;
	s1 =	sshrl.u32 s1, $0x2  }
0xc0: {  	s3 =	sand.u32 $0x4000, s31;
	s1 =	sadd.s32 s1, s30  }
0xc1: {  	s0 =	sor.u32 s3, s0;
	s1 =	sshll.u32 s1, $0x11  }
0xc2: {  	s0 =	sor.u32 s1, s0  }
0xc3: {  	s0 =	sadd.s32 $0x8F2B, s0  }
0xc4: {  	[sflag:s0] =	ssyncadd.remote.s32 $0x1  }
0xc5: {  	_ =	sfence.sel $0xFFFF  }
0xc6: {  	[dreg:$0x0] =	wrdreg $0xFFFFFFFF;
	(pc) =	sbr.abs _section_cstart, $3  }
0xc7: {  	[dreg:$0x1] =	wrdreg $0xFFFFFFFF  }
0xc8: {  	_ =	task.clear_ibuf [dreg:s9], $0x2FFFF;
	_ =	strace $0x9FFFFFFF  }
0xc9: {  	(tm) =	ssettm $0x7FFFFFFF  }
tec
execute0_lowered:
.L_overlay_start_1:
0x0: {  	(tag) =	ssettag $0x1  }
0x1: {  	s8 =	rddreg [dreg:$0x0]  }
0x2: {  	s0 =	rddreg [dreg:$0x1]  }
0x3: {  	s5 =	rddreg [dreg:$0x2]  }
0x4: {  	s2 =	rddreg [dreg:$0x3]  }
0x5: {  	s3 =	rddreg [dreg:$0x4]  }
0x6: {  	s4 =	rddreg [dreg:$0x5]  }
0x7: {  	s16 =	rddreg [dreg:$0x6]  }
0x8: {  	s24 =	simm.s32 $0x0;
	s1 =	srdreg.scid;
	s18 =	stileid.u32  }
0x9: {  	s17 =	simm.s32 $0x1EB38;
	s21 =	simm.s32 $0x1EBB8;
	s22 =	simm.s32 $0x1EC38  }
0xa: {  	s30 =	simm.s32 $0x6;
	s31 =	simm.s32 $0x1EA38;
	[smem:$0x7FF] =	sst s24  }
0xb: {  	s7 =	sadd.s32 $0x27ACC00, s5;
	s9 =	sand.u32 $0x1, s1;
	s23 =	sadd.s32 $0x800, s5  }
0xc: {  	s6 =	sadd.s32 $0x1800, s5;
	_ =	strace $0x80000047;
	[dreg:$0xe] =	wrdreg s23  }
0xd: {  	s25 =	sadd.s32 $0x1C00, s5;
	s26 =	smul.u32 $0x68000, s18;
	[dreg:$0xf] =	wrdreg s6  }
0xe: {  	s10 =	smul.u32 $0x1A00, s18;
	s12 =	sadd.s32 $0x1E00, s5;
	[dreg:$0x10] =	wrdreg s25  }
0xf: {  	s20 =	smul.u32 $0x3400, s18;
	p0 =	sne.s32 s18, $0x0;
	[dreg:$0x8] =	wrdreg s17  }
0x10: {  	v0 =	vimm.s32 $0xEDCBA987;
	v1 =	vimm.s32 $0x65432100;
	v3 =	vimm.s32 $0xDCBA9876;
	p1 =	sgt.u32 s18, $0x7;
	p2 =	slt.u32 s18, $0x8;
	[dreg:$0x9] =	wrdreg s21  }
0x11: {  	v4 =	vimm.s32 $0x54321000;
	v5 =	vimm.s32 $0xBA987654;
	s1 =	smul.u32 $0xD000, s9;
	[dreg:$0xa] =	wrdreg s22;
	s23 =	simm.s32 $0x1ECB8  }
0x12: {  	v7 =	vimm.s32 $0xE40000;
	v8 =	vimm.s32 $0x32100000;
	vm0 =	vmmov $0x3;
	s11 =	ssub.s32 $0x2, s9;
	s25 =	simm.s32 $0x1ED38;
	[dreg:$0xb] =	wrdreg s23  }
0x13: {  	vm1 =	vmmov $0xf;
	vm2 =	vcmask $0x3F30;
	v9 =	vimm.s32 $0x67452301;
	s9 =	smul.u32 $0x34000, s9;
	s22 =	sshll.u32 s18, $0x4;
	[dreg:$0xc] =	wrdreg s25  }
0x14: {  	v10 =	vimm.s32 $0xBA98FEDC;
	v11 =	vimm.s32 $0x32107654;
	v12 =	vimm.s32 $0x0;
	s14 =	sshrl.u32 s11, $0x1;
	s15 =	sadd.s32 s10, s4;
	[dreg:$0x13] =	wrdreg s20  }
0x15: {  	vm5 =	vmmov $0x7;
	v0 =	vunpack.c.l.s4.s8 v0;
	v6 =	vmov s18;
	s6 =	sshrl.u32 s26, $0x2;
	s26 =	simm.s32 $0x1EDB8;
	[dreg:$0x12] =	wrdreg s15  }
0x16: {  	v1 =	vunpack.c.l.s4.s8 v1;
	v3 =	vunpack.c.l.s4.s8 v3;
	v4 =	vunpack.c.l.s4.s8 v4;
	s21 =	sor.u32 $0x100, s10;
	s19 =	sadd.s32 s6, s3;
	[dreg:$0xd] =	wrdreg s26  }
0x17: {  	v5 =	vunpack.c.l.s4.s8 v5;
	v7 =	vunpack.c.l.s2.s4 v7;
	v8 =	vunpack.c.l.s4.s8 v8;
	s6 =	sshrl.u32 s10, $0x3;
	[dreg:$0x15] =	wrdreg s9;
	s10 =	sadd.s32 s22, s16  }
0x18: {  	v2 =	vunpack.c.0.s8.s32 v0;
	v1 =	vunpack.c.0.s8.s32 v1;
	v3 =	vunpack.c.0.s8.s32 v3;
	s13 =	sxor.u32 $0xFFFFFFFF, s1;
	s22 =	sadd.s32 $0x1A000, s4;
	[dreg:$0x19] =	wrdreg s10  }
0x19: {  	v4 =	vunpack.c.0.s8.s32 v4;
	v5 =	vunpack.c.0.s8.s32 v5;
	v7 =	vunpack.c.l.s4.s8 v7;
	s5 =	ssub.s32 s11, s14;
	s14 =	sshrl.u32 s20, $0x3;
	[smem:$0x7FA] =	sst s22  }
0x1a: {  	s17 =	sadd.s32 $0x10, s0;
	v0 =	vmov s13;
	v2 =	vand.u32 $0xF, v2;
	v3 =	vand.u32 $0xF, v3;
	s14 =	sadd.s32 s8, s14;
	[dreg:$0x11] =	wrdreg s19  }
0x1b: {  	s15 =	smul.u32 $0x680, s18;
	v5 =	vand.u32 $0xF, v5;
	v1 =	vcombine.low v1, v2;
	[dreg:$0x14] =	wrdreg s14;
	v2 =	vlaneseq.u32;
	s14 =	sadd.s32 s0, s6  }
0x1c: {  	s13 =	smul.u32 $0xD000, s18;
	v3 =	vcombine.low v4, v3;
	v4 =	vunpack.c.0.s8.s32 v8;
	s6 =	sadd.s32 s6, s17;
	v8 =	vimm.s32 $0xEFCDAB89;
	[dreg:$0x16] =	wrdreg s14  }
0x1d: {  	v7 =	vunpack.c.0.s8.s32 v7;
	s11 =	sadd.s32 $0x8000, s19;
	s8 =	sadd.s32 s15, s8;
	[dreg:$0x17] =	wrdreg s6;
	v8 =	vunpack.c.l.s4.s8 v8;
	vm3 =	vgt.u32 v6, v2  }
0x1e: {  	s15 =	sshrl.u32 s13, $0x2;
	s13 =	sadd.s32 s20, s9;
	s20 =	smul.u32 $0xD00, s18;
	v6 =	vimm.s32 $0x0;
	v4 =	vcombine.low v4, v5;
	v5 =	vimm.s32 $0x7060504  }
0x1f: {  	v63 =	vimm.s32 $0xFEDCBA98;
	s9 =	sadd.s32 $0x80, s8;
	s14 =	sadd.s32 $0x10000, s19;
	s8 =	simm.s32 $0x0;
	v6 =	vsel vm3, $0xFFFFFFFF, v6;
	v5 =	vunpack.c.0.s8.s32 v5  }
0x20: {  	v7 =	vand.u32 $0x3, v7;
	s6 =	sadd.s32 s15, s4;
	s23 =	sshrl.u32 s13, $0x3;
	[dreg:$0x1e] =	wrdreg s9;
	[tilespmem:$0x1FFE0] =	vst v6;
	v6 =	vunpack.c.0.s8.s32 v8;
	v8 =	vimm.s32 $0xDCFE98BA  }
0x21: {  	s15 =	sadd.s32 $0x18000, s19;
	s16 =	sshrl.u32 s14, $0x3;
	[dreg:$0x18] =	wrdreg s13;
	v5 =	vsel vm2, v5, v7;
	v7 =	vunpack.c.l.s4.s8 v9;
	v9 =	vimm.s32 $0x54761032  }
0x22: {  	vm6 =	vmmov $0x1f;
	s9 =	simm.s32 $0x80;
	s14 =	simm.s32 $0x1EE38;
	s6 =	sadd.s32 $0xFFFE6000, s6;
	v8 =	vunpack.c.l.s4.s8 v8;
	v9 =	vunpack.c.l.s4.s8 v9  }
0x23: {  	vm7 =	vmmov $0x3f;
	v10 =	vunpack.c.l.s4.s8 v10;
	v11 =	vunpack.c.l.s4.s8 v11;
	s25 =	sadd.s32 s12, s23;
	s26 =	sadd.s32 s20, s1;
	[smem:$0x7F8] =	sst s16  }
0x24: {  	vm8 =	vmmov $0x7f;
	s28 =	sadd.s32 $0x100, s20;
	s29 =	sadd.s32 $0x180, s20;
	[dreg:$0x1a] =	wrdreg s6;
	v8 =	vunpack.c.0.s8.s32 v8;
	v9 =	vunpack.c.0.s8.s32 v9  }
0x25: {  	vm9 =	vmmov $0x1ff;
	v10 =	vunpack.c.0.s8.s32 v10;
	v11 =	vunpack.c.0.s8.s32 v11;
	s1 =	sshrl.u32 s11, $0x3;
	s20 =	sshrl.u32 s15, $0x3;
	[dreg:$0x1b] =	wrdreg s25  }
0x26: {  	vm10 =	vmmov $0x3ff;
	vm11 =	vmmov $0x7ff;
	s23 =	sadd.s32 $0x1000, s19;
	s11 =	simm.s32 $0x4;
	[dreg:$0x1f] =	wrdreg s1;
	v8 =	vcombine.low v9, v8  }
0x27: {  	s16 =	simm.s32 $0x1CA38;
	s19 =	simm.s32 $0x3;
	[smem:$0x7F9] =	sst s20;
	v9 =	vcombine.low v11, v10;
	v10 =	vimm.s32 $0x76543210;
	v11 =	vunpack.c.l.s4.s8 v63  }
.Ltmp0:
0x28: {  	vm12 =	vmmov $0xfff;
	vm13 =	vmmov $0x1fff;
	s6 =	smax.u32 s5, $0x1;
	[smem:$0x7FB] =	sst s23;
	v10 =	vunpack.c.l.s4.s8 v10;
	(pc) =	sbr.rel .LBB2_1-.Ltmp0, $4  }
0x29: {  	vm14 =	vmmov $0x3fff;
	vm15 =	vmmov $0x7fff;
	s25 =	sadd.s32 $0x400, s13;
	[dreg:$0x1c] =	wrdreg s26;
	s26 =	sor.u32 $0x80, s26;
	v11 =	vunpack.c.0.s8.s32 v11  }
0x2a: {  	vm3 =	vmmov $0x1;
	s1 =	simm.s32 $0x1EAB8;
	s5 =	simm.s32 $0x1;
	[dreg:$0x1d] =	wrdreg s6;
	v7 =	vunpack.c.0.s8.s32 v7;
	v10 =	vunpack.c.0.s8.s32 v10  }
0x2b: {  	v12 =	vsel vm3, $0xFFFFFFFF, v12;
	s23 =	simm.s32 $0x2;
	s20 =	simm.s32 $0x5;
	vm2 =	vmmov $0xff;
	[smem:$0x7FC] =	sst s25;
	v11 =	vand.u32 $0xF, v11  }
0x2c: {  	[tilespmem:$0x1FFF0] =	vst v12;
	[smem:$0x7FD] =	sst s26;
	s25 =	simm.s32 $0x1F348;
	s26 =	simm.s32 $0x1BA38;
	v6 =	vcombine.low v7, v6;
	v7 =	vimm.s32 $0xF;
	v10 =	vcombine.low v11, v10  }
.LBB2_28:
0x2d: {  	_ =	swait.ge [sflag:s11], $0x1000  }
0x2e: {  	[sflag:s11] =	ssyncset.done $0x0  }
0x2f: {  	[sflag:s11] =	ssyncadd.s32 $0xFFFFF000  }
0x30: {  	_ =	swait.ge [sflag:s20], $0x1000  }
0x31: {  	s8 =	sld [smem:$0x7F5];
	_ =	sdelay $0x2  }
0x32: {  	s6 =	rddreg [dreg:$0x1d];
	s8 =	sadd.s32 $0x1, s8  }
0x33: {  	p3 =	sne.s32 s8, s6  }
.Ltmp1:
0x34: {  	_ = 	snop;
	(pc) =	sbr.rel @!p3 .LBB2_29-.Ltmp1, $4  }
0x35: {  	_ = 	snop  }
0x36: {  	[sflag:s20] =	ssyncset.done $0x0  }
0x37: {  	[sflag:s20] =	ssyncadd.s32 $0xFFFFF000  }
0x38: {  	_ =	strace $0x9000004E  }
.LBB2_1:
0x39: {  	[smem:$0x7F5] =	sst s8  }
0x3a: {  	_ =	strace $0x80000048  }
0x3b: {  	s10 =	stileid.u32;
	s6 =	rddreg [dreg:$0x10]  }
0x3c: {  	[tilespmem:s25], [sflag:$0x6] =	stream.linear.gather [hbm4b:s6+s24], $0x80, $0x200038;
	[tilespmem:$0x1F3C8] =	vst v63  }
0x3d: {  	s6 =	sshll.u32 s10, $0x6;
	_ =	swait.ge [sflag:s30], $0x80  }
0x3e: {  	s8 =	sor.u32 $0x1C06, s6;
	[sflag:s30] =	ssyncset.done $0x0;
	s13 =	rddreg [dreg:$0x11]  }
0x3f: {  	s10 =	rddreg [dreg:$0xe];
	[sflag:s30] =	ssyncadd.s32 $0xFFFFFF80;
	s6 =	sshrl.u32 s13, $0x3  }
0x40: {  	[spmem:s6], [sflag:s8] =	dma.local [hbm:s10], $0x1000  }
0x41: {  	_ =	swait.ge [sflag:s30], $0x1000  }
0x42: {  	[sflag:s30] =	ssyncset.done $0x0  }
0x43: {  	s15 =	rddreg [dreg:$0x1f];
	[sflag:s30] =	ssyncadd.s32 $0xFFFFF000  }
0x44: {  	[spmem:s15], [sflag:s8] =	dma.local [hbm:s10], $0x1000  }
0x45: {  	_ =	swait.ge [sflag:s30], $0x1000  }
0x46: {  	s18 =	sld [smem:$0x7F8]  }
0x47: {  	[sflag:s30] =	ssyncset.done $0x0  }
0x48: {  	[sflag:s30] =	ssyncadd.s32 $0xFFFFF000  }
0x49: {  	[spmem:s18], [sflag:s8] =	dma.local [hbm:s10], $0x1000  }
0x4a: {  	_ =	swait.ge [sflag:s30], $0x1000  }
0x4b: {  	s22 =	sld [smem:$0x7F9]  }
0x4c: {  	[sflag:s30] =	ssyncset.done $0x0  }
0x4d: {  	[sflag:s30] =	ssyncadd.s32 $0xFFFFF000  }
0x4e: {  	[spmem:s22], [sflag:s8] =	dma.local [hbm:s10], $0x400  }
0x4f: {  	_ =	swait.ge [sflag:s30], $0x400  }
0x50: {  	s13 =	rddreg [dreg:$0x12]  }
0x51: {  	[sflag:s30] =	ssyncset.done $0x0;
	s6 =	rddreg [dreg:$0xf];
	s15 =	sshrl.u32 s13, $0x3  }
0x52: {  	[sflag:s30] =	ssyncadd.s32 $0xFFFFFC00;
	[smem:$0x7F6] =	sst s15  }
0x53: {  	[spmem:s15], [sflag:s8] =	dma.local [hbm:s6], $0x340  }
0x54: {  	_ =	swait.ge [sflag:s30], $0x340  }
0x55: {  	s10 =	sld [smem:$0x7FA];
	_ =	sdelay $0x2  }
0x56: {  	[sflag:s30] =	ssyncset.done $0x0;
	s10 =	sshrl.u32 @!p0 s10, $0x3  }
0x57: {  	[sflag:s30] =	ssyncadd.s32 $0xFFFFFCC0;
	[smem:$0x7F7] =	sst s10  }
0x58: {  	[spmem:s10], [sflag:s8] =	dma.local @!p0 [hbm:s6], $0x2  }
0x59: {  	s6 =	simm.s32 @!p0 $0x6  }
0x5a: {  	_ =	swait.ge @!p0 [sflag:s6], $0x2  }
0x5b: {  	[sflag:s6] =	ssyncset.done @!p0 $0x0  }
0x5c: {  	[sflag:s6] =	ssyncadd.s32 @!p0 $0xFFFFFFFE  }
0x5d: {  	[bflag:$0x0] =	sbarrier.arrive $0xFFFF  }
0x5e: {  	_ =	strace $0x90000048  }
0x5f: {  	_ =	strace $0x80000049  }
0x60: {  	s18 =	rddreg [dreg:$0x16]  }
0x61: {  	[tilespmem:s31], [sflag:$0x1] =	stream.linear.gather [hbm4b:s18+s24], $0x80, $0x200038;
	[tilespmem:$0x1F3C8] =	vst v63  }
0x62: {  	s15 =	simm.s32 $0x0;
	s22 =	rddreg [dreg:$0x17]  }
0x63: {  	[tilespmem:s1], [sflag:$0x1] =	stream.linear.gather [hbm4b:s22+s24], $0x80, $0x200038;
	[tilespmem:$0x1F3C8] =	vst v63  }
.LBB2_2:
0x64: {  	p3 =	seq.s32 s15, $0x0  }
0x65: {  	s6 =	simm.s32 @!p3 $0x4  }
0x66: {  	_ =	swait.ge @!p3 [sflag:s6], $0x80  }
0x67: {  	[sflag:s6] =	ssyncset.done @!p3 $0x0  }
0x68: {  	[sflag:s6] =	ssyncadd.s32 @!p3 $0xFFFFFF80  }
0x69: {  	_ =	swait.ge @!p3 [sflag:s6], $0x80  }
0x6a: {  	[sflag:s6] =	ssyncset.done @!p3 $0x0  }
0x6b: {  	[sflag:s6] =	ssyncadd.s32 @!p3 $0xFFFFFF80;
	s6 =	sand.u32 $0x1, s15  }
0x6c: {  	p3 =	seq.s32 s15, $0x19;
	_ =	swait.ge [sflag:s5], $0x80;
	s10 =	sshll.u32 s6, $0xA  }
0x6d: {  	s13 =	sshll.u32 @!p3 s15, $0x8;
	s24 =	simm.s32 @!p3 $0x0;
	[sflag:s5] =	ssyncset.done $0x0  }
0x6e: {  	s6 =	sshll.u32 @!p3 s6, $0x8;
	s13 =	sadd.s32 @!p3 s13, s21;
	[sflag:s5] =	ssyncadd.s32 $0xFFFFFF80  }
0x6f: {  	s18 =	sxor.u32 @!p3 $0x400, s10;
	s6 =	sxor.u32 @!p3 $0x180, s6;
	_ =	swait.ge [sflag:s5], $0x80  }
0x70: {  	s18 =	sshrl.u32 @!p3 s18, $0x2;
	s13 =	sshrl.u32 @!p3 s13, $0x3;
	[sflag:s5] =	ssyncset.done $0x0  }
0x71: {  	s18 =	sadd.s32 @!p3 $0x1EA38, s18;
	s22 =	sadd.s32 @!p3 s0, s13;
	[sflag:s5] =	ssyncadd.s32 $0xFFFFFF80  }
0x72: {  	[tilespmem:s18], [sflag:$0x1] =	stream.linear.gather @!p3 [hbm4b:s22+s24], $0x80, $0x200038;
	[tilespmem:$0x1F3C8] =	vst v63  }
0x73: {  	s6 =	sor.u32 @!p3 $0x1EA38, s6;
	s13 =	sadd.s32 @!p3 s13, s17  }
0x74: {  	[tilespmem:s6], [sflag:$0x1] =	stream.linear.gather @!p3 [hbm4b:s13+s24], $0x80, $0x200038;
	[tilespmem:$0x1F3C8] =	vst v63  }
0x75: {  	s22 =	simm.s32 $0x0;
	s6 =	sshrl.u32 s10, $0x2  }
0x76: {  	s24 =	sand.u32 $0x80, s22;
	s10 =	sor.u32 $0x1EA38, s6  }
0x77: {  	s13 =	sand.u32 $0x70, s22;
	s18 =	sadd.s32 s24, s10  }
0x78: {  	s18 =	sadd.s32 s13, s18  }
0x79: {  	v11 =	vld [tilespmem:s18+$0x0];
	_ =	sdelay $0x4  }
0x7a: {  	s24 =	simm.s32 $0x10;
	vm4 =	vlt.s32 v11, $0x1A000  }
0x7b: {  	s22 =	simm.s32 $0x20;
	s13 =	sor.u32 $0x1EAB8, s6;
	s6 =	sand.u32 $0x80, s24;
	vm3 =	vlt.s32 v11, $0x0;
	v11 =	vnsel vm4, $0x1A000, v11  }
.LBB2_3:
0x7c: {  	p3 =	sne.s32 s22, $0xF0;
	s24 =	sand.u32 $0x70, s24;
	s6 =	sadd.s32 s6, s10;
	v11 =	vsel vm3, $0x1A000, v11  }
0x7d: {  	[tilespmem:s18+$0x0] =	vst v11;
	s18 =	sadd.s32 s24, s6;
	s24 =	smov.u32 s22  }
0x7e: {  	v11 =	vld [tilespmem:s18+$0x0];
	_ =	sdelay $0x1  }
.Ltmp2:
0x7f: {  	(pc) =	sbr.rel @p3 .LBB2_3-.Ltmp2, $3  }
0x80: {  	_ =	sdelay $0x1  }
0x81: {  	vm4 =	vlt.s32 v11, $0x1A000  }
0x82: {  	s22 =	sadd.s32 $0x10, s22;
	s6 =	sand.u32 $0x80, s24;
	vm3 =	vlt.s32 v11, $0x0;
	v11 =	vnsel vm4, $0x1A000, v11  }
0x83: {  	s22 =	sand.u32 $0x70, s24;
	s6 =	sadd.s32 s6, s10;
	v11 =	vsel vm3, $0x1A000, v11  }
0x84: {  	s6 =	sadd.s32 s22, s6;
	[tilespmem:s18+$0x0] =	vst v11  }
0x85: {  	v11 =	vld [tilespmem:s6+$0x0];
	_ =	sdelay $0x4  }
0x86: {  	s15 =	sadd.s32 $0x1, s15;
	vm3 =	vlt.s32 v11, $0x1A000  }
0x87: {  	p3 =	sne.s32 s15, $0x1A;
	vm4 =	vlt.s32 v11, $0x0;
	v11 =	vnsel vm3, $0x1A000, v11  }
.Ltmp3:
0x88: {  	v11 =	vsel vm4, $0x1A000, v11;
	(pc) =	sbr.rel @p3 .LBB2_2-.Ltmp3, $4  }
0x89: {  	[tilespmem:s6+$0x0] =	vst v11  }
0x8a: {  	[spmem:s4] =	stream.indirect.scatter.add.s32 [tilespmem:s25], [sflag:$0x4], $0x1, s10, s9, $0x2000b8;
	[tilespmem:$0x1F3C8] =	vst v63  }
0x8b: {  	_ = 	snop  }
0x8c: {  	[spmem:s4] =	stream.indirect.scatter.add.s32 [tilespmem:s25], [sflag:$0x4], $0x1, s13, s9, $0x2000b8;
	[tilespmem:$0x1F3C8] =	vst v63  }
0x8d: {  	_ =	swait.ge [sflag:s11], $0x80  }
0x8e: {  	[sflag:s11] =	ssyncset.done $0x0  }
0x8f: {  	[sflag:s11] =	ssyncadd.s32 $0xFFFFFF80  }
0x90: {  	_ =	swait.ge [sflag:s11], $0x80  }
0x91: {  	[sflag:s11] =	ssyncset.done $0x0  }
.Ltmp4:
0x92: {  	[sflag:s11] =	ssyncadd.s32 $0xFFFFFF80;
	(pc) =	sbr.rel @p1 .LBB2_10-.Ltmp4, $4  }
0x93: {  	[bflag:$0x0] =	sbarrier.arrive $0xFFFF  }
0x94: {  	_ =	strace $0x90000049  }
0x95: {  	_ =	strace $0x8000004A  }
0x96: {  	s15 =	simm.s32 $0x0;
	v11 =	vimm.s32 $0x0;
	s22 =	simm.s32 $0x0;
	s24 =	rddreg [dreg:$0x13]  }
.LBB2_6:
0x97: {  	s6 =	sshll.u32 s15, $0xA  }
0x98: {  	s10 =	sadd.s32 s24, s6  }
0x99: {  	s6 =	sadd.s32 s10, s4  }
0x9a: {  	[tilespmem:s14], [sflag:$0x6] =	stream.linear.gather [spmem:s6], $0x400, $0x200038;
	[tilespmem:$0x1F3C8] =	vst v63  }
0x9b: {  	_ =	swait.ge [sflag:s30], $0x400  }
0x9c: {  	[sflag:s30] =	ssyncset.done $0x0  }
0x9d: {  	s13 =	simm.s32 $0x0;
	s18 =	simm.s32 $0x40;
	[sflag:s30] =	ssyncadd.s32 $0xFFFFFC00  }
.LBB2_7:
0x9e: {  	p3 =	sne.s32 s18, $0xFC0;
	v12 =	vld [tilespmem:s13+$0x1EE38];
	_ =	sdelay $0x4  }
0x9f: {  	v13 =	vperm.xlane v12, v1  }
0xa0: {  	vm3 =	veq.s32 v2, $0x0  }
0xa1: {  	v13 =	vsel vm3, $0x0, v13  }
0xa2: {  	v12 =	vadd.s32 v12, v13  }
0xa3: {  	v13 =	vperm.xlane v12, v3;
	_ =	sdelay $0x1  }
0xa4: {  	v13 =	vsel vm0, $0x0, v13  }
0xa5: {  	v12 =	vadd.s32 v13, v12  }
0xa6: {  	v13 =	vperm.xlane v12, v4;
	_ =	sdelay $0x1  }
0xa7: {  	v13 =	vsel vm1, $0x0, v13  }
0xa8: {  	v12 =	vadd.s32 v13, v12  }
0xa9: {  	v13 =	vperm.xlane v12, v5  }
.Ltmp5:
0xaa: {  	(pc) =	sbr.rel @p3 .LBB2_7-.Ltmp5, $4  }
0xab: {  	v13 =	vsel vm2, $0x0, v13  }
0xac: {  	v11 =	vadd.s32 v11, v13  }
0xad: {  	v11 =	vadd.s32 v12, v11  }
0xae: {  	[tilespmem:s13+$0x1EE38] =	vst v11;
	s13 =	sshra.s32 s18, $0x2;
	s18 =	sadd.s32 $0x40, s18;
	v11 =	vperm.xlane v11, v7  }
0xaf: {  	v12 =	vld [tilespmem:s13+$0x1EE38];
	_ =	sdelay $0x4  }
0xb0: {  	v13 =	vperm.xlane v12, v1;
	_ =	sdelay $0x1  }
0xb1: {  	v13 =	vsel vm3, $0x0, v13  }
0xb2: {  	v12 =	vadd.s32 v12, v13  }
0xb3: {  	v13 =	vperm.xlane v12, v3;
	_ =	sdelay $0x1  }
0xb4: {  	v13 =	vsel vm0, $0x0, v13  }
0xb5: {  	v12 =	vadd.s32 v13, v12  }
0xb6: {  	v13 =	vperm.xlane v12, v4;
	_ =	sdelay $0x1  }
0xb7: {  	v13 =	vsel vm1, $0x0, v13  }
0xb8: {  	v12 =	vadd.s32 v13, v12  }
0xb9: {  	v13 =	vperm.xlane v12, v5;
	_ =	sdelay $0x1  }
0xba: {  	s6 =	rddreg [dreg:$0x15];
	v13 =	vsel vm2, $0x0, v13  }
0xbb: {  	s15 =	sadd.s32 $0x1, s15;
	s6 =	sadd.s32 s6, s10;
	v11 =	vadd.s32 v11, v13  }
0xbc: {  	p3 =	sne.s32 s15, $0xD;
	s6 =	sshrl.u32 s6, $0x3;
	v11 =	vadd.s32 v12, v11  }
.Ltmp6:
0xbd: {  	s6 =	sadd.s32 s12, s6;
	[tilespmem:s13+$0x1EE38] =	vst v11;
	(pc) =	sbr.rel @p3 .LBB2_6-.Ltmp6, $4  }
0xbe: {  	[hbm4b:s6+s22] =	stream.linear.scatter [tilespmem:s14], [sflag:$0x6], $0x400, $0x200038;
	[tilespmem:$0x1F3C8] =	vst v63  }
0xbf: {  	_ =	swait.ge [sflag:s30], $0x400  }
0xc0: {  	[sflag:s30] =	ssyncset.done $0x0  }
0xc1: {  	v11 =	vperm.xlane v11, v7;
	[sflag:s30] =	ssyncadd.s32 $0xFFFFFC00  }
0xc2: {  	_ = 	snop  }
0xc3: {  	s6 =	rddreg [dreg:$0x19];
	s10 =	simm.s32 $0x1F338;
	[tilespmem:$0x1F338] =	vst v11  }
0xc4: {  	[spmem:s6] =	stream.linear.scatter [tilespmem:s10], [sflag:$0x6], $0x10, $0x200038;
	[tilespmem:$0x1F3C8] =	vst v63  }
0xc5: {  	_ =	swait.ge [sflag:s30], $0x10  }
0xc6: {  	[sflag:s30] =	ssyncset.done $0x0  }
0xc7: {  	[sflag:s30] =	ssyncadd.s32 $0xFFFFFFF0  }
.LBB2_10:
0xc8: {  	[bflag:$0x0] =	sbarrier.arrive $0xFFFF  }
0xc9: {  	_ =	strace $0x9000004A  }
0xca: {  	s10 =	sld [smem:$0x7F6];
	_ =	sdelay $0x1  }
0xcb: {  	s6 =	rddreg [dreg:$0xf]  }
0xcc: {  	[spmem:s10], [sflag:s8] =	dma.local [hbm:s6], $0x340  }
0xcd: {  	_ =	swait.ge [sflag:s30], $0x340  }
0xce: {  	s10 =	sld [smem:$0x7F7]  }
0xcf: {  	[sflag:s30] =	ssyncset.done $0x0  }
0xd0: {  	[sflag:s30] =	ssyncadd.s32 $0xFFFFFCC0  }
0xd1: {  	[spmem:s10], [sflag:s8] =	dma.local @!p0 [hbm:s6], $0x2  }
0xd2: {  	s6 =	simm.s32 @!p0 $0x6  }
0xd3: {  	_ =	swait.ge @!p0 [sflag:s6], $0x2  }
0xd4: {  	[sflag:s6] =	ssyncset.done @!p0 $0x0  }
0xd5: {  	[sflag:s6] =	ssyncadd.s32 @!p0 $0xFFFFFFFE  }
0xd6: {  	[bflag:$0x0] =	sbarrier.arrive $0xFFFF  }
0xd7: {  	_ =	strace $0x8000004B  }
0xd8: {  	s8 =	simm.s32 $0x0;
	s22 =	rddreg [dreg:$0x16]  }
0xd9: {  	[tilespmem:s31], [sflag:$0x1] =	stream.linear.gather [hbm4b:s22+s8], $0x80, $0x200038;
	[tilespmem:$0x1F3C8] =	vst v63  }
0xda: {  	s10 =	simm.s32 $0x0;
	s24 =	rddreg [dreg:$0x17]  }
0xdb: {  	[tilespmem:s1], [sflag:$0x1] =	stream.linear.gather [hbm4b:s24+s8], $0x80, $0x200038;
	[tilespmem:$0x1F3C8] =	vst v63  }
.LBB2_11:
0xdc: {  	p3 =	seq.s32 s10, $0x0  }
0xdd: {  	s6 =	simm.s32 @!p3 $0x4  }
0xde: {  	_ =	swait.ge @!p3 [sflag:s6], $0x80  }
0xdf: {  	[sflag:s6] =	ssyncset.done @!p3 $0x0  }
0xe0: {  	[sflag:s6] =	ssyncadd.s32 @!p3 $0xFFFFFF80  }
0xe1: {  	_ =	swait.ge @!p3 [sflag:s6], $0x80  }
0xe2: {  	[sflag:s6] =	ssyncset.done @!p3 $0x0  }
0xe3: {  	[sflag:s6] =	ssyncadd.s32 @!p3 $0xFFFFFF80;
	s6 =	sand.u32 $0x1, s10  }
0xe4: {  	p3 =	seq.s32 s10, $0x19;
	_ =	swait.ge [sflag:s5], $0x80;
	s13 =	sshll.u32 s6, $0xA  }
0xe5: {  	s15 =	sshll.u32 @!p3 s10, $0x8;
	s24 =	simm.s32 @!p3 $0x0;
	[sflag:s5] =	ssyncset.done $0x0  }
0xe6: {  	s6 =	sshll.u32 @!p3 s6, $0x8;
	s15 =	sadd.s32 @!p3 s15, s21;
	[sflag:s5] =	ssyncadd.s32 $0xFFFFFF80  }
0xe7: {  	s18 =	sxor.u32 @!p3 $0x400, s13;
	s6 =	sxor.u32 @!p3 $0x180, s6;
	_ =	swait.ge [sflag:s5], $0x80  }
0xe8: {  	s18 =	sshrl.u32 @!p3 s18, $0x2;
	s15 =	sshrl.u32 @!p3 s15, $0x3;
	[sflag:s5] =	ssyncset.done $0x0  }
0xe9: {  	s18 =	sadd.s32 @!p3 $0x1EA38, s18;
	s22 =	sadd.s32 @!p3 s0, s15;
	[sflag:s5] =	ssyncadd.s32 $0xFFFFFF80  }
0xea: {  	[tilespmem:s18], [sflag:$0x1] =	stream.linear.gather @!p3 [hbm4b:s22+s24], $0x80, $0x200038;
	[tilespmem:$0x1F3C8] =	vst v63  }
0xeb: {  	s6 =	sor.u32 @!p3 $0x1EA38, s6;
	s22 =	sshrl.u32 s13, $0x2;
	s13 =	sadd.s32 @!p3 s15, s17  }
0xec: {  	[tilespmem:s6], [sflag:$0x1] =	stream.linear.gather @!p3 [hbm4b:s13+s24], $0x80, $0x200038;
	[tilespmem:$0x1F3C8] =	vst v63  }
0xed: {  	s18 =	sand.u32 $0x80, s8;
	s13 =	sor.u32 $0x1EA38, s22  }
0xee: {  	s24 =	sand.u32 $0x70, s8;
	s6 =	sadd.s32 s18, s13  }
0xef: {  	s18 =	sadd.s32 s24, s6  }
0xf0: {  	v11 =	vld [tilespmem:s18+$0x0];
	_ =	sdelay $0x4  }
0xf1: {  	v11 =	vadd.s32 $0xFFFE6000, v11  }
0xf2: {  	s24 =	simm.s32 $0x10;
	vm4 =	vlt.s32 v11, $0x1A000  }
0xf3: {  	s15 =	sor.u32 $0x1EAB8, s22;
	s22 =	simm.s32 $0x20;
	s6 =	sand.u32 $0x80, s24;
	vm3 =	vlt.s32 v11, $0x0;
	v11 =	vnsel vm4, $0x1A000, v11  }
.LBB2_12:
0xf4: {  	p3 =	sne.s32 s22, $0xF0;
	s24 =	sand.u32 $0x70, s24;
	s6 =	sadd.s32 s6, s13;
	v11 =	vsel vm3, $0x1A000, v11  }
0xf5: {  	[tilespmem:s18+$0x0] =	vst v11;
	s18 =	sadd.s32 s24, s6;
	s24 =	smov.u32 s22  }
0xf6: {  	v11 =	vld [tilespmem:s18+$0x0];
	_ =	sdelay $0x2  }
.Ltmp7:
0xf7: {  	(pc) =	sbr.rel @p3 .LBB2_12-.Ltmp7, $4  }
0xf8: {  	_ = 	snop  }
0xf9: {  	v11 =	vadd.s32 $0xFFFE6000, v11  }
0xfa: {  	vm4 =	vlt.s32 v11, $0x1A000  }
0xfb: {  	s22 =	sadd.s32 $0x10, s22;
	s6 =	sand.u32 $0x80, s24;
	vm3 =	vlt.s32 v11, $0x0;
	v11 =	vnsel vm4, $0x1A000, v11  }
0xfc: {  	s22 =	sand.u32 $0x70, s24;
	s6 =	sadd.s32 s6, s13;
	v11 =	vsel vm3, $0x1A000, v11  }
0xfd: {  	s6 =	sadd.s32 s22, s6;
	[tilespmem:s18+$0x0] =	vst v11  }
0xfe: {  	v11 =	vld [tilespmem:s6+$0x0];
	_ =	sdelay $0x4  }
0xff: {  	v11 =	vadd.s32 $0xFFFE6000, v11  }
0x100: {  	s10 =	sadd.s32 $0x1, s10;
	vm3 =	vlt.s32 v11, $0x1A000  }
0x101: {  	p3 =	sne.s32 s10, $0x1A;
	vm4 =	vlt.s32 v11, $0x0;
	v11 =	vnsel vm3, $0x1A000, v11  }
.Ltmp8:
0x102: {  	v11 =	vsel vm4, $0x1A000, v11;
	(pc) =	sbr.rel @p3 .LBB2_11-.Ltmp8, $4  }
0x103: {  	[tilespmem:s6+$0x0] =	vst v11  }
0x104: {  	[spmem:s4] =	stream.indirect.scatter.add.s32 [tilespmem:s25], [sflag:$0x4], $0x1, s13, s9, $0x2000b8;
	[tilespmem:$0x1F3C8] =	vst v63  }
0x105: {  	_ = 	snop  }
0x106: {  	[spmem:s4] =	stream.indirect.scatter.add.s32 [tilespmem:s25], [sflag:$0x4], $0x1, s15, s9, $0x2000b8;
	[tilespmem:$0x1F3C8] =	vst v63  }
0x107: {  	_ =	swait.ge [sflag:s11], $0x80  }
0x108: {  	[sflag:s11] =	ssyncset.done $0x0  }
0x109: {  	[sflag:s11] =	ssyncadd.s32 $0xFFFFFF80  }
0x10a: {  	_ =	swait.ge [sflag:s11], $0x80  }
0x10b: {  	[sflag:s11] =	ssyncset.done $0x0  }
0x10c: {  	[sflag:s11] =	ssyncadd.s32 $0xFFFFFF80  }
.Ltmp9:
0x10d: {  	[bflag:$0x0] =	sbarrier.arrive $0xFFFF;
	(pc) =	sbr.rel @p2 .LBB2_19-.Ltmp9, $4  }
0x10e: {  	_ =	strace $0x9000004B  }
0x10f: {  	_ =	strace $0x8000004C  }
0x110: {  	s18 =	rddreg [dreg:$0x18]  }
0x111: {  	s8 =	simm.s32 $0x0;
	v11 =	vimm.s32 $0x0;
	s24 =	simm.s32 $0x0;
	s22 =	rddreg [dreg:$0x1a]  }
.LBB2_15:
0x112: {  	s10 =	sshll.u32 s8, $0xA  }
0x113: {  	s6 =	sadd.s32 s10, s22  }
0x114: {  	[tilespmem:s14], [sflag:$0x6] =	stream.linear.gather [spmem:s6], $0x400, $0x200038;
	[tilespmem:$0x1F3C8] =	vst v63  }
0x115: {  	_ =	swait.ge [sflag:s30], $0x400  }
0x116: {  	[sflag:s30] =	ssyncset.done $0x0  }
0x117: {  	s13 =	simm.s32 $0x0;
	s15 =	simm.s32 $0x40;
	[sflag:s30] =	ssyncadd.s32 $0xFFFFFC00  }
.LBB2_16:
0x118: {  	p3 =	sne.s32 s15, $0xFC0;
	v12 =	vld [tilespmem:s13+$0x1EE38];
	_ =	sdelay $0x4  }
0x119: {  	v13 =	vperm.xlane v12, v1  }
0x11a: {  	vm3 =	veq.s32 v2, $0x0  }
0x11b: {  	v13 =	vsel vm3, $0x0, v13  }
0x11c: {  	v12 =	vadd.s32 v12, v13  }
0x11d: {  	v13 =	vperm.xlane v12, v3;
	_ =	sdelay $0x1  }
0x11e: {  	v13 =	vsel vm0, $0x0, v13  }
0x11f: {  	v12 =	vadd.s32 v13, v12  }
0x120: {  	v13 =	vperm.xlane v12, v4;
	_ =	sdelay $0x1  }
0x121: {  	v13 =	vsel vm1, $0x0, v13  }
0x122: {  	v12 =	vadd.s32 v13, v12  }
0x123: {  	v13 =	vperm.xlane v12, v5  }
.Ltmp10:
0x124: {  	(pc) =	sbr.rel @p3 .LBB2_16-.Ltmp10, $4  }
0x125: {  	v13 =	vsel vm2, $0x0, v13  }
0x126: {  	v11 =	vadd.s32 v11, v13  }
0x127: {  	v11 =	vadd.s32 v12, v11  }
0x128: {  	[tilespmem:s13+$0x1EE38] =	vst v11;
	s13 =	sshra.s32 s15, $0x2;
	s15 =	sadd.s32 $0x40, s15;
	v11 =	vperm.xlane v11, v7  }
0x129: {  	v12 =	vld [tilespmem:s13+$0x1EE38];
	_ =	sdelay $0x4  }
0x12a: {  	v13 =	vperm.xlane v12, v1;
	_ =	sdelay $0x1  }
0x12b: {  	v13 =	vsel vm3, $0x0, v13  }
0x12c: {  	v12 =	vadd.s32 v12, v13  }
0x12d: {  	v13 =	vperm.xlane v12, v3;
	_ =	sdelay $0x1  }
0x12e: {  	v13 =	vsel vm0, $0x0, v13  }
0x12f: {  	v12 =	vadd.s32 v13, v12  }
0x130: {  	v13 =	vperm.xlane v12, v4;
	_ =	sdelay $0x1  }
0x131: {  	v13 =	vsel vm1, $0x0, v13  }
0x132: {  	v12 =	vadd.s32 v13, v12  }
0x133: {  	v13 =	vperm.xlane v12, v5;
	_ =	sdelay $0x1  }
0x134: {  	v13 =	vsel vm2, $0x0, v13  }
0x135: {  	s6 =	sadd.s32 s10, s18;
	s8 =	sadd.s32 $0x1, s8;
	v11 =	vadd.s32 v11, v13  }
0x136: {  	s6 =	sshrl.u32 s6, $0x3;
	p3 =	sne.s32 s8, $0xD;
	v11 =	vadd.s32 v12, v11  }
.Ltmp11:
0x137: {  	s6 =	sadd.s32 s12, s6;
	[tilespmem:s13+$0x1EE38] =	vst v11;
	(pc) =	sbr.rel @p3 .LBB2_15-.Ltmp11, $4  }
0x138: {  	[hbm4b:s6+s24] =	stream.linear.scatter [tilespmem:s14], [sflag:$0x6], $0x400, $0x200038;
	[tilespmem:$0x1F3C8] =	vst v63  }
0x139: {  	_ =	swait.ge [sflag:s30], $0x400  }
0x13a: {  	[sflag:s30] =	ssyncset.done $0x0  }
0x13b: {  	v11 =	vperm.xlane v11, v7;
	[sflag:s30] =	ssyncadd.s32 $0xFFFFFC00  }
0x13c: {  	_ = 	snop  }
0x13d: {  	s6 =	rddreg [dreg:$0x19];
	s8 =	simm.s32 $0x1F338;
	[tilespmem:$0x1F338] =	vst v11  }
0x13e: {  	[spmem:s6] =	stream.linear.scatter [tilespmem:s8], [sflag:$0x6], $0x10, $0x200038;
	[tilespmem:$0x1F3C8] =	vst v63  }
0x13f: {  	_ =	swait.ge [sflag:s30], $0x10  }
0x140: {  	[sflag:s30] =	ssyncset.done $0x0  }
0x141: {  	[sflag:s30] =	ssyncadd.s32 $0xFFFFFFF0  }
.LBB2_19:
0x142: {  	[bflag:$0x0] =	sbarrier.arrive $0xFFFF  }
0x143: {  	_ =	strace $0x9000004C  }
0x144: {  	s8 =	simm.s32 $0x1F238;
	s6 =	rddreg [dreg:$0x6]  }
0x145: {  	[tilespmem:s8], [sflag:$0x6] =	stream.linear.gather [spmem:s6], $0x100, $0x38;
	[tilespmem:$0x1F3C8] =	vst v63  }
0x146: {  	_ =	swait.ge [sflag:s30], $0x100  }
0x147: {  	[sflag:s30] =	ssyncset.done $0x0;
	v17 =	vld [tilespmem:$0x1FFF0]  }
0x148: {  	v62 =	vld [tilespmem:$0x1FFE0];
	[sflag:s30] =	ssyncadd.s32 $0xFFFFFF00  }
0x149: {  	v11 =	vld [tilespmem:$0x1F238]  }
0x14a: {  	v12 =	vld [tilespmem:$0x1F248]  }
0x14b: {  	v13 =	vld [tilespmem:$0x1F258]  }
0x14c: {  	v14 =	vld [tilespmem:$0x1F268]  }
0x14d: {  	v15 =	vld [tilespmem:$0x1F278]  }
0x14e: {  	v16 =	vld [tilespmem:$0x1F288];
	vm3 =	vnez.u8 v17  }
0x14f: {  	v52 =	vld [tilespmem:$0x1F298];
	v11 =	vsel vm3, v11, v12  }
0x150: {  	v53 =	vld [tilespmem:$0x1F2A8];
	v11 =	vsel vm0, v11, v13  }
0x151: {  	v54 =	vld [tilespmem:$0x1F2B8];
	v11 =	vsel vm5, v11, v14  }
0x152: {  	v55 =	vld [tilespmem:$0x1F2C8];
	v11 =	vsel vm1, v11, v15  }
0x153: {  	v56 =	vld [tilespmem:$0x1F2D8];
	v11 =	vsel vm6, v11, v16  }
0x154: {  	v57 =	vld [tilespmem:$0x1F2E8];
	v11 =	vsel vm7, v11, v52  }
0x155: {  	v58 =	vld [tilespmem:$0x1F2F8];
	v11 =	vsel vm8, v11, v53  }
0x156: {  	v59 =	vld [tilespmem:$0x1F308];
	v11 =	vsel vm2, v11, v54  }
0x157: {  	v60 =	vld [tilespmem:$0x1F318];
	v11 =	vsel vm9, v11, v55  }
0x158: {  	v61 =	vld [tilespmem:$0x1F328];
	v11 =	vsel vm10, v11, v56  }
0x159: {  	v11 =	vsel vm11, v11, v57  }
0x15a: {  	v11 =	vsel vm12, v11, v58  }
0x15b: {  	v11 =	vsel vm13, v11, v59  }
0x15c: {  	v11 =	vsel vm14, v11, v60  }
0x15d: {  	vm3 =	vnez.u8 v62;
	v11 =	vsel vm15, v11, v61  }
0x15e: {  	v11 =	vnsel vm3, $0x0, v11  }
0x15f: {  	v63 =	vperm.xlane v11, v6;
	_ =	sdelay $0x1  }
0x160: {  	v11 =	vadd.s32 v63, v11  }
0x161: {  	v12 =	vperm.xlane v11, v8;
	_ =	sdelay $0x1  }
0x162: {  	v11 =	vadd.s32 v12, v11  }
0x163: {  	_ =	strace $0x8000004D;
	v12 =	vperm.xlane v11, v9  }
0x164: {  	s15 =	rddreg [dreg:$0x14]  }
0x165: {  	s18 =	rddreg [dreg:$0x1b];
	v11 =	vadd.s32 v12, v11  }
0x166: {  	s10 =	simm.s32 $0x1DA38;
	s8 =	simm.s32 $0x0;
	s13 =	rddreg [dreg:$0x1e];
	v12 =	vperm.xlane v11, v10  }
0x167: {  	[tilespmem:s10], [sflag:$0x1] =	stream.linear.gather [hbm4b:s15+s8], $0x400, $0x200038;
	[tilespmem:$0x1F3C8] =	vst v63  }
0x168: {  	s22 =	simm.s32 $0x1E238;
	s10 =	sld [smem:$0x7FC];
	v12 =	vadd.s32 v0, v12  }
0x169: {  	[tilespmem:s22], [sflag:$0x1] =	stream.linear.gather [hbm4b:s18+s8], $0x400, $0x200038;
	v11 =	vadd.s32 v11, v12;
	[tilespmem:$0x1F3C8] =	vst v63  }
.LBB2_20:
0x16a: {  	_ =	swait.ge [sflag:s5], $0x400  }
0x16b: {  	[sflag:s5] =	ssyncset.done $0x0  }
0x16c: {  	s6 =	sand.u32 $0x1, s8;
	[sflag:s5] =	ssyncadd.s32 $0xFFFFFC00  }
0x16d: {  	p3 =	seq.s32 s8, $0xC;
	s15 =	sshll.u32 s6, $0xA;
	_ =	swait.ge [sflag:s5], $0x400  }
0x16e: {  	s6 =	sxor.u32 @!p3 $0x400, s15;
	[sflag:s5] =	ssyncset.done $0x0  }
0x16f: {  	s22 =	simm.s32 @!p3 $0x0;
	s18 =	sadd.s32 @!p3 $0x1DA38, s6;
	[sflag:s5] =	ssyncadd.s32 $0xFFFFFC00  }
0x170: {  	[tilespmem:s18], [sflag:$0x1] =	stream.linear.gather @!p3 [hbm4b:s13+s22], $0x400, $0x200038;
	[tilespmem:$0x1F3C8] =	vst v63  }
0x171: {  	s18 =	sshrl.u32 @!p3 s10, $0x3  }
0x172: {  	s6 =	sadd.s32 @!p3 $0x1E238, s6;
	s18 =	sadd.s32 @!p3 s12, s18  }
0x173: {  	[tilespmem:s6], [sflag:$0x1] =	stream.linear.gather @!p3 [hbm4b:s18+s22], $0x400, $0x200038;
	[tilespmem:$0x1F3C8] =	vst v63  }
0x174: {  	s18 =	sor.u32 $0x1DA38, s15  }
0x175: {  	[tilespmem:s26], [sflag:$0x2] =	stream.indirect.gather [hbm4b:s7+s9], $0x20, s18, s9, $0x2000b8;
	[tilespmem:$0x1F3C8] =	vst v63  }
0x176: {  	s22 =	sadd.s32 $0x1DAB8, s15  }
0x177: {  	[tilespmem:s16], [sflag:$0x3] =	stream.indirect.gather [hbm4b:s7+s9], $0x20, s22, s9, $0x2000b8;
	[tilespmem:$0x1F3C8] =	vst v63  }
0x178: {  	v12 =	vld [tilespmem:s15+$0x1E238];
	_ =	sdelay $0x4  }
0x179: {  	v12 =	vadd.s32 v11, v12  }
0x17a: {  	v12 =	vmin.u32 v12, $0xD000  }
0x17b: {  	[tilespmem:$0x1EA38] =	vst v12  }
0x17c: {  	v12 =	vld [tilespmem:s15+$0x1E248];
	_ =	sdelay $0x4  }
0x17d: {  	v12 =	vadd.s32 v11, v12  }
0x17e: {  	v12 =	vmin.u32 v12, $0xD000  }
0x17f: {  	[tilespmem:$0x1EA48] =	vst v12  }
0x180: {  	v12 =	vld [tilespmem:s15+$0x1E258];
	_ =	sdelay $0x4  }
0x181: {  	v12 =	vadd.s32 v11, v12  }
0x182: {  	v12 =	vmin.u32 v12, $0xD000  }
0x183: {  	[tilespmem:$0x1EA58] =	vst v12  }
0x184: {  	v12 =	vld [tilespmem:s15+$0x1E268];
	_ =	sdelay $0x4  }
0x185: {  	v12 =	vadd.s32 v11, v12  }
0x186: {  	v12 =	vmin.u32 v12, $0xD000  }
0x187: {  	[tilespmem:$0x1EA68] =	vst v12  }
0x188: {  	v12 =	vld [tilespmem:s15+$0x1E278];
	_ =	sdelay $0x4  }
0x189: {  	v12 =	vadd.s32 v11, v12  }
0x18a: {  	v12 =	vmin.u32 v12, $0xD000  }
0x18b: {  	[tilespmem:$0x1EA78] =	vst v12  }
0x18c: {  	v12 =	vld [tilespmem:s15+$0x1E288];
	_ =	sdelay $0x4  }
0x18d: {  	v12 =	vadd.s32 v11, v12  }
0x18e: {  	v12 =	vmin.u32 v12, $0xD000  }
0x18f: {  	[tilespmem:$0x1EA88] =	vst v12  }
0x190: {  	v12 =	vld [tilespmem:s15+$0x1E298];
	_ =	sdelay $0x4  }
0x191: {  	v12 =	vadd.s32 v11, v12  }
0x192: {  	v12 =	vmin.u32 v12, $0xD000  }
0x193: {  	[tilespmem:$0x1EA98] =	vst v12  }
0x194: {  	v12 =	vld [tilespmem:s15+$0x1E2A8];
	_ =	sdelay $0x4  }
0x195: {  	v12 =	vadd.s32 v11, v12  }
0x196: {  	v12 =	vmin.u32 v12, $0xD000  }
0x197: {  	[tilespmem:$0x1EAA8] =	vst v12  }
0x198: {  	_ =	swait.ge [sflag:s23], $0x1000  }
0x199: {  	[sflag:s23] =	ssyncset.done $0x0  }
0x19a: {  	[sflag:s23] =	ssyncadd.s32 $0xFFFFF000  }
0x19b: {  	[spmem:s3] =	stream.indirect.scatter.add.f32 [tilespmem:s26], [sflag:$0x4], $0x20, s31, s9, $0x2000b8;
	[tilespmem:$0x1F3C8] =	vst v63  }
0x19c: {  	_ =	swait.ge [sflag:s11], $0x1000  }
0x19d: {  	[sflag:s11] =	ssyncset.done $0x0  }
0x19e: {  	s18 =	sadd.s32 $0x1DB38, s15;
	[sflag:s11] =	ssyncadd.s32 $0xFFFFF000  }
0x19f: {  	[tilespmem:s26], [sflag:$0x2] =	stream.indirect.gather [hbm4b:s7+s9], $0x20, s18, s9, $0x2000b8;
	[tilespmem:$0x1F3C8] =	vst v63  }
0x1a0: {  	v57 =	vld [tilespmem:s15+$0x1E2B8];
	_ =	sdelay $0x4  }
0x1a1: {  	v12 =	vadd.s32 v11, v57  }
0x1a2: {  	v12 =	vmin.u32 v12, $0xD000  }
0x1a3: {  	[tilespmem:$0x1EAB8] =	vst v12  }
0x1a4: {  	v12 =	vld [tilespmem:s15+$0x1E2C8];
	_ =	sdelay $0x4  }
0x1a5: {  	v12 =	vadd.s32 v11, v12  }
0x1a6: {  	v12 =	vmin.u32 v12, $0xD000  }
0x1a7: {  	[tilespmem:$0x1EAC8] =	vst v12  }
0x1a8: {  	v12 =	vld [tilespmem:s15+$0x1E2D8];
	_ =	sdelay $0x4  }
0x1a9: {  	v12 =	vadd.s32 v11, v12  }
0x1aa: {  	v12 =	vmin.u32 v12, $0xD000  }
0x1ab: {  	[tilespmem:$0x1EAD8] =	vst v12  }
0x1ac: {  	v12 =	vld [tilespmem:s15+$0x1E2E8];
	_ =	sdelay $0x4  }
0x1ad: {  	v12 =	vadd.s32 v11, v12  }
0x1ae: {  	v12 =	vmin.u32 v12, $0xD000  }
0x1af: {  	[tilespmem:$0x1EAE8] =	vst v12  }
0x1b0: {  	v12 =	vld [tilespmem:s15+$0x1E2F8];
	_ =	sdelay $0x4  }
0x1b1: {  	v12 =	vadd.s32 v11, v12  }
0x1b2: {  	v12 =	vmin.u32 v12, $0xD000  }
0x1b3: {  	[tilespmem:$0x1EAF8] =	vst v12  }
0x1b4: {  	v12 =	vld [tilespmem:s15+$0x1E308];
	_ =	sdelay $0x4  }
0x1b5: {  	v12 =	vadd.s32 v11, v12  }
0x1b6: {  	v12 =	vmin.u32 v12, $0xD000  }
0x1b7: {  	[tilespmem:$0x1EB08] =	vst v12  }
0x1b8: {  	v12 =	vld [tilespmem:s15+$0x1E318];
	_ =	sdelay $0x4  }
0x1b9: {  	v12 =	vadd.s32 v11, v12  }
0x1ba: {  	v12 =	vmin.u32 v12, $0xD000  }
0x1bb: {  	[tilespmem:$0x1EB18] =	vst v12  }
0x1bc: {  	v12 =	vld [tilespmem:s15+$0x1E328];
	_ =	sdelay $0x4  }
0x1bd: {  	v12 =	vadd.s32 v11, v12  }
0x1be: {  	v12 =	vmin.u32 v12, $0xD000  }
0x1bf: {  	[tilespmem:$0x1EB28] =	vst v12  }
0x1c0: {  	_ =	swait.ge [sflag:s19], $0x1000  }
0x1c1: {  	[sflag:s19] =	ssyncset.done $0x0  }
0x1c2: {  	[sflag:s19] =	ssyncadd.s32 $0xFFFFF000  }
0x1c3: {  	[spmem:s3] =	stream.indirect.scatter.add.f32 [tilespmem:s16], [sflag:$0x5], $0x20, s1, s9, $0x2000b8;
	[tilespmem:$0x1F3C8] =	vst v63  }
0x1c4: {  	_ =	swait.ge [sflag:s20], $0x1000  }
0x1c5: {  	[sflag:s20] =	ssyncset.done $0x0  }
0x1c6: {  	s22 =	sadd.s32 $0x1DBB8, s15;
	[sflag:s20] =	ssyncadd.s32 $0xFFFFF000  }
0x1c7: {  	[tilespmem:s16], [sflag:$0x3] =	stream.indirect.gather [hbm4b:s7+s9], $0x20, s22, s9, $0x2000b8;
	[tilespmem:$0x1F3C8] =	vst v63  }
0x1c8: {  	v58 =	vld [tilespmem:s15+$0x1E338];
	_ =	sdelay $0x4  }
0x1c9: {  	v12 =	vadd.s32 v11, v58  }
0x1ca: {  	v12 =	vmin.u32 v12, $0xD000  }
0x1cb: {  	[tilespmem:$0x1EB38] =	vst v12  }
0x1cc: {  	v12 =	vld [tilespmem:s15+$0x1E348];
	_ =	sdelay $0x4  }
0x1cd: {  	v12 =	vadd.s32 v11, v12  }
0x1ce: {  	v12 =	vmin.u32 v12, $0xD000  }
0x1cf: {  	[tilespmem:$0x1EB48] =	vst v12  }
0x1d0: {  	v12 =	vld [tilespmem:s15+$0x1E358];
	_ =	sdelay $0x4  }
0x1d1: {  	v12 =	vadd.s32 v11, v12  }
0x1d2: {  	v12 =	vmin.u32 v12, $0xD000  }
0x1d3: {  	[tilespmem:$0x1EB58] =	vst v12  }
0x1d4: {  	v12 =	vld [tilespmem:s15+$0x1E368];
	_ =	sdelay $0x4  }
0x1d5: {  	v12 =	vadd.s32 v11, v12  }
0x1d6: {  	v12 =	vmin.u32 v12, $0xD000  }
0x1d7: {  	[tilespmem:$0x1EB68] =	vst v12  }
0x1d8: {  	v12 =	vld [tilespmem:s15+$0x1E378];
	_ =	sdelay $0x4  }
0x1d9: {  	v12 =	vadd.s32 v11, v12  }
0x1da: {  	v12 =	vmin.u32 v12, $0xD000  }
0x1db: {  	[tilespmem:$0x1EB78] =	vst v12  }
0x1dc: {  	v12 =	vld [tilespmem:s15+$0x1E388];
	_ =	sdelay $0x4  }
0x1dd: {  	v12 =	vadd.s32 v11, v12  }
0x1de: {  	v12 =	vmin.u32 v12, $0xD000  }
0x1df: {  	[tilespmem:$0x1EB88] =	vst v12  }
0x1e0: {  	v12 =	vld [tilespmem:s15+$0x1E398];
	_ =	sdelay $0x4  }
0x1e1: {  	v12 =	vadd.s32 v11, v12  }
0x1e2: {  	v12 =	vmin.u32 v12, $0xD000  }
0x1e3: {  	[tilespmem:$0x1EB98] =	vst v12  }
0x1e4: {  	v12 =	vld [tilespmem:s15+$0x1E3A8];
	_ =	sdelay $0x4  }
0x1e5: {  	v12 =	vadd.s32 v11, v12  }
0x1e6: {  	v12 =	vmin.u32 v12, $0xD000  }
0x1e7: {  	[tilespmem:$0x1EBA8] =	vst v12  }
0x1e8: {  	_ =	swait.ge [sflag:s23], $0x1000  }
0x1e9: {  	[sflag:s23] =	ssyncset.done $0x0  }
0x1ea: {  	s18 =	rddreg [dreg:$0x8];
	[sflag:s23] =	ssyncadd.s32 $0xFFFFF000  }
0x1eb: {  	[spmem:s3] =	stream.indirect.scatter.add.f32 [tilespmem:s26], [sflag:$0x4], $0x20, s18, s9, $0x2000b8;
	[tilespmem:$0x1F3C8] =	vst v63  }
0x1ec: {  	_ =	swait.ge [sflag:s11], $0x1000  }
0x1ed: {  	[sflag:s11] =	ssyncset.done $0x0  }
0x1ee: {  	s22 =	sadd.s32 $0x1DC38, s15;
	[sflag:s11] =	ssyncadd.s32 $0xFFFFF000  }
0x1ef: {  	[tilespmem:s26], [sflag:$0x2] =	stream.indirect.gather [hbm4b:s7+s9], $0x20, s22, s9, $0x2000b8;
	[tilespmem:$0x1F3C8] =	vst v63  }
0x1f0: {  	v59 =	vld [tilespmem:s15+$0x1E3B8];
	_ =	sdelay $0x4  }
0x1f1: {  	v12 =	vadd.s32 v11, v59  }
0x1f2: {  	v12 =	vmin.u32 v12, $0xD000  }
0x1f3: {  	[tilespmem:$0x1EBB8] =	vst v12  }
0x1f4: {  	v12 =	vld [tilespmem:s15+$0x1E3C8];
	_ =	sdelay $0x4  }
0x1f5: {  	v12 =	vadd.s32 v11, v12  }
0x1f6: {  	v12 =	vmin.u32 v12, $0xD000  }
0x1f7: {  	[tilespmem:$0x1EBC8] =	vst v12  }
0x1f8: {  	v12 =	vld [tilespmem:s15+$0x1E3D8];
	_ =	sdelay $0x4  }
0x1f9: {  	v12 =	vadd.s32 v11, v12  }
0x1fa: {  	v12 =	vmin.u32 v12, $0xD000  }
0x1fb: {  	[tilespmem:$0x1EBD8] =	vst v12  }
0x1fc: {  	v12 =	vld [tilespmem:s15+$0x1E3E8];
	_ =	sdelay $0x4  }
0x1fd: {  	v12 =	vadd.s32 v11, v12  }
0x1fe: {  	v12 =	vmin.u32 v12, $0xD000  }
0x1ff: {  	[tilespmem:$0x1EBE8] =	vst v12  }
0x200: {  	v12 =	vld [tilespmem:s15+$0x1E3F8];
	_ =	sdelay $0x4  }
0x201: {  	v12 =	vadd.s32 v11, v12  }
0x202: {  	v12 =	vmin.u32 v12, $0xD000  }
0x203: {  	[tilespmem:$0x1EBF8] =	vst v12  }
0x204: {  	v12 =	vld [tilespmem:s15+$0x1E408];
	_ =	sdelay $0x4  }
0x205: {  	v12 =	vadd.s32 v11, v12  }
0x206: {  	v12 =	vmin.u32 v12, $0xD000  }
0x207: {  	[tilespmem:$0x1EC08] =	vst v12  }
0x208: {  	v12 =	vld [tilespmem:s15+$0x1E418];
	_ =	sdelay $0x4  }
0x209: {  	v12 =	vadd.s32 v11, v12  }
0x20a: {  	v12 =	vmin.u32 v12, $0xD000  }
0x20b: {  	[tilespmem:$0x1EC18] =	vst v12  }
0x20c: {  	v12 =	vld [tilespmem:s15+$0x1E428];
	_ =	sdelay $0x4  }
0x20d: {  	v12 =	vadd.s32 v11, v12  }
0x20e: {  	v12 =	vmin.u32 v12, $0xD000  }
0x20f: {  	[tilespmem:$0x1EC28] =	vst v12  }
0x210: {  	_ =	swait.ge [sflag:s19], $0x1000  }
0x211: {  	[sflag:s19] =	ssyncset.done $0x0  }
0x212: {  	s18 =	rddreg [dreg:$0x9];
	[sflag:s19] =	ssyncadd.s32 $0xFFFFF000  }
0x213: {  	[spmem:s3] =	stream.indirect.scatter.add.f32 [tilespmem:s16], [sflag:$0x5], $0x20, s18, s9, $0x2000b8;
	[tilespmem:$0x1F3C8] =	vst v63  }
0x214: {  	_ =	swait.ge [sflag:s20], $0x1000  }
0x215: {  	[sflag:s20] =	ssyncset.done $0x0  }
0x216: {  	s22 =	sadd.s32 $0x1DCB8, s15;
	[sflag:s20] =	ssyncadd.s32 $0xFFFFF000  }
0x217: {  	[tilespmem:s16], [sflag:$0x3] =	stream.indirect.gather [hbm4b:s7+s9], $0x20, s22, s9, $0x2000b8;
	[tilespmem:$0x1F3C8] =	vst v63  }
0x218: {  	v60 =	vld [tilespmem:s15+$0x1E438];
	_ =	sdelay $0x4  }
0x219: {  	v12 =	vadd.s32 v11, v60  }
0x21a: {  	v12 =	vmin.u32 v12, $0xD000  }
0x21b: {  	[tilespmem:$0x1EC38] =	vst v12  }
0x21c: {  	v12 =	vld [tilespmem:s15+$0x1E448];
	_ =	sdelay $0x4  }
0x21d: {  	v12 =	vadd.s32 v11, v12  }
0x21e: {  	v12 =	vmin.u32 v12, $0xD000  }
0x21f: {  	[tilespmem:$0x1EC48] =	vst v12  }
0x220: {  	v12 =	vld [tilespmem:s15+$0x1E458];
	_ =	sdelay $0x4  }
0x221: {  	v12 =	vadd.s32 v11, v12  }
0x222: {  	v12 =	vmin.u32 v12, $0xD000  }
0x223: {  	[tilespmem:$0x1EC58] =	vst v12  }
0x224: {  	v12 =	vld [tilespmem:s15+$0x1E468];
	_ =	sdelay $0x4  }
0x225: {  	v12 =	vadd.s32 v11, v12  }
0x226: {  	v12 =	vmin.u32 v12, $0xD000  }
0x227: {  	[tilespmem:$0x1EC68] =	vst v12  }
0x228: {  	v12 =	vld [tilespmem:s15+$0x1E478];
	_ =	sdelay $0x4  }
0x229: {  	v12 =	vadd.s32 v11, v12  }
0x22a: {  	v12 =	vmin.u32 v12, $0xD000  }
0x22b: {  	[tilespmem:$0x1EC78] =	vst v12  }
0x22c: {  	v12 =	vld [tilespmem:s15+$0x1E488];
	_ =	sdelay $0x4  }
0x22d: {  	v12 =	vadd.s32 v11, v12  }
0x22e: {  	v12 =	vmin.u32 v12, $0xD000  }
0x22f: {  	[tilespmem:$0x1EC88] =	vst v12  }
0x230: {  	v12 =	vld [tilespmem:s15+$0x1E498];
	_ =	sdelay $0x4  }
0x231: {  	v12 =	vadd.s32 v11, v12  }
0x232: {  	v12 =	vmin.u32 v12, $0xD000  }
0x233: {  	[tilespmem:$0x1EC98] =	vst v12  }
0x234: {  	v12 =	vld [tilespmem:s15+$0x1E4A8];
	_ =	sdelay $0x4  }
0x235: {  	v12 =	vadd.s32 v11, v12  }
0x236: {  	v12 =	vmin.u32 v12, $0xD000  }
0x237: {  	[tilespmem:$0x1ECA8] =	vst v12  }
0x238: {  	_ =	swait.ge [sflag:s23], $0x1000  }
0x239: {  	[sflag:s23] =	ssyncset.done $0x0  }
0x23a: {  	s18 =	rddreg [dreg:$0xa];
	[sflag:s23] =	ssyncadd.s32 $0xFFFFF000  }
0x23b: {  	[spmem:s3] =	stream.indirect.scatter.add.f32 [tilespmem:s26], [sflag:$0x4], $0x20, s18, s9, $0x2000b8;
	[tilespmem:$0x1F3C8] =	vst v63  }
0x23c: {  	_ =	swait.ge [sflag:s11], $0x1000  }
0x23d: {  	[sflag:s11] =	ssyncset.done $0x0  }
0x23e: {  	s22 =	sadd.s32 $0x1DD38, s15;
	[sflag:s11] =	ssyncadd.s32 $0xFFFFF000  }
0x23f: {  	[tilespmem:s26], [sflag:$0x2] =	stream.indirect.gather [hbm4b:s7+s9], $0x20, s22, s9, $0x2000b8;
	[tilespmem:$0x1F3C8] =	vst v63  }
0x240: {  	v61 =	vld [tilespmem:s15+$0x1E4B8];
	_ =	sdelay $0x4  }
0x241: {  	v12 =	vadd.s32 v11, v61  }
0x242: {  	v12 =	vmin.u32 v12, $0xD000  }
0x243: {  	[tilespmem:$0x1ECB8] =	vst v12  }
0x244: {  	v12 =	vld [tilespmem:s15+$0x1E4C8];
	_ =	sdelay $0x4  }
0x245: {  	v12 =	vadd.s32 v11, v12  }
0x246: {  	v12 =	vmin.u32 v12, $0xD000  }
0x247: {  	[tilespmem:$0x1ECC8] =	vst v12  }
0x248: {  	v12 =	vld [tilespmem:s15+$0x1E4D8];
	_ =	sdelay $0x4  }
0x249: {  	v12 =	vadd.s32 v11, v12  }
0x24a: {  	v12 =	vmin.u32 v12, $0xD000  }
0x24b: {  	[tilespmem:$0x1ECD8] =	vst v12  }
0x24c: {  	v12 =	vld [tilespmem:s15+$0x1E4E8];
	_ =	sdelay $0x4  }
0x24d: {  	v12 =	vadd.s32 v11, v12  }
0x24e: {  	v12 =	vmin.u32 v12, $0xD000  }
0x24f: {  	[tilespmem:$0x1ECE8] =	vst v12  }
0x250: {  	v12 =	vld [tilespmem:s15+$0x1E4F8];
	_ =	sdelay $0x4  }
0x251: {  	v12 =	vadd.s32 v11, v12  }
0x252: {  	v12 =	vmin.u32 v12, $0xD000  }
0x253: {  	[tilespmem:$0x1ECF8] =	vst v12  }
0x254: {  	v12 =	vld [tilespmem:s15+$0x1E508];
	_ =	sdelay $0x4  }
0x255: {  	v12 =	vadd.s32 v11, v12  }
0x256: {  	v12 =	vmin.u32 v12, $0xD000  }
0x257: {  	[tilespmem:$0x1ED08] =	vst v12  }
0x258: {  	v12 =	vld [tilespmem:s15+$0x1E518];
	_ =	sdelay $0x4  }
0x259: {  	v12 =	vadd.s32 v11, v12  }
0x25a: {  	v12 =	vmin.u32 v12, $0xD000  }
0x25b: {  	[tilespmem:$0x1ED18] =	vst v12  }
0x25c: {  	v12 =	vld [tilespmem:s15+$0x1E528];
	_ =	sdelay $0x4  }
0x25d: {  	v12 =	vadd.s32 v11, v12  }
0x25e: {  	v12 =	vmin.u32 v12, $0xD000  }
0x25f: {  	[tilespmem:$0x1ED28] =	vst v12  }
0x260: {  	_ =	swait.ge [sflag:s19], $0x1000  }
0x261: {  	[sflag:s19] =	ssyncset.done $0x0  }
0x262: {  	s18 =	rddreg [dreg:$0xb];
	[sflag:s19] =	ssyncadd.s32 $0xFFFFF000  }
0x263: {  	[spmem:s3] =	stream.indirect.scatter.add.f32 [tilespmem:s16], [sflag:$0x5], $0x20, s18, s9, $0x2000b8;
	[tilespmem:$0x1F3C8] =	vst v63  }
0x264: {  	_ =	swait.ge [sflag:s20], $0x1000  }
0x265: {  	[sflag:s20] =	ssyncset.done $0x0  }
0x266: {  	s22 =	sadd.s32 $0x1DDB8, s15;
	[sflag:s20] =	ssyncadd.s32 $0xFFFFF000  }
0x267: {  	[tilespmem:s16], [sflag:$0x3] =	stream.indirect.gather [hbm4b:s7+s9], $0x20, s22, s9, $0x2000b8;
	[tilespmem:$0x1F3C8] =	vst v63  }
0x268: {  	v62 =	vld [tilespmem:s15+$0x1E538];
	_ =	sdelay $0x4  }
0x269: {  	v12 =	vadd.s32 v11, v62  }
0x26a: {  	v12 =	vmin.u32 v12, $0xD000  }
0x26b: {  	[tilespmem:$0x1ED38] =	vst v12  }
0x26c: {  	v12 =	vld [tilespmem:s15+$0x1E548];
	_ =	sdelay $0x4  }
0x26d: {  	v12 =	vadd.s32 v11, v12  }
0x26e: {  	v12 =	vmin.u32 v12, $0xD000  }
0x26f: {  	[tilespmem:$0x1ED48] =	vst v12  }
0x270: {  	v12 =	vld [tilespmem:s15+$0x1E558];
	_ =	sdelay $0x4  }
0x271: {  	v12 =	vadd.s32 v11, v12  }
0x272: {  	v12 =	vmin.u32 v12, $0xD000  }
0x273: {  	[tilespmem:$0x1ED58] =	vst v12  }
0x274: {  	v12 =	vld [tilespmem:s15+$0x1E568];
	_ =	sdelay $0x4  }
0x275: {  	v12 =	vadd.s32 v11, v12  }
0x276: {  	v12 =	vmin.u32 v12, $0xD000  }
0x277: {  	[tilespmem:$0x1ED68] =	vst v12  }
0x278: {  	v12 =	vld [tilespmem:s15+$0x1E578];
	_ =	sdelay $0x4  }
0x279: {  	v12 =	vadd.s32 v11, v12  }
0x27a: {  	v12 =	vmin.u32 v12, $0xD000  }
0x27b: {  	[tilespmem:$0x1ED78] =	vst v12  }
0x27c: {  	v12 =	vld [tilespmem:s15+$0x1E588];
	_ =	sdelay $0x4  }
0x27d: {  	v12 =	vadd.s32 v11, v12  }
0x27e: {  	v12 =	vmin.u32 v12, $0xD000  }
0x27f: {  	[tilespmem:$0x1ED88] =	vst v12  }
0x280: {  	v12 =	vld [tilespmem:s15+$0x1E598];
	_ =	sdelay $0x4  }
0x281: {  	v12 =	vadd.s32 v11, v12  }
0x282: {  	v12 =	vmin.u32 v12, $0xD000  }
0x283: {  	[tilespmem:$0x1ED98] =	vst v12  }
0x284: {  	v12 =	vld [tilespmem:s15+$0x1E5A8];
	_ =	sdelay $0x4  }
0x285: {  	v12 =	vadd.s32 v11, v12  }
0x286: {  	v12 =	vmin.u32 v12, $0xD000  }
0x287: {  	[tilespmem:$0x1EDA8] =	vst v12  }
0x288: {  	_ =	swait.ge [sflag:s23], $0x1000  }
0x289: {  	[sflag:s23] =	ssyncset.done $0x0  }
0x28a: {  	s18 =	rddreg [dreg:$0xc];
	[sflag:s23] =	ssyncadd.s32 $0xFFFFF000  }
0x28b: {  	[spmem:s3] =	stream.indirect.scatter.add.f32 [tilespmem:s26], [sflag:$0x4], $0x20, s18, s9, $0x2000b8;
	[tilespmem:$0x1F3C8] =	vst v63  }
0x28c: {  	v63 =	vld [tilespmem:s15+$0x1E5B8];
	_ =	sdelay $0x4  }
0x28d: {  	v12 =	vadd.s32 v11, v63  }
0x28e: {  	v12 =	vmin.u32 v12, $0xD000  }
0x28f: {  	[tilespmem:$0x1EDB8] =	vst v12  }
0x290: {  	v12 =	vld [tilespmem:s15+$0x1E5C8];
	_ =	sdelay $0x4  }
0x291: {  	v12 =	vadd.s32 v11, v12  }
0x292: {  	v12 =	vmin.u32 v12, $0xD000  }
0x293: {  	[tilespmem:$0x1EDC8] =	vst v12  }
0x294: {  	v12 =	vld [tilespmem:s15+$0x1E5D8];
	_ =	sdelay $0x4  }
0x295: {  	v12 =	vadd.s32 v11, v12  }
0x296: {  	v12 =	vmin.u32 v12, $0xD000  }
0x297: {  	[tilespmem:$0x1EDD8] =	vst v12  }
0x298: {  	v12 =	vld [tilespmem:s15+$0x1E5E8];
	_ =	sdelay $0x4  }
0x299: {  	v12 =	vadd.s32 v11, v12  }
0x29a: {  	v12 =	vmin.u32 v12, $0xD000  }
0x29b: {  	[tilespmem:$0x1EDE8] =	vst v12  }
0x29c: {  	v12 =	vld [tilespmem:s15+$0x1E5F8];
	_ =	sdelay $0x4  }
0x29d: {  	v12 =	vadd.s32 v11, v12  }
0x29e: {  	v12 =	vmin.u32 v12, $0xD000  }
0x29f: {  	[tilespmem:$0x1EDF8] =	vst v12  }
0x2a0: {  	v12 =	vld [tilespmem:s15+$0x1E608];
	_ =	sdelay $0x4  }
0x2a1: {  	v12 =	vadd.s32 v11, v12  }
0x2a2: {  	v12 =	vmin.u32 v12, $0xD000  }
0x2a3: {  	[tilespmem:$0x1EE08] =	vst v12  }
0x2a4: {  	v12 =	vld [tilespmem:s15+$0x1E618];
	_ =	sdelay $0x4  }
0x2a5: {  	v12 =	vadd.s32 v11, v12  }
0x2a6: {  	v12 =	vmin.u32 v12, $0xD000  }
0x2a7: {  	[tilespmem:$0x1EE18] =	vst v12  }
0x2a8: {  	v12 =	vld [tilespmem:s15+$0x1E628];
	_ =	sdelay $0x4  }
0x2a9: {  	v12 =	vadd.s32 v11, v12  }
0x2aa: {  	v12 =	vmin.u32 v12, $0xD000  }
0x2ab: {  	[tilespmem:$0x1EE28] =	vst v12  }
0x2ac: {  	_ =	swait.ge [sflag:s19], $0x1000  }
0x2ad: {  	[sflag:s19] =	ssyncset.done $0x0  }
0x2ae: {  	s8 =	sadd.s32 $0x1, s8;
	s22 =	rddreg [dreg:$0xd];
	[sflag:s19] =	ssyncadd.s32 $0xFFFFF000  }
0x2af: {  	[spmem:s3] =	stream.indirect.scatter.add.f32 [tilespmem:s16], [sflag:$0x5], $0x20, s22, s9, $0x2000b8;
	[tilespmem:$0x1F3C8] =	vst v63  }
0x2b0: {  	p3 =	sne.s32 s8, $0xD;
	_ =	swait.ge [sflag:s11], $0x1000  }
.Ltmp12:
0x2b1: {  	[sflag:s11] =	ssyncset.done $0x0;
	(pc) =	sbr.rel @p3 .LBB2_20-.Ltmp12, $4  }
0x2b2: {  	[sflag:s11] =	ssyncadd.s32 $0xFFFFF000  }
0x2b3: {  	_ =	swait.ge [sflag:s20], $0x1000  }
0x2b4: {  	[sflag:s20] =	ssyncset.done $0x0  }
0x2b5: {  	s13 =	sadd.s32 $0x80, s13;
	s10 =	sadd.s32 $0x400, s10;
	[sflag:s20] =	ssyncadd.s32 $0xFFFFF000  }
0x2b6: {  	[bflag:$0x0] =	sbarrier.arrive $0xFFFF  }
0x2b7: {  	_ =	strace $0x9000004D  }
0x2b8: {  	_ =	strace $0x8000004E  }
0x2b9: {  	s6 =	rddreg [dreg:$0x11]  }
0x2ba: {  	s22 =	sld [smem:$0x7FB]  }
0x2bb: {  	s10 =	sld [smem:$0x7FD]  }
0x2bc: {  	[tilespmem:s26], [sflag:$0x2] =	stream.linear.gather [spmem:s6], $0x1000, $0x200038;
	[tilespmem:$0x1F3C8] =	vst v63  }
0x2bd: {  	s8 =	simm.s32 $0x0;
	s13 =	rddreg [dreg:$0x1c]  }
0x2be: {  	[tilespmem:s16], [sflag:$0x3] =	stream.linear.gather [spmem:s22], $0x1000, $0x200038;
	[tilespmem:$0x1F3C8] =	vst v63  }
.LBB2_22:
0x2bf: {  	v11 =	vor.u32 s13, v2  }
0x2c0: {  	v11 =	vand.u32 $0xFFF, v11  }
0x2c1: {  	v12 =	vmov s13;
	v11 =	vmul.u32 $0x1A, v11  }
0x2c2: {  	s15 =	sshll.u32 s8, $0x8;
	v12 =	vshrl.u32 v12, $0xC  }
0x2c3: {  	s18 =	simm.s32 $0x40;
	s6 =	simm.s32 $0x0;
	s22 =	smov.u32 s13;
	v11 =	vadd.s32 v12, v11  }
.LBB2_23:
0x2c4: {  	p3 =	sne.s32 s18, $0x1C0  }
0x2c5: {  	[tilespmem:s6+$0x1EA38] =	vst v11;
	s22 =	sadd.s32 $0x10, s22;
	s6 =	smov.u32 s18;
	s18 =	sadd.s32 $0x40, s18  }
.Ltmp13:
0x2c6: {  	v11 =	vor.u32 s22, v2;
	(pc) =	sbr.rel @p3 .LBB2_23-.Ltmp13, $4  }
0x2c7: {  	v11 =	vand.u32 $0xFFF, v11  }
0x2c8: {  	v12 =	vmov s22;
	v11 =	vmul.u32 $0x1A, v11  }
0x2c9: {  	v12 =	vshrl.u32 v12, $0xC  }
0x2ca: {  	s6 =	sshra.s32 s6, $0x2;
	v11 =	vadd.s32 v12, v11  }
0x2cb: {  	[tilespmem:s6+$0x1EA38] =	vst v11  }
0x2cc: {  	_ =	swait.ge [sflag:s23], $0x1000  }
0x2cd: {  	p3 =	seq.s32 s8, $0xC;
	[sflag:s23] =	ssyncset.done $0x0  }
0x2ce: {  	s6 =	simm.s32 @!p3 $0x4;
	s18 =	sadd.s32 @!p3 s15, s28;
	[sflag:s23] =	ssyncadd.s32 $0xFFFFF000  }
0x2cf: {  	[hbm4b:s2+s9] =	stream.indirect.scatter [tilespmem:s26], [sflag:$0x4], $0x20, s31, s9, $0x2000b8;
	[tilespmem:$0x1F3C8] =	vst v63  }
0x2d0: {  	v11 =	vor.u32 s10, v2;
	s18 =	sshll.u32 @!p3 s18, $0x5;
	_ =	swait.ge @!p3 [sflag:s6], $0x1000  }
0x2d1: {  	v11 =	vand.u32 $0xFFF, v11;
	s18 =	sand.u32 @!p3 $0x3FFFFFE0, s18;
	[sflag:s6] =	ssyncset.done @!p3 $0x0  }
0x2d2: {  	v12 =	vmov s10;
	v11 =	vmul.u32 $0x1A, v11;
	[sflag:s6] =	ssyncadd.s32 @!p3 $0xFFFFF000;
	s6 =	sadd.s32 @!p3 s18, s3;
	s18 =	simm.s32 @!p3 $0x1BA38  }
0x2d3: {  	v12 =	vshrl.u32 v12, $0xC;
	[tilespmem:s18], [sflag:$0x2] =	stream.linear.gather @!p3 [spmem:s6], $0x1000, $0x200038;
	[tilespmem:$0x1F3C8] =	vst v63  }
0x2d4: {  	s22 =	smov.u32 s10;
	v11 =	vadd.s32 v12, v11;
	s18 =	simm.s32 $0x40;
	s6 =	simm.s32 $0x0  }
.LBB2_25:
0x2d5: {  	p4 =	sne.s32 s18, $0x1C0  }
0x2d6: {  	[tilespmem:s6+$0x1EAB8] =	vst v11;
	s22 =	sadd.s32 $0x10, s22;
	s6 =	smov.u32 s18;
	s18 =	sadd.s32 $0x40, s18  }
.Ltmp14:
0x2d7: {  	v11 =	vor.u32 s22, v2;
	(pc) =	sbr.rel @p4 .LBB2_25-.Ltmp14, $4  }
0x2d8: {  	v11 =	vand.u32 $0xFFF, v11  }
0x2d9: {  	v12 =	vmov s22;
	v11 =	vmul.u32 $0x1A, v11  }
0x2da: {  	v12 =	vshrl.u32 v12, $0xC  }
0x2db: {  	s6 =	sshra.s32 s6, $0x2;
	v11 =	vadd.s32 v12, v11  }
.Ltmp15:
0x2dc: {  	[tilespmem:s6+$0x1EAB8] =	vst v11;
	(pc) =	sbr.rel @p3 .LBB2_28-.Ltmp15, $4  }
0x2dd: {  	_ =	swait.ge [sflag:s19], $0x1000  }
0x2de: {  	[sflag:s19] =	ssyncset.done $0x0  }
0x2df: {  	[sflag:s19] =	ssyncadd.s32 $0xFFFFF000  }
0x2e0: {  	[hbm4b:s2+s9] =	stream.indirect.scatter [tilespmem:s16], [sflag:$0x5], $0x20, s1, s9, $0x2000b8;
	[tilespmem:$0x1F3C8] =	vst v63  }
.Ltmp16:
0x2e1: {  	s6 =	sadd.s32 s15, s29;
	(pc) =	sbr.rel .LBB2_22-.Ltmp16, $4  }
0x2e2: {  	_ =	swait.ge [sflag:s20], $0x1000;
	s8 =	sadd.s32 $0x1, s8;
	s6 =	sshll.u32 s6, $0x5  }
0x2e3: {  	s13 =	sadd.s32 $0x100, s13;
	[sflag:s20] =	ssyncset.done $0x0;
	s6 =	sand.u32 $0x3FFFFFE0, s6  }
0x2e4: {  	s10 =	sadd.s32 $0x100, s10;
	[sflag:s20] =	ssyncadd.s32 $0xFFFFF000;
	s6 =	sadd.s32 s6, s3  }
0x2e5: {  	[tilespmem:s16], [sflag:$0x3] =	stream.linear.gather [spmem:s6], $0x1000, $0x200038;
	[tilespmem:$0x1F3C8] =	vst v63  }
.LBB2_29:
0x2e6: {  	_ =	sfence.sel $0x180000  }
0x2e7: {  	[bflag:$0x0] =	sbarrier.arrive $0xFFFF  }
0x2e8: {  	_ =	strace $0x90000047  }
0x2e9: {  	[bflag:$0x2] =	sbarrier.arrive $0xFFFF  }
0x2ea: {  	s0 =	rddreg [dreg:$0x7]  }
0x2eb: {  	s0 =	sadd.s32 @!p0 $0x100000, s0  }
0x2ec: {  	[sflag:s0] =	ssyncadd.tile.s32 @!p0 $0x1;
	_ =	shalt  }
.Lfunc_end2:
_tile_overlayer_lowered:
.L_overlay_start_2:
0x2ed: {  	(tag) =	ssettag $0x2  }
0x2ee: {  	s0 =	rddreg [dreg:$0x0];
	s2 =	stileid.u32  }
0x2ef: {  	s1 =	rddreg [dreg:$0x1];
	p0 =	sne.s32 s2, $0x0  }
0x2f0: {  	s3 =	rddreg [dreg:$0x2];
	[bflag:$0x3] =	sbarrier.arrive $0xFFFF;
	s2 =	simm.s32 @!p0 $0x1C06  }
0x2f1: {  	[timem:s3], [sflag:s2] =	dma.local @!p0 [hbm:s0], s1  }
0x2f2: {  	s0 =	simm.s32 @!p0 $0x6  }
0x2f3: {  	_ =	swait.ge @!p0 [sflag:s0], s1  }
0x2f4: {  	s1 =	ssub.s32 @!p0 $0x0, s1;
	[sflag:s0] =	ssyncset.done @!p0 $0x0  }
0x2f5: {  	[sflag:s0] =	ssyncadd.s32 @!p0 s1  }
0x2f6: {  	[bflag:$0x3] =	sbarrier.arrive $0xFFFF  }
0x2f7: {  	_ =	shalt  }

</sc_bundles>
